<compile_context>
chip_gen: v7x
topology: tpu7x:2x2x1
jax: 0.10.2.dev20260603
libtpu: 0.0.44.dev20260713+nightly
codegen_flags: <defaults>
</compile_context>

<pallas_src>
import functools

import jax
import jax.numpy as jnp
from jax import lax
from jax.experimental import pallas as pl
from jax.experimental.pallas import tpu as pltpu
from jax.experimental.pallas import tpu_sc as plsc

B = 8
N = 1250
NP = 1280
D = 128
T = 10
TP = 16
HID = 16
E = 20000
NTOT = T + N
CROSS_PRUNE = 0.1
INNER_PRUNE = 0.3

QTILES = 4
EPT = E // QTILES
NBATCH = (EPT + 15) // 16
EBUF = EPT + 16


def _pre_body(x_ref, tok_ref, w1_ref, yt_ref, maskc_ref, cnt_ref):
    xg = x_ref[0]
    yt_ref[0] = lax.dot_general(w1_ref[...], xg, (((0,), (1,)), ((), ())),
                                preferred_element_type=jnp.float32)
    logits = lax.dot_general(tok_ref[...], xg, (((1,), (1,)), ((), ())),
                             preferred_element_type=jnp.float32)
    sig = jax.nn.sigmoid(logits)
    rowid = lax.broadcasted_iota(jnp.int32, (TP, NP), 0)
    colid = lax.broadcasted_iota(jnp.int32, (TP, NP), 1)
    m = (sig >= CROSS_PRUNE) & (rowid < T) & (colid < N)
    mf = m.astype(jnp.float32)
    maskc_ref[0] = mf
    cnt_ref[0] = mf.sum(axis=0, keepdims=True)


_pre_call = pl.pallas_call(
    _pre_body,
    grid=(B,),
    in_specs=[
        pl.BlockSpec((1, NP, D), lambda g: (g, 0, 0)),
        pl.BlockSpec((TP, D), lambda g: (0, 0)),
        pl.BlockSpec((D, HID), lambda g: (0, 0)),
    ],
    out_specs=[
        pl.BlockSpec((1, HID, NP), lambda g: (g, 0, 0)),
        pl.BlockSpec((1, TP, NP), lambda g: (g, 0, 0)),
        pl.BlockSpec((1, 1, NP), lambda g: (g, 0, 0)),
    ],
    out_shape=[
        jax.ShapeDtypeStruct((B, HID, NP), jnp.float32),
        jax.ShapeDtypeStruct((B, TP, NP), jnp.float32),
        jax.ShapeDtypeStruct((B, 1, NP), jnp.float32),
    ],
)


def _sc_body(ei_ref, yf_ref, cnt_ref, aggp_ref, misc_ref,
             src_v, dst_v, cnt_v, self_v, cc_v, dinv_v, s_v, tmp_v,
             yf_v, agg_v, spm):
    cid = lax.axis_index("c")
    sid = lax.axis_index("s")
    gl = sid // QTILES
    q = sid % QTILES
    g = cid * 4 + gl

    z16f = jnp.zeros((16,), jnp.float32)
    z16i = jnp.zeros((16,), jnp.int32)
    iota = lax.iota(jnp.int32, 16)
    ones = jnp.ones((16,), jnp.float32)

    src_v[pl.ds(EBUF - 16, 16)] = z16i
    dst_v[pl.ds(EBUF - 16, 16)] = z16i
    pltpu.sync_copy(ei_ref.at[pl.ds(2 * g * E + q * EPT, EPT)],
                    src_v.at[pl.ds(0, EPT)])
    pltpu.sync_copy(ei_ref.at[pl.ds((2 * g + 1) * E + q * EPT, EPT)],
                    dst_v.at[pl.ds(0, EPT)])
    pltpu.sync_copy(cnt_ref.at[pl.ds(g * NP, NP)], cc_v)
    pltpu.sync_copy(yf_ref.at[pl.ds(g * NP * HID, NP * HID)], yf_v)

    def _zero1(i, _):
        for k in range(8):
            ds = pl.ds((i * 8 + k) * 16, 16)
            cnt_v[ds] = z16f
            self_v[ds] = z16f
            s_v[ds] = z16f
        return 0
    lax.fori_loop(0, NP // 128, _zero1, 0)

    def _zero2(i, _):
        for k in range(8):
            agg_v[pl.ds((i * 8 + k) * 16, 16)] = z16f
        return 0
    lax.fori_loop(0, NP * HID // 128, _zero2, 0)

    NFULL = EPT // 16
    TAILB = NFULL * 16
    tailm = iota < (EPT - TAILB)

    @plsc.parallel_loop(0, NFULL, unroll=4)
    def _count(i):
        base = i * 16
        sv = src_v[pl.ds(base, 16)]
        dv = dst_v[pl.ds(base, 16)]
        plsc.addupdate_scatter(cnt_v, [dv], ones)
        plsc.addupdate_scatter(self_v, [dv], ones, mask=sv == dv)
    sv = src_v[pl.ds(TAILB, 16)]
    dv = dst_v[pl.ds(TAILB, 16)]
    plsc.addupdate_scatter(cnt_v, [dv], ones, mask=tailm)
    plsc.addupdate_scatter(self_v, [dv], ones, mask=tailm & (sv == dv))

    slot = (gl * QTILES + q) * 2
    pltpu.sync_copy(cnt_v, spm.at[pl.ds(slot * NP, NP)])
    pltpu.sync_copy(self_v, spm.at[pl.ds((slot + 1) * NP, NP)])
    plsc.subcore_barrier()

    lax.fori_loop(0, NP // 128, _zero1, 0)
    for qq in range(QTILES):
        qslot = (gl * QTILES + qq) * 2
        pltpu.sync_copy(spm.at[pl.ds(qslot * NP, NP)], tmp_v)

        def _acc_c(i, _):
            for k in range(8):
                ds = pl.ds((i * 8 + k) * 16, 16)
                cnt_v[ds] = cnt_v[ds] + tmp_v[ds]
            return 0
        lax.fori_loop(0, NP // 128, _acc_c, 0)
        pltpu.sync_copy(spm.at[pl.ds((qslot + 1) * NP, NP)], tmp_v)

        def _acc_s(i, _):
            for k in range(8):
                ds = pl.ds((i * 8 + k) * 16, 16)
                self_v[ds] = self_v[ds] + tmp_v[ds]
            return 0
        lax.fori_loop(0, NP // 128, _acc_s, 0)

    def _dinv(i, _):
        ds = pl.ds(i * 16, 16)
        d = cc_v[ds] + cnt_v[ds] + jnp.where(self_v[ds] == 0.0, 1.0, 0.0)
        bits = plsc.bitcast(d, jnp.int32)
        y = plsc.bitcast(jnp.int32(0x5F3759DF) - (bits >> 1), jnp.float32)
        for _ in range(3):
            y = y * (1.5 - 0.5 * d * y * y)
        dinv_v[ds] = y
        return 0
    lax.fori_loop(0, NP // 16, _dinv, 0)

    @plsc.parallel_loop(0, NP // 16, unroll=2)
    def _scale(i):
        dchunk = dinv_v[pl.ds(i * 16, 16)]
        for f in range(HID):
            ds = pl.ds(f * NP + i * 16, 16)
            yf_v[ds] = yf_v[ds] * dchunk

    def _edge_batch(base, mask):
        sv = src_v[pl.ds(base, 16)]
        dv = dst_v[pl.ds(base, 16)]
        ddst = plsc.load_gather(dinv_v, [dv])
        vals = [plsc.load_gather(yf_v.at[pl.ds(f * NP, NP)], [sv])
                for f in range(HID)]
        plsc.addupdate_scatter(s_v, [sv], ddst, mask=mask)
        for f in range(HID):
            plsc.addupdate_scatter(agg_v.at[pl.ds(f * NP, NP)], [dv], vals[f],
                                   mask=mask)

    @plsc.parallel_loop(0, NFULL, unroll=2)
    def _edges(i):
        _edge_batch(i * 16, None)
    _edge_batch(TAILB, tailm)

    pltpu.sync_copy(agg_v, aggp_ref.at[pl.ds((g * QTILES + q) * NP * HID, NP * HID)])
    pltpu.sync_copy(s_v, misc_ref.at[pl.ds((g * 8 + q) * NP, NP)])

    @pl.when(q == 0)
    def _():
        pltpu.sync_copy(dinv_v, misc_ref.at[pl.ds((g * 8 + 4) * NP, NP)])

        def _selfz(i, _):
            ds = pl.ds(i * 16, 16)
            tmp_v[ds] = jnp.where(self_v[ds] == 0.0, 1.0, 0.0)
            return 0
        lax.fori_loop(0, NP // 16, _selfz, 0)
        pltpu.sync_copy(tmp_v, misc_ref.at[pl.ds((g * 8 + 5) * NP, NP)])


@functools.cache
def _make_sc_call():
  return functools.partial(
    pl.kernel,
    out_type=[
        jax.ShapeDtypeStruct((B * QTILES * NP * HID,), jnp.float32),
        jax.ShapeDtypeStruct((B * 8 * NP,), jnp.float32),
    ],
    mesh=plsc.VectorSubcoreMesh(core_axis_name="c", subcore_axis_name="s",
                                num_cores=2, num_subcores=16),
    compiler_params=pltpu.CompilerParams(needs_layout_passes=False),
    scratch_types=[
        pltpu.VMEM((EBUF,), jnp.int32),
        pltpu.VMEM((EBUF,), jnp.int32),
        pltpu.VMEM((NP,), jnp.float32),
        pltpu.VMEM((NP,), jnp.float32),
        pltpu.VMEM((NP,), jnp.float32),
        pltpu.VMEM((NP,), jnp.float32),
        pltpu.VMEM((NP,), jnp.float32),
        pltpu.VMEM((NP,), jnp.float32),
        pltpu.VMEM((NP * HID,), jnp.float32),
        pltpu.VMEM((NP * HID,), jnp.float32),
        pltpu.VMEM_SHARED((4 * QTILES * 2 * NP,), jnp.float32),
    ],
  )(_sc_body)


def _post_body(aggp_ref, misc_ref, maskc_ref, yt_ref, ztok_ref, htok_ref,
               dtok_ref, stok_ref, b1_ref, w2_ref, b2_ref, w3_ref, b3_ref,
               out_ref):
    aggt = aggp_ref[0].sum(axis=0)
    misc = misc_ref[0]
    dinv2 = misc[4:5]
    selfz2 = misc[5:6]
    s_tot = misc[0:1] + misc[1:2] + misc[2:3] + misc[3:4] + selfz2 * dinv2
    maskc = maskc_ref[0]
    ytg = yt_ref[0]
    agg_cross = lax.dot_general(ztok_ref[...], maskc, (((0,), (0,)), ((), ())),
                                preferred_element_type=jnp.float32)
    aggs = aggt + agg_cross + (selfz2 * dinv2) * ytg
    pre = dinv2 * aggs + b1_ref[...]
    colmask = (lax.broadcasted_iota(jnp.int32, (1, NP), 1) < N)
    h = jnp.maximum(pre, 0.0) * colmask.astype(jnp.float32)
    c_node = dinv2 * s_tot
    w_node = lax.dot_general(c_node, h, (((1,), (1,)), ((), ())),
                             preferred_element_type=jnp.float32)
    stc = lax.dot_general(dinv2, maskc, (((1,), (1,)), ((), ())),
                          preferred_element_type=jnp.float32)
    c_tok = dtok_ref[...] * (stok_ref[...] + stc)
    w_tok = lax.dot_general(c_tok, htok_ref[...], (((1,), (0,)), ((), ())),
                            preferred_element_type=jnp.float32)
    w = w_node + w_tok
    emb = lax.dot_general(w, w2_ref[...], (((1,), (0,)), ((), ())),
                          preferred_element_type=jnp.float32) / NTOT + b2_ref[...]
    logits = lax.dot_general(emb, w3_ref[...], (((1,), (0,)), ((), ())),
                             preferred_element_type=jnp.float32) + b3_ref[...]
    mx = jnp.max(logits, axis=1, keepdims=True)
    p = jnp.exp(logits - mx)
    out_ref[0] = p / jnp.sum(p, axis=1, keepdims=True)


_post_call = pl.pallas_call(
    _post_body,
    grid=(B,),
    in_specs=[
        pl.BlockSpec((1, QTILES, HID, NP), lambda g: (g, 0, 0, 0)),
        pl.BlockSpec((1, 8, NP), lambda g: (g, 0, 0)),
        pl.BlockSpec((1, TP, NP), lambda g: (g, 0, 0)),
        pl.BlockSpec((1, HID, NP), lambda g: (g, 0, 0)),
        pl.BlockSpec((TP, HID), lambda g: (0, 0)),
        pl.BlockSpec((TP, HID), lambda g: (0, 0)),
        pl.BlockSpec((1, TP), lambda g: (0, 0)),
        pl.BlockSpec((1, TP), lambda g: (0, 0)),
        pl.BlockSpec((HID, 1), lambda g: (0, 0)),
        pl.BlockSpec((HID, HID), lambda g: (0, 0)),
        pl.BlockSpec((1, HID), lambda g: (0, 0)),
        pl.BlockSpec((HID, 128), lambda g: (0, 0)),
        pl.BlockSpec((1, 128), lambda g: (0, 0)),
    ],
    out_specs=pl.BlockSpec((1, 1, 128), lambda g: (g, 0, 0)),
    out_shape=jax.ShapeDtypeStruct((B, 1, 128), jnp.float32),
)


def kernel(x, edge_index, tokens, W1, b1, W2, b2, W3, b3):
    xp = jnp.pad(x, ((0, 0), (0, NP - N), (0, 0)))
    tokp = jnp.pad(tokens, ((0, TP - T), (0, 0)))

    inner = (jax.nn.sigmoid(tokens @ tokens.T) >= INNER_PRUNE).astype(jnp.float32)
    M = inner.T
    deg_tok = M.sum(axis=1)
    dinv_tok = jnp.where(deg_tok > 0, deg_tok ** -0.5, 0.0)
    ztok = dinv_tok[:, None] * (tokens @ W1)
    htok = jax.nn.relu(dinv_tok[:, None] * (M @ ztok) + b1)
    stok_inner = M.T @ dinv_tok

    ztokp = jnp.pad(ztok, ((0, TP - T), (0, 0)))
    htokp = jnp.pad(htok, ((0, TP - T), (0, 0)))
    dtokp = jnp.pad(dinv_tok, (0, TP - T))[None, :]
    stokp = jnp.pad(stok_inner, (0, TP - T))[None, :]
    w3p = jnp.pad(W3, ((0, 0), (0, 128 - W3.shape[1])))
    b3p = jnp.pad(b3, (0, 128 - b3.shape[0]), constant_values=-1e30)[None, :]
    b1r = b1[:, None]
    b2r = b2[None, :]

    yt = jnp.einsum('df,bnd->bfn', W1, xp)
    logits_d = jnp.einsum('td,bnd->btn', tokp, xp)
    rowid = jnp.arange(TP)[None, :, None]
    colid = jnp.arange(NP)[None, None, :]
    maskc = ((jax.nn.sigmoid(logits_d) >= CROSS_PRUNE) & (rowid < T) & (colid < N)).astype(jnp.float32)
    cnt_cross = maskc.sum(axis=1, keepdims=True)
    yf = yt.reshape(B * NP * HID)
    aggp, misc = _make_sc_call()(edge_index.reshape(-1), yf,
                                 cnt_cross.reshape(-1))
    aggp = aggp.reshape(B, QTILES, HID, NP)
    misc = misc.reshape(B, 8, NP)
    aggt = aggp.sum(axis=1)
    dinv2 = misc[:, 4:5]
    selfz2 = misc[:, 5:6]
    s_tot = misc[:, 0:1] + misc[:, 1:2] + misc[:, 2:3] + misc[:, 3:4] + selfz2 * dinv2
    agg_cross = jnp.einsum('tf,btn->bfn', ztokp, maskc)
    aggs = aggt + agg_cross + (selfz2 * dinv2) * yt
    pre = dinv2 * aggs + b1r[None]
    colmask = (jnp.arange(NP) < N)[None, None, :]
    h = jnp.where(colmask, jnp.maximum(pre, 0.0), 0.0)
    c_node = dinv2 * s_tot
    w_node = jnp.einsum('bin,bfn->bif', c_node, h)[:, 0]
    stc = jnp.einsum('bin,btn->bit', dinv2, maskc)[:, 0]
    c_tok = dtokp * (stokp + stc)
    w_tok = c_tok @ htokp
    w = w_node + w_tok
    emb = (w @ W2) / NTOT + b2r
    logits2 = emb @ W3 + b3[None]
    return jax.nn.softmax(logits2, axis=1)

# --- scband reference (transcript-rebuilt; emitter-appended) ---
"""Pipeline reference for scband-pipeline-13572096656017 (READ-ONLY COPY).

The authoritative reference and input builder live on the scoring server;
editing this copy changes nothing except your own understanding.
"""

import jax, jax.numpy as jnp
import numpy as np

B = 8
N_PER_G = 1250
D = 128
E_PER_G = 20000
T = 10
HID = 16
NUM_CLASSES = 2
CROSS_PRUNE = 0.1
INNER_PRUNE = 0.3

def _glorot(key, shape):
    lim = float(np.sqrt(6.0 / (shape[0] + shape[1])))
    return jax.random.uniform(key, shape, minval=-lim, maxval=lim, dtype=jnp.float32)

def setup_inputs(seed: int = 0):
    key = jax.random.key(seed)
    ks = jax.random.split(key, 9)
    x = jax.random.normal(ks[0], (B, N_PER_G, D), dtype=jnp.float32)
    edge_index = jax.random.randint(ks[1], (B, 2, E_PER_G), 0, N_PER_G, dtype=jnp.int32)
    a = 0.01
    gain = float(np.sqrt(2.0 / (1.0 + a * a)))
    bound = gain * float(np.sqrt(3.0 / D))
    tokens = jax.random.uniform(ks[2], (T, D), minval=-bound, maxval=bound, dtype=jnp.float32)
    W1 = _glorot(ks[3], (D, HID)); b1 = jnp.zeros((HID,), jnp.float32)
    W2 = _glorot(ks[4], (HID, HID)); b2 = jnp.zeros((HID,), jnp.float32)
    W3 = _glorot(ks[5], (HID, NUM_CLASSES)); b3 = jnp.zeros((NUM_CLASSES,), jnp.float32)
    return {"x": x, "edge_index": edge_index, "tokens": tokens,
            "W1": W1, "b1": b1, "W2": W2, "b2": b2, "W3": W3, "b3": b3}

def _gcn_dense(A, X, W, b):
    # GCNConv: symmetric norm with in-degree (incl. self-loops), linear, aggregate, bias
    deg = A.sum(axis=1)
    dinv = jnp.where(deg > 0, deg ** -0.5, 0.0)
    An = dinv[:, None] * A * dinv[None, :]
    return An @ (X @ W) + b

def reference(x, edge_index, tokens, W1, b1, W2, b2, W3, b3):
    # HeavyPrompt.inner_structure_update: inner token graph from pruned sigmoid similarity
    token_sim = jax.nn.sigmoid(tokens @ tokens.T)
    inner_mask = (token_sim >= INNER_PRUNE).astype(jnp.float32)
    Ntot = T + N_PER_G
    idx = jnp.arange(Ntot)

    def per_graph(xg, eg):
        # cross edges: token i -> node j where sigmoid(token_i . x_j) >= cross_prune
        cross_sim = jax.nn.sigmoid(tokens @ xg.T)
        cross_mask = (cross_sim >= CROSS_PRUNE).astype(jnp.float32)
        # dense adjacency A[dst, src] of the prompted graph
        A = jnp.zeros((Ntot, Ntot), dtype=jnp.float32)
        A = A.at[:T, :T].set(inner_mask.T)      # inner edges (i->j) => A[j, i]
        A = A.at[T:, :T].set(cross_mask.T)      # cross edges (token i -> node j+T)
        src = eg[0] + T
        dst = eg[1] + T
        A = A.at[dst, src].add(1.0)             # original graph edges (with multiplicity)
        # add_remaining_self_loops: self-loop weight 1 only where diagonal is zero
        d = jnp.diagonal(A)
        A = A.at[idx, idx].set(jnp.where(d > 0, d, 1.0))
        X = jnp.concatenate([tokens, xg], axis=0)
        # GNN forward (eval mode: dropout = identity; act = relu)
        h = jax.nn.relu(_gcn_dense(A, X, W1, b1))
        node_emb = _gcn_dense(A, h, W2, b2)
        return node_emb.mean(axis=0)            # global_mean_pool per graph

    graph_emb = jax.vmap(per_graph)(x, edge_index)
    logits = graph_emb @ W3 + b3                # answering head
    return jax.nn.softmax(logits, axis=1)

if __name__ == "__main__":
    import jax
    _d = setup_inputs()
    print(jax.jit(kernel)(*tuple(_d.values())))

</pallas_src>

<mosaic_0001>
#map = affine_map<(d0, d1) -> (0)>
module attributes {stable_mosaic.version = 14 : i64} {
  func.func @_sc_body(%arg0: i32, %arg1: i32, %arg2: memref<320000xi32, #tpu.memory_space<hbm>>, %arg3: memref<163840xf32, #tpu.memory_space<hbm>>, %arg4: memref<10240xf32, #tpu.memory_space<hbm>>, %arg5: memref<655360xf32, #tpu.memory_space<hbm>>, %arg6: memref<81920xf32, #tpu.memory_space<hbm>>, %arg7: memref<5016xi32, #tpu.memory_space<vmem>>, %arg8: memref<5016xi32, #tpu.memory_space<vmem>>, %arg9: memref<1280xf32, #tpu.memory_space<vmem>>, %arg10: memref<1280xf32, #tpu.memory_space<vmem>>, %arg11: memref<1280xf32, #tpu.memory_space<vmem>>, %arg12: memref<1280xf32, #tpu.memory_space<vmem>>, %arg13: memref<1280xf32, #tpu.memory_space<vmem>>, %arg14: memref<1280xf32, #tpu.memory_space<vmem>>, %arg15: memref<20480xf32, #tpu.memory_space<vmem>>, %arg16: memref<20480xf32, #tpu.memory_space<vmem>>, %arg17: memref<40960xf32, #tpu.memory_space<vmem_shared>>) attributes {dimension_semantics = [#tpu.dimension_semantics<core_parallel>, #tpu.dimension_semantics<subcore_parallel>], iteration_bounds = array<i64: 2, 16>, scalar_prefetch = 0 : i64, scratch_operands = 11 : i64, tpu.core_type = #tpu.core_type<sc_vector_subcore>, window_params = [{transform_indices = #map}, {transform_indices = #map}, {transform_indices = #map}, {transform_indices = #map}, {transform_indices = #map}]} {
    %jit3A = arith.constant 4 : i32
    %div3A = arith.divsi %arg1, %jit3A : i32
    %sign3A = arith.constant 0 : i32
    %sign3A_0 = arith.cmpi sgt, %arg1, %sign3A : i32
    %sign3A_1 = arith.extui %sign3A_0 : i1 to i32
    %sign3A_2 = arith.constant 0 : i32
    %sign3A_3 = arith.cmpi slt, %arg1, %sign3A_2 : i32
    %sign3A_4 = arith.extui %sign3A_3 : i1 to i32
    %sign3A_5 = arith.subi %sign3A_1, %sign3A_4 : i32
    %sign3A_6 = arith.constant 0 : i32
    %sign3A_7 = arith.cmpi sgt, %jit3A, %sign3A_6 : i32
    %sign3A_8 = arith.extui %sign3A_7 : i1 to i32
    %sign3A_9 = arith.constant 0 : i32
    %sign3A_10 = arith.cmpi slt, %jit3A, %sign3A_9 : i32
    %sign3A_11 = arith.extui %sign3A_10 : i1 to i32
    %sign3A_12 = arith.subi %sign3A_8, %sign3A_11 : i32
    %ne3A = arith.cmpi ne, %sign3A_5, %sign3A_12 : i32
    %rem3A = arith.remsi %arg1, %jit3A : i32
    %ne3A_13 = arith.constant 0 : i32
    %ne3A_14 = arith.cmpi ne, %rem3A, %ne3A_13 : i32
    %and3A = arith.andi %ne3A, %ne3A_14 : i1
    %sub3A = arith.constant 1 : i32
    %sub3A_15 = arith.subi %div3A, %sub3A : i32
    %select_n3A = arith.select %and3A, %sub3A_15, %div3A : i32
    %jit3A_16 = arith.constant 4 : i32
    %eq3A = arith.constant 0 : i32
    %eq3A_17 = arith.cmpi eq, %jit3A_16, %eq3A : i32
    %jit3A_18 = arith.constant 1 : i32
    %select_n3A_19 = arith.select %eq3A_17, %jit3A_18, %jit3A_16 : i32
    %rem3A_20 = arith.remsi %arg1, %select_n3A_19 : i32
    %ne3A_21 = arith.constant 0 : i32
    %ne3A_22 = arith.cmpi ne, %rem3A_20, %ne3A_21 : i32
    %lt3A = arith.constant 0 : i32
    %lt3A_23 = arith.cmpi slt, %rem3A_20, %lt3A : i32
    %lt3A_24 = arith.constant 0 : i32
    %lt3A_25 = arith.cmpi slt, %select_n3A_19, %lt3A_24 : i32
    %ne3A_26 = arith.xori %lt3A_23, %lt3A_25 : i1
    %and3A_27 = arith.andi %ne3A_26, %ne3A_22 : i1
    %add3A = arith.addi %rem3A_20, %select_n3A_19 : i32
    %select_n3A_28 = arith.select %and3A_27, %add3A, %rem3A_20 : i32
    %mul3A = arith.constant 4 : i32
    %mul3A_29 = arith.muli %arg0, %mul3A : i32
    %add3A_30 = arith.addi %mul3A_29, %select_n3A : i32
    %broadcast_in_dim3A = arith.constant 0.000000e+00 : f32
    %broadcast_in_dim3A_31 = vector.broadcast %broadcast_in_dim3A : f32 to vector<16xf32>
    %broadcast_in_dim3A_32 = arith.constant 0 : i32
    %broadcast_in_dim3A_33 = vector.broadcast %broadcast_in_dim3A_32 : i32 to vector<16xi32>
    %iota3A = tpu.iota {dimensions = array<i32: 0>} : vector<16xi32>
    %broadcast_in_dim3A_34 = arith.constant 1.000000e+00 : f32
    %broadcast_in_dim3A_35 = vector.broadcast %broadcast_in_dim3A_34 : f32 to vector<16xf32>
    %swap3A = arith.constant 5000 : index
    %swap3A_36 = tpu.vector_load %arg7[%swap3A] {strides = array<i32>} : memref<5016xi32, #tpu.memory_space<vmem>>, vector<16xi32>,
    tpu.vector_store %arg7[%swap3A], %broadcast_in_dim3A_33 {strides = array<i32>} : memref<5016xi32, #tpu.memory_space<vmem>>, vector<16xi32>,
    %swap3A_37 = arith.constant 5000 : index
    %swap3A_38 = tpu.vector_load %arg8[%swap3A_37] {strides = array<i32>} : memref<5016xi32, #tpu.memory_space<vmem>>, vector<16xi32>,
    tpu.vector_store %arg8[%swap3A_37], %broadcast_in_dim3A_33 {strides = array<i32>} : memref<5016xi32, #tpu.memory_space<vmem>>, vector<16xi32>,
    %mul3A_39 = arith.constant 2 : i32
    %mul3A_40 = arith.muli %mul3A_39, %add3A_30 : i32
    %mul3A_41 = arith.constant 20000 : i32
    %mul3A_42 = arith.muli %mul3A_40, %mul3A_41 : i32
    %mul3A_43 = arith.constant 5000 : i32
    %mul3A_44 = arith.muli %select_n3A_28, %mul3A_43 : i32
    %add3A_45 = arith.addi %mul3A_42, %mul3A_44 : i32
    "tpu.region"() ({
      %run_scoped3A = tpu.sem_alloc : memref<!tpu.dma_semaphore, #tpu.memory_space<semaphore_mem>>
      %dma_start3A = arith.constant 0 : i32
      %dma_start3A_317 = tpu.memref_slice %arg7[%dma_start3A] : memref<5016xi32, #tpu.memory_space<vmem>> -> memref<5000xi32, #tpu.memory_space<vmem>>
      %dma_start3A_318 = tpu.memref_slice %arg2[%add3A_45] : memref<320000xi32, #tpu.memory_space<hbm>> -> memref<5000xi32, #tpu.memory_space<hbm>>
      %dma_start3A_319 = arith.constant 0 : i32
      %dma_start3A_320 = tpu.memref_slice %arg7[%dma_start3A_319] : memref<5016xi32, #tpu.memory_space<vmem>> -> memref<5000xi32, #tpu.memory_space<vmem>>
      %dma_start3A_321 = tpu.memref_slice %arg2[%add3A_45] : memref<320000xi32, #tpu.memory_space<hbm>> -> memref<5000xi32, #tpu.memory_space<hbm>>
      tpu.enqueue_dma source(%dma_start3A_321 : memref<5000xi32, #tpu.memory_space<hbm>>) target(%dma_start3A_320 : memref<5000xi32, #tpu.memory_space<vmem>>) target_semaphore(%run_scoped3A : memref<!tpu.dma_semaphore, #tpu.memory_space<semaphore_mem>>)
      %dma_wait3A = arith.constant 0 : i32
      %dma_wait3A_322 = tpu.memref_slice %arg7[%dma_wait3A] : memref<5016xi32, #tpu.memory_space<vmem>> -> memref<5000xi32, #tpu.memory_space<vmem>>
      %dma_wait3A_323 = tpu.memref_slice %arg2[%add3A_45] : memref<320000xi32, #tpu.memory_space<hbm>> -> memref<5000xi32, #tpu.memory_space<hbm>>
      %dma_wait3A_324 = arith.constant 0 : i32
      %dma_wait3A_325 = tpu.memref_slice %arg7[%dma_wait3A_324] : memref<5016xi32, #tpu.memory_space<vmem>> -> memref<5000xi32, #tpu.memory_space<vmem>>
      %dma_wait3A_326 = tpu.memref_slice %arg2[%add3A_45] : memref<320000xi32, #tpu.memory_space<hbm>> -> memref<5000xi32, #tpu.memory_space<hbm>>
      tpu.wait_dma2 semaphore(%run_scoped3A : memref<!tpu.dma_semaphore, #tpu.memory_space<semaphore_mem>>) src(%dma_wait3A_326 : memref<5000xi32, #tpu.memory_space<hbm>>) dst(%dma_wait3A_325 : memref<5000xi32, #tpu.memory_space<vmem>>)
      tpu.yield
    }) : () -> ()
    %mul3A_46 = arith.constant 2 : i32
    %mul3A_47 = arith.muli %mul3A_46, %add3A_30 : i32
    %add3A_48 = arith.constant 1 : i32
    %add3A_49 = arith.addi %mul3A_47, %add3A_48 : i32
    %mul3A_50 = arith.constant 20000 : i32
    %mul3A_51 = arith.muli %add3A_49, %mul3A_50 : i32
    %mul3A_52 = arith.constant 5000 : i32
    %mul3A_53 = arith.muli %select_n3A_28, %mul3A_52 : i32
    %add3A_54 = arith.addi %mul3A_51, %mul3A_53 : i32
    "tpu.region"() ({
      %run_scoped3A = tpu.sem_alloc : memref<!tpu.dma_semaphore, #tpu.memory_space<semaphore_mem>>
      %dma_start3A = arith.constant 0 : i32
      %dma_start3A_317 = tpu.memref_slice %arg8[%dma_start3A] : memref<5016xi32, #tpu.memory_space<vmem>> -> memref<5000xi32, #tpu.memory_space<vmem>>
      %dma_start3A_318 = tpu.memref_slice %arg2[%add3A_54] : memref<320000xi32, #tpu.memory_space<hbm>> -> memref<5000xi32, #tpu.memory_space<hbm>>
      %dma_start3A_319 = arith.constant 0 : i32
      %dma_start3A_320 = tpu.memref_slice %arg8[%dma_start3A_319] : memref<5016xi32, #tpu.memory_space<vmem>> -> memref<5000xi32, #tpu.memory_space<vmem>>
      %dma_start3A_321 = tpu.memref_slice %arg2[%add3A_54] : memref<320000xi32, #tpu.memory_space<hbm>> -> memref<5000xi32, #tpu.memory_space<hbm>>
      tpu.enqueue_dma source(%dma_start3A_321 : memref<5000xi32, #tpu.memory_space<hbm>>) target(%dma_start3A_320 : memref<5000xi32, #tpu.memory_space<vmem>>) target_semaphore(%run_scoped3A : memref<!tpu.dma_semaphore, #tpu.memory_space<semaphore_mem>>)
      %dma_wait3A = arith.constant 0 : i32
      %dma_wait3A_322 = tpu.memref_slice %arg8[%dma_wait3A] : memref<5016xi32, #tpu.memory_space<vmem>> -> memref<5000xi32, #tpu.memory_space<vmem>>
      %dma_wait3A_323 = tpu.memref_slice %arg2[%add3A_54] : memref<320000xi32, #tpu.memory_space<hbm>> -> memref<5000xi32, #tpu.memory_space<hbm>>
      %dma_wait3A_324 = arith.constant 0 : i32
      %dma_wait3A_325 = tpu.memref_slice %arg8[%dma_wait3A_324] : memref<5016xi32, #tpu.memory_space<vmem>> -> memref<5000xi32, #tpu.memory_space<vmem>>
      %dma_wait3A_326 = tpu.memref_slice %arg2[%add3A_54] : memref<320000xi32, #tpu.memory_space<hbm>> -> memref<5000xi32, #tpu.memory_space<hbm>>
      tpu.wait_dma2 semaphore(%run_scoped3A : memref<!tpu.dma_semaphore, #tpu.memory_space<semaphore_mem>>) src(%dma_wait3A_326 : memref<5000xi32, #tpu.memory_space<hbm>>) dst(%dma_wait3A_325 : memref<5000xi32, #tpu.memory_space<vmem>>)
      tpu.yield
    }) : () -> ()
    %mul3A_55 = arith.constant 1280 : i32
    %mul3A_56 = arith.muli %add3A_30, %mul3A_55 : i32
    "tpu.region"() ({
      %run_scoped3A = tpu.sem_alloc : memref<!tpu.dma_semaphore, #tpu.memory_space<semaphore_mem>>
      %dma_start3A = tpu.memref_slice %arg4[%mul3A_56] : memref<10240xf32, #tpu.memory_space<hbm>> -> memref<1280xf32, #tpu.memory_space<hbm>>
      %dma_start3A_317 = tpu.memref_slice %arg4[%mul3A_56] : memref<10240xf32, #tpu.memory_space<hbm>> -> memref<1280xf32, #tpu.memory_space<hbm>>
      tpu.enqueue_dma source(%dma_start3A_317 : memref<1280xf32, #tpu.memory_space<hbm>>) target(%arg11 : memref<1280xf32, #tpu.memory_space<vmem>>) target_semaphore(%run_scoped3A : memref<!tpu.dma_semaphore, #tpu.memory_space<semaphore_mem>>)
      %dma_wait3A = tpu.memref_slice %arg4[%mul3A_56] : memref<10240xf32, #tpu.memory_space<hbm>> -> memref<1280xf32, #tpu.memory_space<hbm>>
      %dma_wait3A_318 = tpu.memref_slice %arg4[%mul3A_56] : memref<10240xf32, #tpu.memory_space<hbm>> -> memref<1280xf32, #tpu.memory_space<hbm>>
      tpu.wait_dma2 semaphore(%run_scoped3A : memref<!tpu.dma_semaphore, #tpu.memory_space<semaphore_mem>>) src(%dma_wait3A_318 : memref<1280xf32, #tpu.memory_space<hbm>>) dst(%arg11 : memref<1280xf32, #tpu.memory_space<vmem>>)
      tpu.yield
    }) : () -> ()
    %mul3A_57 = arith.constant 1280 : i32
    %mul3A_58 = arith.muli %add3A_30, %mul3A_57 : i32
    %mul3A_59 = arith.constant 16 : i32
    %mul3A_60 = arith.muli %mul3A_58, %mul3A_59 : i32
    "tpu.region"() ({
      %run_scoped3A = tpu.sem_alloc : memref<!tpu.dma_semaphore, #tpu.memory_space<semaphore_mem>>
      %dma_start3A = tpu.memref_slice %arg3[%mul3A_60] : memref<163840xf32, #tpu.memory_space<hbm>> -> memref<20480xf32, #tpu.memory_space<hbm>>
      %dma_start3A_317 = tpu.memref_slice %arg3[%mul3A_60] : memref<163840xf32, #tpu.memory_space<hbm>> -> memref<20480xf32, #tpu.memory_space<hbm>>
      tpu.enqueue_dma source(%dma_start3A_317 : memref<20480xf32, #tpu.memory_space<hbm>>) target(%arg15 : memref<20480xf32, #tpu.memory_space<vmem>>) target_semaphore(%run_scoped3A : memref<!tpu.dma_semaphore, #tpu.memory_space<semaphore_mem>>)
      %dma_wait3A = tpu.memref_slice %arg3[%mul3A_60] : memref<163840xf32, #tpu.memory_space<hbm>> -> memref<20480xf32, #tpu.memory_space<hbm>>
      %dma_wait3A_318 = tpu.memref_slice %arg3[%mul3A_60] : memref<163840xf32, #tpu.memory_space<hbm>> -> memref<20480xf32, #tpu.memory_space<hbm>>
      tpu.wait_dma2 semaphore(%run_scoped3A : memref<!tpu.dma_semaphore, #tpu.memory_space<semaphore_mem>>) src(%dma_wait3A_318 : memref<20480xf32, #tpu.memory_space<hbm>>) dst(%arg15 : memref<20480xf32, #tpu.memory_space<vmem>>)
      tpu.yield
    }) : () -> ()
    %scan3A = arith.constant 0 : i32
    %scan3A_61 = arith.constant 0 : i32
    %scan3A_62 = arith.constant 10 : i32
    %scan3A_63 = arith.addi %scan3A_61, %scan3A_62 : i32
    %scan3A_64 = arith.constant 1 : i32
    %scan3A_65 = scf.for %scan3A_317 = %scan3A_61 to %scan3A_63 step %scan3A_64 iter_args(%scan3A_318 = %scan3A) -> (i32)  : i32 {
      %mul3A_319 = arith.constant 8 : i32
      %mul3A_320 = arith.muli %scan3A_317, %mul3A_319 : i32
      %add3A_321 = arith.constant 0 : i32
      %add3A_322 = arith.addi %mul3A_320, %add3A_321 : i32
      %mul3A_323 = arith.constant 16 : i32
      %mul3A_324 = arith.muli %add3A_322, %mul3A_323 : i32
      %swap3A_325 = arith.index_cast %mul3A_324 : i32 to index
      %swap3A_326 = tpu.vector_load %arg9[%swap3A_325] {strides = array<i32>} : memref<1280xf32, #tpu.memory_space<vmem>>, vector<16xf32>,
      tpu.vector_store %arg9[%swap3A_325], %broadcast_in_dim3A_31 {strides = array<i32>} : memref<1280xf32, #tpu.memory_space<vmem>>, vector<16xf32>,
      %swap3A_327 = arith.index_cast %mul3A_324 : i32 to index
      %swap3A_328 = tpu.vector_load %arg10[%swap3A_327] {strides = array<i32>} : memref<1280xf32, #tpu.memory_space<vmem>>, vector<16xf32>,
      tpu.vector_store %arg10[%swap3A_327], %broadcast_in_dim3A_31 {strides = array<i32>} : memref<1280xf32, #tpu.memory_space<vmem>>, vector<16xf32>,
      %swap3A_329 = arith.index_cast %mul3A_324 : i32 to index
      %swap3A_330 = tpu.vector_load %arg13[%swap3A_329] {strides = array<i32>} : memref<1280xf32, #tpu.memory_space<vmem>>, vector<16xf32>,
      tpu.vector_store %arg13[%swap3A_329], %broadcast_in_dim3A_31 {strides = array<i32>} : memref<1280xf32, #tpu.memory_space<vmem>>, vector<16xf32>,
      %mul3A_331 = arith.constant 8 : i32
      %mul3A_332 = arith.muli %scan3A_317, %mul3A_331 : i32
      %add3A_333 = arith.constant 1 : i32
      %add3A_334 = arith.addi %mul3A_332, %add3A_333 : i32
      %mul3A_335 = arith.constant 16 : i32
      %mul3A_336 = arith.muli %add3A_334, %mul3A_335 : i32
      %swap3A_337 = arith.index_cast %mul3A_336 : i32 to index
      %swap3A_338 = tpu.vector_load %arg9[%swap3A_337] {strides = array<i32>} : memref<1280xf32, #tpu.memory_space<vmem>>, vector<16xf32>,
      tpu.vector_store %arg9[%swap3A_337], %broadcast_in_dim3A_31 {strides = array<i32>} : memref<1280xf32, #tpu.memory_space<vmem>>, vector<16xf32>,
      %swap3A_339 = arith.index_cast %mul3A_336 : i32 to index
      %swap3A_340 = tpu.vector_load %arg10[%swap3A_339] {strides = array<i32>} : memref<1280xf32, #tpu.memory_space<vmem>>, vector<16xf32>,
      tpu.vector_store %arg10[%swap3A_339], %broadcast_in_dim3A_31 {strides = array<i32>} : memref<1280xf32, #tpu.memory_space<vmem>>, vector<16xf32>,
      %swap3A_341 = arith.index_cast %mul3A_336 : i32 to index
      %swap3A_342 = tpu.vector_load %arg13[%swap3A_341] {strides = array<i32>} : memref<1280xf32, #tpu.memory_space<vmem>>, vector<16xf32>,
      tpu.vector_store %arg13[%swap3A_341], %broadcast_in_dim3A_31 {strides = array<i32>} : memref<1280xf32, #tpu.memory_space<vmem>>, vector<16xf32>,
      %mul3A_343 = arith.constant 8 : i32
      %mul3A_344 = arith.muli %scan3A_317, %mul3A_343 : i32
      %add3A_345 = arith.constant 2 : i32
      %add3A_346 = arith.addi %mul3A_344, %add3A_345 : i32
      %mul3A_347 = arith.constant 16 : i32
      %mul3A_348 = arith.muli %add3A_346, %mul3A_347 : i32
      %swap3A_349 = arith.index_cast %mul3A_348 : i32 to index
      %swap3A_350 = tpu.vector_load %arg9[%swap3A_349] {strides = array<i32>} : memref<1280xf32, #tpu.memory_space<vmem>>, vector<16xf32>,
      tpu.vector_store %arg9[%swap3A_349], %broadcast_in_dim3A_31 {strides = array<i32>} : memref<1280xf32, #tpu.memory_space<vmem>>, vector<16xf32>,
      %swap3A_351 = arith.index_cast %mul3A_348 : i32 to index
      %swap3A_352 = tpu.vector_load %arg10[%swap3A_351] {strides = array<i32>} : memref<1280xf32, #tpu.memory_space<vmem>>, vector<16xf32>,
      tpu.vector_store %arg10[%swap3A_351], %broadcast_in_dim3A_31 {strides = array<i32>} : memref<1280xf32, #tpu.memory_space<vmem>>, vector<16xf32>,
      %swap3A_353 = arith.index_cast %mul3A_348 : i32 to index
      %swap3A_354 = tpu.vector_load %arg13[%swap3A_353] {strides = array<i32>} : memref<1280xf32, #tpu.memory_space<vmem>>, vector<16xf32>,
      tpu.vector_store %arg13[%swap3A_353], %broadcast_in_dim3A_31 {strides = array<i32>} : memref<1280xf32, #tpu.memory_space<vmem>>, vector<16xf32>,
      %mul3A_355 = arith.constant 8 : i32
      %mul3A_356 = arith.muli %scan3A_317, %mul3A_355 : i32
      %add3A_357 = arith.constant 3 : i32
      %add3A_358 = arith.addi %mul3A_356, %add3A_357 : i32
      %mul3A_359 = arith.constant 16 : i32
      %mul3A_360 = arith.muli %add3A_358, %mul3A_359 : i32
      %swap3A_361 = arith.index_cast %mul3A_360 : i32 to index
      %swap3A_362 = tpu.vector_load %arg9[%swap3A_361] {strides = array<i32>} : memref<1280xf32, #tpu.memory_space<vmem>>, vector<16xf32>,
      tpu.vector_store %arg9[%swap3A_361], %broadcast_in_dim3A_31 {strides = array<i32>} : memref<1280xf32, #tpu.memory_space<vmem>>, vector<16xf32>,
      %swap3A_363 = arith.index_cast %mul3A_360 : i32 to index
      %swap3A_364 = tpu.vector_load %arg10[%swap3A_363] {strides = array<i32>} : memref<1280xf32, #tpu.memory_space<vmem>>, vector<16xf32>,
      tpu.vector_store %arg10[%swap3A_363], %broadcast_in_dim3A_31 {strides = array<i32>} : memref<1280xf32, #tpu.memory_space<vmem>>, vector<16xf32>,
      %swap3A_365 = arith.index_cast %mul3A_360 : i32 to index
      %swap3A_366 = tpu.vector_load %arg13[%swap3A_365] {strides = array<i32>} : memref<1280xf32, #tpu.memory_space<vmem>>, vector<16xf32>,
      tpu.vector_store %arg13[%swap3A_365], %broadcast_in_dim3A_31 {strides = array<i32>} : memref<1280xf32, #tpu.memory_space<vmem>>, vector<16xf32>,
      %mul3A_367 = arith.constant 8 : i32
      %mul3A_368 = arith.muli %scan3A_317, %mul3A_367 : i32
      %add3A_369 = arith.constant 4 : i32
      %add3A_370 = arith.addi %mul3A_368, %add3A_369 : i32
      %mul3A_371 = arith.constant 16 : i32
      %mul3A_372 = arith.muli %add3A_370, %mul3A_371 : i32
      %swap3A_373 = arith.index_cast %mul3A_372 : i32 to index
      %swap3A_374 = tpu.vector_load %arg9[%swap3A_373] {strides = array<i32>} : memref<1280xf32, #tpu.memory_space<vmem>>, vector<16xf32>,
      tpu.vector_store %arg9[%swap3A_373], %broadcast_in_dim3A_31 {strides = array<i32>} : memref<1280xf32, #tpu.memory_space<vmem>>, vector<16xf32>,
      %swap3A_375 = arith.index_cast %mul3A_372 : i32 to index
      %swap3A_376 = tpu.vector_load %arg10[%swap3A_375] {strides = array<i32>} : memref<1280xf32, #tpu.memory_space<vmem>>, vector<16xf32>,
      tpu.vector_store %arg10[%swap3A_375], %broadcast_in_dim3A_31 {strides = array<i32>} : memref<1280xf32, #tpu.memory_space<vmem>>, vector<16xf32>,
      %swap3A_377 = arith.index_cast %mul3A_372 : i32 to index
      %swap3A_378 = tpu.vector_load %arg13[%swap3A_377] {strides = array<i32>} : memref<1280xf32, #tpu.memory_space<vmem>>, vector<16xf32>,
      tpu.vector_store %arg13[%swap3A_377], %broadcast_in_dim3A_31 {strides = array<i32>} : memref<1280xf32, #tpu.memory_space<vmem>>, vector<16xf32>,
      %mul3A_379 = arith.constant 8 : i32
      %mul3A_380 = arith.muli %scan3A_317, %mul3A_379 : i32
      %add3A_381 = arith.constant 5 : i32
      %add3A_382 = arith.addi %mul3A_380, %add3A_381 : i32
      %mul3A_383 = arith.constant 16 : i32
      %mul3A_384 = arith.muli %add3A_382, %mul3A_383 : i32
      %swap3A_385 = arith.index_cast %mul3A_384 : i32 to index
      %swap3A_386 = tpu.vector_load %arg9[%swap3A_385] {strides = array<i32>} : memref<1280xf32, #tpu.memory_space<vmem>>, vector<16xf32>,
      tpu.vector_store %arg9[%swap3A_385], %broadcast_in_dim3A_31 {strides = array<i32>} : memref<1280xf32, #tpu.memory_space<vmem>>, vector<16xf32>,
      %swap3A_387 = arith.index_cast %mul3A_384 : i32 to index
      %swap3A_388 = tpu.vector_load %arg10[%swap3A_387] {strides = array<i32>} : memref<1280xf32, #tpu.memory_space<vmem>>, vector<16xf32>,
      tpu.vector_store %arg10[%swap3A_387], %broadcast_in_dim3A_31 {strides = array<i32>} : memref<1280xf32, #tpu.memory_space<vmem>>, vector<16xf32>,
      %swap3A_389 = arith.index_cast %mul3A_384 : i32 to index
      %swap3A_390 = tpu.vector_load %arg13[%swap3A_389] {strides = array<i32>} : memref<1280xf32, #tpu.memory_space<vmem>>, vector<16xf32>,
      tpu.vector_store %arg13[%swap3A_389], %broadcast_in_dim3A_31 {strides = array<i32>} : memref<1280xf32, #tpu.memory_space<vmem>>, vector<16xf32>,
      %mul3A_391 = arith.constant 8 : i32
      %mul3A_392 = arith.muli %scan3A_317, %mul3A_391 : i32
      %add3A_393 = arith.constant 6 : i32
      %add3A_394 = arith.addi %mul3A_392, %add3A_393 : i32
      %mul3A_395 = arith.constant 16 : i32
      %mul3A_396 = arith.muli %add3A_394, %mul3A_395 : i32
      %swap3A_397 = arith.index_cast %mul3A_396 : i32 to index
      %swap3A_398 = tpu.vector_load %arg9[%swap3A_397] {strides = array<i32>} : memref<1280xf32, #tpu.memory_space<vmem>>, vector<16xf32>,
      tpu.vector_store %arg9[%swap3A_397], %broadcast_in_dim3A_31 {strides = array<i32>} : memref<1280xf32, #tpu.memory_space<vmem>>, vector<16xf32>,
      %swap3A_399 = arith.index_cast %mul3A_396 : i32 to index
      %swap3A_400 = tpu.vector_load %arg10[%swap3A_399] {strides = array<i32>} : memref<1280xf32, #tpu.memory_space<vmem>>, vector<16xf32>,
      tpu.vector_store %arg10[%swap3A_399], %broadcast_in_dim3A_31 {strides = array<i32>} : memref<1280xf32, #tpu.memory_space<vmem>>, vector<16xf32>,
      %swap3A_401 = arith.index_cast %mul3A_396 : i32 to index
      %swap3A_402 = tpu.vector_load %arg13[%swap3A_401] {strides = array<i32>} : memref<1280xf32, #tpu.memory_space<vmem>>, vector<16xf32>,
      tpu.vector_store %arg13[%swap3A_401], %broadcast_in_dim3A_31 {strides = array<i32>} : memref<1280xf32, #tpu.memory_space<vmem>>, vector<16xf32>,
      %mul3A_403 = arith.constant 8 : i32
      %mul3A_404 = arith.muli %scan3A_317, %mul3A_403 : i32
      %add3A_405 = arith.constant 7 : i32
      %add3A_406 = arith.addi %mul3A_404, %add3A_405 : i32
      %mul3A_407 = arith.constant 16 : i32
      %mul3A_408 = arith.muli %add3A_406, %mul3A_407 : i32
      %swap3A_409 = arith.index_cast %mul3A_408 : i32 to index
      %swap3A_410 = tpu.vector_load %arg9[%swap3A_409] {strides = array<i32>} : memref<1280xf32, #tpu.memory_space<vmem>>, vector<16xf32>,
      tpu.vector_store %arg9[%swap3A_409], %broadcast_in_dim3A_31 {strides = array<i32>} : memref<1280xf32, #tpu.memory_space<vmem>>, vector<16xf32>,
      %swap3A_411 = arith.index_cast %mul3A_408 : i32 to index
      %swap3A_412 = tpu.vector_load %arg10[%swap3A_411] {strides = array<i32>} : memref<1280xf32, #tpu.memory_space<vmem>>, vector<16xf32>,
      tpu.vector_store %arg10[%swap3A_411], %broadcast_in_dim3A_31 {strides = array<i32>} : memref<1280xf32, #tpu.memory_space<vmem>>, vector<16xf32>,
      %swap3A_413 = arith.index_cast %mul3A_408 : i32 to index
      %swap3A_414 = tpu.vector_load %arg13[%swap3A_413] {strides = array<i32>} : memref<1280xf32, #tpu.memory_space<vmem>>, vector<16xf32>,
      tpu.vector_store %arg13[%swap3A_413], %broadcast_in_dim3A_31 {strides = array<i32>} : memref<1280xf32, #tpu.memory_space<vmem>>, vector<16xf32>,
      %scan3A_415 = arith.constant 0 : i32
      scf.yield %scan3A_415 : i32
    }
    %scan3A_66 = arith.constant 10 : i32
    %scan3A_67 = arith.constant 0 : i32
    %scan3A_68 = arith.constant 0 : i32
    %scan3A_69 = arith.constant 160 : i32
    %scan3A_70 = arith.addi %scan3A_68, %scan3A_69 : i32
    %scan3A_71 = arith.constant 1 : i32
    %scan3A_72 = scf.for %scan3A_317 = %scan3A_68 to %scan3A_70 step %scan3A_71 iter_args(%scan3A_318 = %scan3A_67) -> (i32)  : i32 {
      %mul3A_319 = arith.constant 8 : i32
      %mul3A_320 = arith.muli %scan3A_317, %mul3A_319 : i32
      %add3A_321 = arith.constant 0 : i32
      %add3A_322 = arith.addi %mul3A_320, %add3A_321 : i32
      %mul3A_323 = arith.constant 16 : i32
      %mul3A_324 = arith.muli %add3A_322, %mul3A_323 : i32
      %swap3A_325 = arith.index_cast %mul3A_324 : i32 to index
      %swap3A_326 = tpu.vector_load %arg16[%swap3A_325] {strides = array<i32>} : memref<20480xf32, #tpu.memory_space<vmem>>, vector<16xf32>,
      tpu.vector_store %arg16[%swap3A_325], %broadcast_in_dim3A_31 {strides = array<i32>} : memref<20480xf32, #tpu.memory_space<vmem>>, vector<16xf32>,
      %mul3A_327 = arith.constant 8 : i32
      %mul3A_328 = arith.muli %scan3A_317, %mul3A_327 : i32
      %add3A_329 = arith.constant 1 : i32
      %add3A_330 = arith.addi %mul3A_328, %add3A_329 : i32
      %mul3A_331 = arith.constant 16 : i32
      %mul3A_332 = arith.muli %add3A_330, %mul3A_331 : i32
      %swap3A_333 = arith.index_cast %mul3A_332 : i32 to index
      %swap3A_334 = tpu.vector_load %arg16[%swap3A_333] {strides = array<i32>} : memref<20480xf32, #tpu.memory_space<vmem>>, vector<16xf32>,
      tpu.vector_store %arg16[%swap3A_333], %broadcast_in_dim3A_31 {strides = array<i32>} : memref<20480xf32, #tpu.memory_space<vmem>>, vector<16xf32>,
      %mul3A_335 = arith.constant 8 : i32
      %mul3A_336 = arith.muli %scan3A_317, %mul3A_335 : i32
      %add3A_337 = arith.constant 2 : i32
      %add3A_338 = arith.addi %mul3A_336, %add3A_337 : i32
      %mul3A_339 = arith.constant 16 : i32
      %mul3A_340 = arith.muli %add3A_338, %mul3A_339 : i32
      %swap3A_341 = arith.index_cast %mul3A_340 : i32 to index
      %swap3A_342 = tpu.vector_load %arg16[%swap3A_341] {strides = array<i32>} : memref<20480xf32, #tpu.memory_space<vmem>>, vector<16xf32>,
      tpu.vector_store %arg16[%swap3A_341], %broadcast_in_dim3A_31 {strides = array<i32>} : memref<20480xf32, #tpu.memory_space<vmem>>, vector<16xf32>,
      %mul3A_343 = arith.constant 8 : i32
      %mul3A_344 = arith.muli %scan3A_317, %mul3A_343 : i32
      %add3A_345 = arith.constant 3 : i32
      %add3A_346 = arith.addi %mul3A_344, %add3A_345 : i32
      %mul3A_347 = arith.constant 16 : i32
      %mul3A_348 = arith.muli %add3A_346, %mul3A_347 : i32
      %swap3A_349 = arith.index_cast %mul3A_348 : i32 to index
      %swap3A_350 = tpu.vector_load %arg16[%swap3A_349] {strides = array<i32>} : memref<20480xf32, #tpu.memory_space<vmem>>, vector<16xf32>,
      tpu.vector_store %arg16[%swap3A_349], %broadcast_in_dim3A_31 {strides = array<i32>} : memref<20480xf32, #tpu.memory_space<vmem>>, vector<16xf32>,
      %mul3A_351 = arith.constant 8 : i32
      %mul3A_352 = arith.muli %scan3A_317, %mul3A_351 : i32
      %add3A_353 = arith.constant 4 : i32
      %add3A_354 = arith.addi %mul3A_352, %add3A_353 : i32
      %mul3A_355 = arith.constant 16 : i32
      %mul3A_356 = arith.muli %add3A_354, %mul3A_355 : i32
      %swap3A_357 = arith.index_cast %mul3A_356 : i32 to index
      %swap3A_358 = tpu.vector_load %arg16[%swap3A_357] {strides = array<i32>} : memref<20480xf32, #tpu.memory_space<vmem>>, vector<16xf32>,
      tpu.vector_store %arg16[%swap3A_357], %broadcast_in_dim3A_31 {strides = array<i32>} : memref<20480xf32, #tpu.memory_space<vmem>>, vector<16xf32>,
      %mul3A_359 = arith.constant 8 : i32
      %mul3A_360 = arith.muli %scan3A_317, %mul3A_359 : i32
      %add3A_361 = arith.constant 5 : i32
      %add3A_362 = arith.addi %mul3A_360, %add3A_361 : i32
      %mul3A_363 = arith.constant 16 : i32
      %mul3A_364 = arith.muli %add3A_362, %mul3A_363 : i32
      %swap3A_365 = arith.index_cast %mul3A_364 : i32 to index
      %swap3A_366 = tpu.vector_load %arg16[%swap3A_365] {strides = array<i32>} : memref<20480xf32, #tpu.memory_space<vmem>>, vector<16xf32>,
      tpu.vector_store %arg16[%swap3A_365], %broadcast_in_dim3A_31 {strides = array<i32>} : memref<20480xf32, #tpu.memory_space<vmem>>, vector<16xf32>,
      %mul3A_367 = arith.constant 8 : i32
      %mul3A_368 = arith.muli %scan3A_317, %mul3A_367 : i32
      %add3A_369 = arith.constant 6 : i32
      %add3A_370 = arith.addi %mul3A_368, %add3A_369 : i32
      %mul3A_371 = arith.constant 16 : i32
      %mul3A_372 = arith.muli %add3A_370, %mul3A_371 : i32
      %swap3A_373 = arith.index_cast %mul3A_372 : i32 to index
      %swap3A_374 = tpu.vector_load %arg16[%swap3A_373] {strides = array<i32>} : memref<20480xf32, #tpu.memory_space<vmem>>, vector<16xf32>,
      tpu.vector_store %arg16[%swap3A_373], %broadcast_in_dim3A_31 {strides = array<i32>} : memref<20480xf32, #tpu.memory_space<vmem>>, vector<16xf32>,
      %mul3A_375 = arith.constant 8 : i32
      %mul3A_376 = arith.muli %scan3A_317, %mul3A_375 : i32
      %add3A_377 = arith.constant 7 : i32
      %add3A_378 = arith.addi %mul3A_376, %add3A_377 : i32
      %mul3A_379 = arith.constant 16 : i32
      %mul3A_380 = arith.muli %add3A_378, %mul3A_379 : i32
      %swap3A_381 = arith.index_cast %mul3A_380 : i32 to index
      %swap3A_382 = tpu.vector_load %arg16[%swap3A_381] {strides = array<i32>} : memref<20480xf32, #tpu.memory_space<vmem>>, vector<16xf32>,
      tpu.vector_store %arg16[%swap3A_381], %broadcast_in_dim3A_31 {strides = array<i32>} : memref<20480xf32, #tpu.memory_space<vmem>>, vector<16xf32>,
      %scan3A_383 = arith.constant 0 : i32
      scf.yield %scan3A_383 : i32
    }
    %scan3A_73 = arith.constant 160 : i32
    %lt3A_74 = arith.constant 8 : i32
    %lt3A_75 = vector.broadcast %lt3A_74 : i32 to vector<16xi32>
    %lt3A_76 = arith.cmpi slt, %iota3A, %lt3A_75 : vector<16xi32>
    %parallel_loop3A = arith.constant 0 : i32
    %parallel_loop3A_77 = arith.constant 312 : i32
    %parallel_loop3A_78 = arith.constant 1 : i32
    scf.for %parallel_loop3A_317 = %parallel_loop3A to %parallel_loop3A_77 step %parallel_loop3A_78  : i32 {
      %parallel_loop3A_318 = arith.constant 16 : i32
      %parallel_loop3A_319 = arith.muli %parallel_loop3A_317, %parallel_loop3A_318 : i32
      %parallel_loop3A_320 = arith.index_cast %parallel_loop3A_319 : i32 to index
      %parallel_loop3A_321 = tpu.vector_load %arg7[%parallel_loop3A_320] {strides = array<i32>} : memref<5016xi32, #tpu.memory_space<vmem>>, vector<16xi32>,
      %parallel_loop3A_322 = arith.index_cast %parallel_loop3A_319 : i32 to index
      %parallel_loop3A_323 = tpu.vector_load %arg8[%parallel_loop3A_322] {strides = array<i32>} : memref<5016xi32, #tpu.memory_space<vmem>>, vector<16xi32>,
      tpu.vector_store_idx %arg9[%parallel_loop3A_323], %broadcast_in_dim3A_35 {add = true} : memref<1280xf32, #tpu.memory_space<vmem>>[vector<16xi32>], vector<16xf32>,
      %parallel_loop3A_324 = arith.cmpi eq, %parallel_loop3A_321, %parallel_loop3A_323 : vector<16xi32>
      tpu.vector_store_idx %arg10[%parallel_loop3A_323], %broadcast_in_dim3A_35 masked %parallel_loop3A_324 {add = true} : memref<1280xf32, #tpu.memory_space<vmem>>[vector<16xi32>], vector<16xf32>, vector<16xi1>
    } {sc.loop_unroll_factor = 4 : i64, sc.parallel_access}
    %get3A = arith.constant 4992 : index
    %get3A_79 = tpu.vector_load %arg7[%get3A] {strides = array<i32>} : memref<5016xi32, #tpu.memory_space<vmem>>, vector<16xi32>,
    %get3A_80 = arith.constant 4992 : index
    %get3A_81 = tpu.vector_load %arg8[%get3A_80] {strides = array<i32>} : memref<5016xi32, #tpu.memory_space<vmem>>, vector<16xi32>,
    tpu.vector_store_idx %arg9[%get3A_81], %broadcast_in_dim3A_35 masked %lt3A_76 {add = true} : memref<1280xf32, #tpu.memory_space<vmem>>[vector<16xi32>], vector<16xf32>, vector<16xi1>
    %eq3A_82 = arith.cmpi eq, %get3A_79, %get3A_81 : vector<16xi32>
    %and3A_83 = arith.andi %lt3A_76, %eq3A_82 : vector<16xi1>
    tpu.vector_store_idx %arg10[%get3A_81], %broadcast_in_dim3A_35 masked %and3A_83 {add = true} : memref<1280xf32, #tpu.memory_space<vmem>>[vector<16xi32>], vector<16xf32>, vector<16xi1>
    %mul3A_84 = arith.constant 4 : i32
    %mul3A_85 = arith.muli %select_n3A, %mul3A_84 : i32
    %add3A_86 = arith.addi %mul3A_85, %select_n3A_28 : i32
    %mul3A_87 = arith.constant 2 : i32
    %mul3A_88 = arith.muli %add3A_86, %mul3A_87 : i32
    %mul3A_89 = arith.constant 1280 : i32
    %mul3A_90 = arith.muli %mul3A_88, %mul3A_89 : i32
    "tpu.region"() ({
      %run_scoped3A = tpu.sem_alloc : memref<!tpu.dma_semaphore, #tpu.memory_space<semaphore_mem>>
      %dma_start3A = tpu.memref_slice %arg17[%mul3A_90] : memref<40960xf32, #tpu.memory_space<vmem_shared>> -> memref<1280xf32, #tpu.memory_space<vmem_shared>>
      %dma_start3A_317 = tpu.memref_slice %arg17[%mul3A_90] : memref<40960xf32, #tpu.memory_space<vmem_shared>> -> memref<1280xf32, #tpu.memory_space<vmem_shared>>
      tpu.enqueue_dma source(%arg9 : memref<1280xf32, #tpu.memory_space<vmem>>) target(%dma_start3A_317 : memref<1280xf32, #tpu.memory_space<vmem_shared>>) target_semaphore(%run_scoped3A : memref<!tpu.dma_semaphore, #tpu.memory_space<semaphore_mem>>)
      %dma_wait3A = tpu.memref_slice %arg17[%mul3A_90] : memref<40960xf32, #tpu.memory_space<vmem_shared>> -> memref<1280xf32, #tpu.memory_space<vmem_shared>>
      %dma_wait3A_318 = tpu.memref_slice %arg17[%mul3A_90] : memref<40960xf32, #tpu.memory_space<vmem_shared>> -> memref<1280xf32, #tpu.memory_space<vmem_shared>>
      tpu.wait_dma2 semaphore(%run_scoped3A : memref<!tpu.dma_semaphore, #tpu.memory_space<semaphore_mem>>) src(%arg9 : memref<1280xf32, #tpu.memory_space<vmem>>) dst(%dma_wait3A_318 : memref<1280xf32, #tpu.memory_space<vmem_shared>>)
      tpu.yield
    }) : () -> ()
    %add3A_91 = arith.constant 1 : i32
    %add3A_92 = arith.addi %mul3A_88, %add3A_91 : i32
    %mul3A_93 = arith.constant 1280 : i32
    %mul3A_94 = arith.muli %add3A_92, %mul3A_93 : i32
    "tpu.region"() ({
      %run_scoped3A = tpu.sem_alloc : memref<!tpu.dma_semaphore, #tpu.memory_space<semaphore_mem>>
      %dma_start3A = tpu.memref_slice %arg17[%mul3A_94] : memref<40960xf32, #tpu.memory_space<vmem_shared>> -> memref<1280xf32, #tpu.memory_space<vmem_shared>>
      %dma_start3A_317 = tpu.memref_slice %arg17[%mul3A_94] : memref<40960xf32, #tpu.memory_space<vmem_shared>> -> memref<1280xf32, #tpu.memory_space<vmem_shared>>
      tpu.enqueue_dma source(%arg10 : memref<1280xf32, #tpu.memory_space<vmem>>) target(%dma_start3A_317 : memref<1280xf32, #tpu.memory_space<vmem_shared>>) target_semaphore(%run_scoped3A : memref<!tpu.dma_semaphore, #tpu.memory_space<semaphore_mem>>)
      %dma_wait3A = tpu.memref_slice %arg17[%mul3A_94] : memref<40960xf32, #tpu.memory_space<vmem_shared>> -> memref<1280xf32, #tpu.memory_space<vmem_shared>>
      %dma_wait3A_318 = tpu.memref_slice %arg17[%mul3A_94] : memref<40960xf32, #tpu.memory_space<vmem_shared>> -> memref<1280xf32, #tpu.memory_space<vmem_shared>>
      tpu.wait_dma2 semaphore(%run_scoped3A : memref<!tpu.dma_semaphore, #tpu.memory_space<semaphore_mem>>) src(%arg10 : memref<1280xf32, #tpu.memory_space<vmem>>) dst(%dma_wait3A_318 : memref<1280xf32, #tpu.memory_space<vmem_shared>>)
      tpu.yield
    }) : () -> ()
    %barrier3A = arith.constant 0 : index
    tpu.barrier barrier_id(%barrier3A)
    %scan3A_95 = arith.constant 0 : i32
    %scan3A_96 = arith.constant 0 : i32
    %scan3A_97 = arith.constant 10 : i32
    %scan3A_98 = arith.addi %scan3A_96, %scan3A_97 : i32
    %scan3A_99 = arith.constant 1 : i32
    %scan3A_100 = scf.for %scan3A_317 = %scan3A_96 to %scan3A_98 step %scan3A_99 iter_args(%scan3A_318 = %scan3A_95) -> (i32)  : i32 {
      %mul3A_319 = arith.constant 8 : i32
      %mul3A_320 = arith.muli %scan3A_317, %mul3A_319 : i32
      %add3A_321 = arith.constant 0 : i32
      %add3A_322 = arith.addi %mul3A_320, %add3A_321 : i32
      %mul3A_323 = arith.constant 16 : i32
      %mul3A_324 = arith.muli %add3A_322, %mul3A_323 : i32
      %swap3A_325 = arith.index_cast %mul3A_324 : i32 to index
      %swap3A_326 = tpu.vector_load %arg9[%swap3A_325] {strides = array<i32>} : memref<1280xf32, #tpu.memory_space<vmem>>, vector<16xf32>,
      tpu.vector_store %arg9[%swap3A_325], %broadcast_in_dim3A_31 {strides = array<i32>} : memref<1280xf32, #tpu.memory_space<vmem>>, vector<16xf32>,
      %swap3A_327 = arith.index_cast %mul3A_324 : i32 to index
      %swap3A_328 = tpu.vector_load %arg10[%swap3A_327] {strides = array<i32>} : memref<1280xf32, #tpu.memory_space<vmem>>, vector<16xf32>,
      tpu.vector_store %arg10[%swap3A_327], %broadcast_in_dim3A_31 {strides = array<i32>} : memref<1280xf32, #tpu.memory_space<vmem>>, vector<16xf32>,
      %swap3A_329 = arith.index_cast %mul3A_324 : i32 to index
      %swap3A_330 = tpu.vector_load %arg13[%swap3A_329] {strides = array<i32>} : memref<1280xf32, #tpu.memory_space<vmem>>, vector<16xf32>,
      tpu.vector_store %arg13[%swap3A_329], %broadcast_in_dim3A_31 {strides = array<i32>} : memref<1280xf32, #tpu.memory_space<vmem>>, vector<16xf32>,
      %mul3A_331 = arith.constant 8 : i32
      %mul3A_332 = arith.muli %scan3A_317, %mul3A_331 : i32
      %add3A_333 = arith.constant 1 : i32
      %add3A_334 = arith.addi %mul3A_332, %add3A_333 : i32
      %mul3A_335 = arith.constant 16 : i32
      %mul3A_336 = arith.muli %add3A_334, %mul3A_335 : i32
      %swap3A_337 = arith.index_cast %mul3A_336 : i32 to index
      %swap3A_338 = tpu.vector_load %arg9[%swap3A_337] {strides = array<i32>} : memref<1280xf32, #tpu.memory_space<vmem>>, vector<16xf32>,
      tpu.vector_store %arg9[%swap3A_337], %broadcast_in_dim3A_31 {strides = array<i32>} : memref<1280xf32, #tpu.memory_space<vmem>>, vector<16xf32>,
      %swap3A_339 = arith.index_cast %mul3A_336 : i32 to index
      %swap3A_340 = tpu.vector_load %arg10[%swap3A_339] {strides = array<i32>} : memref<1280xf32, #tpu.memory_space<vmem>>, vector<16xf32>,
      tpu.vector_store %arg10[%swap3A_339], %broadcast_in_dim3A_31 {strides = array<i32>} : memref<1280xf32, #tpu.memory_space<vmem>>, vector<16xf32>,
      %swap3A_341 = arith.index_cast %mul3A_336 : i32 to index
      %swap3A_342 = tpu.vector_load %arg13[%swap3A_341] {strides = array<i32>} : memref<1280xf32, #tpu.memory_space<vmem>>, vector<16xf32>,
      tpu.vector_store %arg13[%swap3A_341], %broadcast_in_dim3A_31 {strides = array<i32>} : memref<1280xf32, #tpu.memory_space<vmem>>, vector<16xf32>,
      %mul3A_343 = arith.constant 8 : i32
      %mul3A_344 = arith.muli %scan3A_317, %mul3A_343 : i32
      %add3A_345 = arith.constant 2 : i32
      %add3A_346 = arith.addi %mul3A_344, %add3A_345 : i32
      %mul3A_347 = arith.constant 16 : i32
      %mul3A_348 = arith.muli %add3A_346, %mul3A_347 : i32
      %swap3A_349 = arith.index_cast %mul3A_348 : i32 to index
      %swap3A_350 = tpu.vector_load %arg9[%swap3A_349] {strides = array<i32>} : memref<1280xf32, #tpu.memory_space<vmem>>, vector<16xf32>,
      tpu.vector_store %arg9[%swap3A_349], %broadcast_in_dim3A_31 {strides = array<i32>} : memref<1280xf32, #tpu.memory_space<vmem>>, vector<16xf32>,
      %swap3A_351 = arith.index_cast %mul3A_348 : i32 to index
      %swap3A_352 = tpu.vector_load %arg10[%swap3A_351] {strides = array<i32>} : memref<1280xf32, #tpu.memory_space<vmem>>, vector<16xf32>,
      tpu.vector_store %arg10[%swap3A_351], %broadcast_in_dim3A_31 {strides = array<i32>} : memref<1280xf32, #tpu.memory_space<vmem>>, vector<16xf32>,
      %swap3A_353 = arith.index_cast %mul3A_348 : i32 to index
      %swap3A_354 = tpu.vector_load %arg13[%swap3A_353] {strides = array<i32>} : memref<1280xf32, #tpu.memory_space<vmem>>, vector<16xf32>,
      tpu.vector_store %arg13[%swap3A_353], %broadcast_in_dim3A_31 {strides = array<i32>} : memref<1280xf32, #tpu.memory_space<vmem>>, vector<16xf32>,
      %mul3A_355 = arith.constant 8 : i32
      %mul3A_356 = arith.muli %scan3A_317, %mul3A_355 : i32
      %add3A_357 = arith.constant 3 : i32
      %add3A_358 = arith.addi %mul3A_356, %add3A_357 : i32
      %mul3A_359 = arith.constant 16 : i32
      %mul3A_360 = arith.muli %add3A_358, %mul3A_359 : i32
      %swap3A_361 = arith.index_cast %mul3A_360 : i32 to index
      %swap3A_362 = tpu.vector_load %arg9[%swap3A_361] {strides = array<i32>} : memref<1280xf32, #tpu.memory_space<vmem>>, vector<16xf32>,
      tpu.vector_store %arg9[%swap3A_361], %broadcast_in_dim3A_31 {strides = array<i32>} : memref<1280xf32, #tpu.memory_space<vmem>>, vector<16xf32>,
      %swap3A_363 = arith.index_cast %mul3A_360 : i32 to index
      %swap3A_364 = tpu.vector_load %arg10[%swap3A_363] {strides = array<i32>} : memref<1280xf32, #tpu.memory_space<vmem>>, vector<16xf32>,
      tpu.vector_store %arg10[%swap3A_363], %broadcast_in_dim3A_31 {strides = array<i32>} : memref<1280xf32, #tpu.memory_space<vmem>>, vector<16xf32>,
      %swap3A_365 = arith.index_cast %mul3A_360 : i32 to index
      %swap3A_366 = tpu.vector_load %arg13[%swap3A_365] {strides = array<i32>} : memref<1280xf32, #tpu.memory_space<vmem>>, vector<16xf32>,
      tpu.vector_store %arg13[%swap3A_365], %broadcast_in_dim3A_31 {strides = array<i32>} : memref<1280xf32, #tpu.memory_space<vmem>>, vector<16xf32>,
      %mul3A_367 = arith.constant 8 : i32
      %mul3A_368 = arith.muli %scan3A_317, %mul3A_367 : i32
      %add3A_369 = arith.constant 4 : i32
      %add3A_370 = arith.addi %mul3A_368, %add3A_369 : i32
      %mul3A_371 = arith.constant 16 : i32
      %mul3A_372 = arith.muli %add3A_370, %mul3A_371 : i32
      %swap3A_373 = arith.index_cast %mul3A_372 : i32 to index
      %swap3A_374 = tpu.vector_load %arg9[%swap3A_373] {strides = array<i32>} : memref<1280xf32, #tpu.memory_space<vmem>>, vector<16xf32>,
      tpu.vector_store %arg9[%swap3A_373], %broadcast_in_dim3A_31 {strides = array<i32>} : memref<1280xf32, #tpu.memory_space<vmem>>, vector<16xf32>,
      %swap3A_375 = arith.index_cast %mul3A_372 : i32 to index
      %swap3A_376 = tpu.vector_load %arg10[%swap3A_375] {strides = array<i32>} : memref<1280xf32, #tpu.memory_space<vmem>>, vector<16xf32>,
      tpu.vector_store %arg10[%swap3A_375], %broadcast_in_dim3A_31 {strides = array<i32>} : memref<1280xf32, #tpu.memory_space<vmem>>, vector<16xf32>,
      %swap3A_377 = arith.index_cast %mul3A_372 : i32 to index
      %swap3A_378 = tpu.vector_load %arg13[%swap3A_377] {strides = array<i32>} : memref<1280xf32, #tpu.memory_space<vmem>>, vector<16xf32>,
      tpu.vector_store %arg13[%swap3A_377], %broadcast_in_dim3A_31 {strides = array<i32>} : memref<1280xf32, #tpu.memory_space<vmem>>, vector<16xf32>,
      %mul3A_379 = arith.constant 8 : i32
      %mul3A_380 = arith.muli %scan3A_317, %mul3A_379 : i32
      %add3A_381 = arith.constant 5 : i32
      %add3A_382 = arith.addi %mul3A_380, %add3A_381 : i32
      %mul3A_383 = arith.constant 16 : i32
      %mul3A_384 = arith.muli %add3A_382, %mul3A_383 : i32
      %swap3A_385 = arith.index_cast %mul3A_384 : i32 to index
      %swap3A_386 = tpu.vector_load %arg9[%swap3A_385] {strides = array<i32>} : memref<1280xf32, #tpu.memory_space<vmem>>, vector<16xf32>,
      tpu.vector_store %arg9[%swap3A_385], %broadcast_in_dim3A_31 {strides = array<i32>} : memref<1280xf32, #tpu.memory_space<vmem>>, vector<16xf32>,
      %swap3A_387 = arith.index_cast %mul3A_384 : i32 to index
      %swap3A_388 = tpu.vector_load %arg10[%swap3A_387] {strides = array<i32>} : memref<1280xf32, #tpu.memory_space<vmem>>, vector<16xf32>,
      tpu.vector_store %arg10[%swap3A_387], %broadcast_in_dim3A_31 {strides = array<i32>} : memref<1280xf32, #tpu.memory_space<vmem>>, vector<16xf32>,
      %swap3A_389 = arith.index_cast %mul3A_384 : i32 to index
      %swap3A_390 = tpu.vector_load %arg13[%swap3A_389] {strides = array<i32>} : memref<1280xf32, #tpu.memory_space<vmem>>, vector<16xf32>,
      tpu.vector_store %arg13[%swap3A_389], %broadcast_in_dim3A_31 {strides = array<i32>} : memref<1280xf32, #tpu.memory_space<vmem>>, vector<16xf32>,
      %mul3A_391 = arith.constant 8 : i32
      %mul3A_392 = arith.muli %scan3A_317, %mul3A_391 : i32
      %add3A_393 = arith.constant 6 : i32
      %add3A_394 = arith.addi %mul3A_392, %add3A_393 : i32
      %mul3A_395 = arith.constant 16 : i32
      %mul3A_396 = arith.muli %add3A_394, %mul3A_395 : i32
      %swap3A_397 = arith.index_cast %mul3A_396 : i32 to index
      %swap3A_398 = tpu.vector_load %arg9[%swap3A_397] {strides = array<i32>} : memref<1280xf32, #tpu.memory_space<vmem>>, vector<16xf32>,
      tpu.vector_store %arg9[%swap3A_397], %broadcast_in_dim3A_31 {strides = array<i32>} : memref<1280xf32, #tpu.memory_space<vmem>>, vector<16xf32>,
      %swap3A_399 = arith.index_cast %mul3A_396 : i32 to index
      %swap3A_400 = tpu.vector_load %arg10[%swap3A_399] {strides = array<i32>} : memref<1280xf32, #tpu.memory_space<vmem>>, vector<16xf32>,
      tpu.vector_store %arg10[%swap3A_399], %broadcast_in_dim3A_31 {strides = array<i32>} : memref<1280xf32, #tpu.memory_space<vmem>>, vector<16xf32>,
      %swap3A_401 = arith.index_cast %mul3A_396 : i32 to index
      %swap3A_402 = tpu.vector_load %arg13[%swap3A_401] {strides = array<i32>} : memref<1280xf32, #tpu.memory_space<vmem>>, vector<16xf32>,
      tpu.vector_store %arg13[%swap3A_401], %broadcast_in_dim3A_31 {strides = array<i32>} : memref<1280xf32, #tpu.memory_space<vmem>>, vector<16xf32>,
      %mul3A_403 = arith.constant 8 : i32
      %mul3A_404 = arith.muli %scan3A_317, %mul3A_403 : i32
      %add3A_405 = arith.constant 7 : i32
      %add3A_406 = arith.addi %mul3A_404, %add3A_405 : i32
      %mul3A_407 = arith.constant 16 : i32
      %mul3A_408 = arith.muli %add3A_406, %mul3A_407 : i32
      %swap3A_409 = arith.index_cast %mul3A_408 : i32 to index
      %swap3A_410 = tpu.vector_load %arg9[%swap3A_409] {strides = array<i32>} : memref<1280xf32, #tpu.memory_space<vmem>>, vector<16xf32>,
      tpu.vector_store %arg9[%swap3A_409], %broadcast_in_dim3A_31 {strides = array<i32>} : memref<1280xf32, #tpu.memory_space<vmem>>, vector<16xf32>,
      %swap3A_411 = arith.index_cast %mul3A_408 : i32 to index
      %swap3A_412 = tpu.vector_load %arg10[%swap3A_411] {strides = array<i32>} : memref<1280xf32, #tpu.memory_space<vmem>>, vector<16xf32>,
      tpu.vector_store %arg10[%swap3A_411], %broadcast_in_dim3A_31 {strides = array<i32>} : memref<1280xf32, #tpu.memory_space<vmem>>, vector<16xf32>,
      %swap3A_413 = arith.index_cast %mul3A_408 : i32 to index
      %swap3A_414 = tpu.vector_load %arg13[%swap3A_413] {strides = array<i32>} : memref<1280xf32, #tpu.memory_space<vmem>>, vector<16xf32>,
      tpu.vector_store %arg13[%swap3A_413], %broadcast_in_dim3A_31 {strides = array<i32>} : memref<1280xf32, #tpu.memory_space<vmem>>, vector<16xf32>,
      %scan3A_415 = arith.constant 0 : i32
      scf.yield %scan3A_415 : i32
    }
    %scan3A_101 = arith.constant 10 : i32
    %mul3A_102 = arith.constant 4 : i32
    %mul3A_103 = arith.muli %select_n3A, %mul3A_102 : i32
    %add3A_104 = arith.constant 0 : i32
    %add3A_105 = arith.addi %mul3A_103, %add3A_104 : i32
    %mul3A_106 = arith.constant 2 : i32
    %mul3A_107 = arith.muli %add3A_105, %mul3A_106 : i32
    %mul3A_108 = arith.constant 1280 : i32
    %mul3A_109 = arith.muli %mul3A_107, %mul3A_108 : i32
    "tpu.region"() ({
      %run_scoped3A = tpu.sem_alloc : memref<!tpu.dma_semaphore, #tpu.memory_space<semaphore_mem>>
      %dma_start3A = tpu.memref_slice %arg17[%mul3A_109] : memref<40960xf32, #tpu.memory_space<vmem_shared>> -> memref<1280xf32, #tpu.memory_space<vmem_shared>>
      %dma_start3A_317 = tpu.memref_slice %arg17[%mul3A_109] : memref<40960xf32, #tpu.memory_space<vmem_shared>> -> memref<1280xf32, #tpu.memory_space<vmem_shared>>
      tpu.enqueue_dma source(%dma_start3A_317 : memref<1280xf32, #tpu.memory_space<vmem_shared>>) target(%arg14 : memref<1280xf32, #tpu.memory_space<vmem>>) target_semaphore(%run_scoped3A : memref<!tpu.dma_semaphore, #tpu.memory_space<semaphore_mem>>)
      %dma_wait3A = tpu.memref_slice %arg17[%mul3A_109] : memref<40960xf32, #tpu.memory_space<vmem_shared>> -> memref<1280xf32, #tpu.memory_space<vmem_shared>>
      %dma_wait3A_318 = tpu.memref_slice %arg17[%mul3A_109] : memref<40960xf32, #tpu.memory_space<vmem_shared>> -> memref<1280xf32, #tpu.memory_space<vmem_shared>>
      tpu.wait_dma2 semaphore(%run_scoped3A : memref<!tpu.dma_semaphore, #tpu.memory_space<semaphore_mem>>) src(%dma_wait3A_318 : memref<1280xf32, #tpu.memory_space<vmem_shared>>) dst(%arg14 : memref<1280xf32, #tpu.memory_space<vmem>>)
      tpu.yield
    }) : () -> ()
    %scan3A_110 = arith.constant 0 : i32
    %scan3A_111 = arith.constant 0 : i32
    %scan3A_112 = arith.constant 10 : i32
    %scan3A_113 = arith.addi %scan3A_111, %scan3A_112 : i32
    %scan3A_114 = arith.constant 1 : i32
    %scan3A_115 = scf.for %scan3A_317 = %scan3A_111 to %scan3A_113 step %scan3A_114 iter_args(%scan3A_318 = %scan3A_110) -> (i32)  : i32 {
      %mul3A_319 = arith.constant 8 : i32
      %mul3A_320 = arith.muli %scan3A_317, %mul3A_319 : i32
      %add3A_321 = arith.constant 0 : i32
      %add3A_322 = arith.addi %mul3A_320, %add3A_321 : i32
      %mul3A_323 = arith.constant 16 : i32
      %mul3A_324 = arith.muli %add3A_322, %mul3A_323 : i32
      %get3A_325 = arith.index_cast %mul3A_324 : i32 to index
      %get3A_326 = tpu.vector_load %arg9[%get3A_325] {strides = array<i32>} : memref<1280xf32, #tpu.memory_space<vmem>>, vector<16xf32>,
      %get3A_327 = arith.index_cast %mul3A_324 : i32 to index
      %get3A_328 = tpu.vector_load %arg14[%get3A_327] {strides = array<i32>} : memref<1280xf32, #tpu.memory_space<vmem>>, vector<16xf32>,
      %add3A_329 = arith.addf %get3A_326, %get3A_328 : vector<16xf32>
      %swap3A_330 = arith.index_cast %mul3A_324 : i32 to index
      %swap3A_331 = tpu.vector_load %arg9[%swap3A_330] {strides = array<i32>} : memref<1280xf32, #tpu.memory_space<vmem>>, vector<16xf32>,
      tpu.vector_store %arg9[%swap3A_330], %add3A_329 {strides = array<i32>} : memref<1280xf32, #tpu.memory_space<vmem>>, vector<16xf32>,
      %mul3A_332 = arith.constant 8 : i32
      %mul3A_333 = arith.muli %scan3A_317, %mul3A_332 : i32
      %add3A_334 = arith.constant 1 : i32
      %add3A_335 = arith.addi %mul3A_333, %add3A_334 : i32
      %mul3A_336 = arith.constant 16 : i32
      %mul3A_337 = arith.muli %add3A_335, %mul3A_336 : i32
      %get3A_338 = arith.index_cast %mul3A_337 : i32 to index
      %get3A_339 = tpu.vector_load %arg9[%get3A_338] {strides = array<i32>} : memref<1280xf32, #tpu.memory_space<vmem>>, vector<16xf32>,
      %get3A_340 = arith.index_cast %mul3A_337 : i32 to index
      %get3A_341 = tpu.vector_load %arg14[%get3A_340] {strides = array<i32>} : memref<1280xf32, #tpu.memory_space<vmem>>, vector<16xf32>,
      %add3A_342 = arith.addf %get3A_339, %get3A_341 : vector<16xf32>
      %swap3A_343 = arith.index_cast %mul3A_337 : i32 to index
      %swap3A_344 = tpu.vector_load %arg9[%swap3A_343] {strides = array<i32>} : memref<1280xf32, #tpu.memory_space<vmem>>, vector<16xf32>,
      tpu.vector_store %arg9[%swap3A_343], %add3A_342 {strides = array<i32>} : memref<1280xf32, #tpu.memory_space<vmem>>, vector<16xf32>,
      %mul3A_345 = arith.constant 8 : i32
      %mul3A_346 = arith.muli %scan3A_317, %mul3A_345 : i32
      %add3A_347 = arith.constant 2 : i32
      %add3A_348 = arith.addi %mul3A_346, %add3A_347 : i32
      %mul3A_349 = arith.constant 16 : i32
      %mul3A_350 = arith.muli %add3A_348, %mul3A_349 : i32
      %get3A_351 = arith.index_cast %mul3A_350 : i32 to index
      %get3A_352 = tpu.vector_load %arg9[%get3A_351] {strides = array<i32>} : memref<1280xf32, #tpu.memory_space<vmem>>, vector<16xf32>,
      %get3A_353 = arith.index_cast %mul3A_350 : i32 to index
      %get3A_354 = tpu.vector_load %arg14[%get3A_353] {strides = array<i32>} : memref<1280xf32, #tpu.memory_space<vmem>>, vector<16xf32>,
      %add3A_355 = arith.addf %get3A_352, %get3A_354 : vector<16xf32>
      %swap3A_356 = arith.index_cast %mul3A_350 : i32 to index
      %swap3A_357 = tpu.vector_load %arg9[%swap3A_356] {strides = array<i32>} : memref<1280xf32, #tpu.memory_space<vmem>>, vector<16xf32>,
      tpu.vector_store %arg9[%swap3A_356], %add3A_355 {strides = array<i32>} : memref<1280xf32, #tpu.memory_space<vmem>>, vector<16xf32>,
      %mul3A_358 = arith.constant 8 : i32
      %mul3A_359 = arith.muli %scan3A_317, %mul3A_358 : i32
      %add3A_360 = arith.constant 3 : i32
      %add3A_361 = arith.addi %mul3A_359, %add3A_360 : i32
      %mul3A_362 = arith.constant 16 : i32
      %mul3A_363 = arith.muli %add3A_361, %mul3A_362 : i32
      %get3A_364 = arith.index_cast %mul3A_363 : i32 to index
      %get3A_365 = tpu.vector_load %arg9[%get3A_364] {strides = array<i32>} : memref<1280xf32, #tpu.memory_space<vmem>>, vector<16xf32>,
      %get3A_366 = arith.index_cast %mul3A_363 : i32 to index
      %get3A_367 = tpu.vector_load %arg14[%get3A_366] {strides = array<i32>} : memref<1280xf32, #tpu.memory_space<vmem>>, vector<16xf32>,
      %add3A_368 = arith.addf %get3A_365, %get3A_367 : vector<16xf32>
      %swap3A_369 = arith.index_cast %mul3A_363 : i32 to index
      %swap3A_370 = tpu.vector_load %arg9[%swap3A_369] {strides = array<i32>} : memref<1280xf32, #tpu.memory_space<vmem>>, vector<16xf32>,
      tpu.vector_store %arg9[%swap3A_369], %add3A_368 {strides = array<i32>} : memref<1280xf32, #tpu.memory_space<vmem>>, vector<16xf32>,
      %mul3A_371 = arith.constant 8 : i32
      %mul3A_372 = arith.muli %scan3A_317, %mul3A_371 : i32
      %add3A_373 = arith.constant 4 : i32
      %add3A_374 = arith.addi %mul3A_372, %add3A_373 : i32
      %mul3A_375 = arith.constant 16 : i32
      %mul3A_376 = arith.muli %add3A_374, %mul3A_375 : i32
      %get3A_377 = arith.index_cast %mul3A_376 : i32 to index
      %get3A_378 = tpu.vector_load %arg9[%get3A_377] {strides = array<i32>} : memref<1280xf32, #tpu.memory_space<vmem>>, vector<16xf32>,
      %get3A_379 = arith.index_cast %mul3A_376 : i32 to index
      %get3A_380 = tpu.vector_load %arg14[%get3A_379] {strides = array<i32>} : memref<1280xf32, #tpu.memory_space<vmem>>, vector<16xf32>,
      %add3A_381 = arith.addf %get3A_378, %get3A_380 : vector<16xf32>
      %swap3A_382 = arith.index_cast %mul3A_376 : i32 to index
      %swap3A_383 = tpu.vector_load %arg9[%swap3A_382] {strides = array<i32>} : memref<1280xf32, #tpu.memory_space<vmem>>, vector<16xf32>,
      tpu.vector_store %arg9[%swap3A_382], %add3A_381 {strides = array<i32>} : memref<1280xf32, #tpu.memory_space<vmem>>, vector<16xf32>,
      %mul3A_384 = arith.constant 8 : i32
      %mul3A_385 = arith.muli %scan3A_317, %mul3A_384 : i32
      %add3A_386 = arith.constant 5 : i32
      %add3A_387 = arith.addi %mul3A_385, %add3A_386 : i32
      %mul3A_388 = arith.constant 16 : i32
      %mul3A_389 = arith.muli %add3A_387, %mul3A_388 : i32
      %get3A_390 = arith.index_cast %mul3A_389 : i32 to index
      %get3A_391 = tpu.vector_load %arg9[%get3A_390] {strides = array<i32>} : memref<1280xf32, #tpu.memory_space<vmem>>, vector<16xf32>,
      %get3A_392 = arith.index_cast %mul3A_389 : i32 to index
      %get3A_393 = tpu.vector_load %arg14[%get3A_392] {strides = array<i32>} : memref<1280xf32, #tpu.memory_space<vmem>>, vector<16xf32>,
      %add3A_394 = arith.addf %get3A_391, %get3A_393 : vector<16xf32>
      %swap3A_395 = arith.index_cast %mul3A_389 : i32 to index
      %swap3A_396 = tpu.vector_load %arg9[%swap3A_395] {strides = array<i32>} : memref<1280xf32, #tpu.memory_space<vmem>>, vector<16xf32>,
      tpu.vector_store %arg9[%swap3A_395], %add3A_394 {strides = array<i32>} : memref<1280xf32, #tpu.memory_space<vmem>>, vector<16xf32>,
      %mul3A_397 = arith.constant 8 : i32
      %mul3A_398 = arith.muli %scan3A_317, %mul3A_397 : i32
      %add3A_399 = arith.constant 6 : i32
      %add3A_400 = arith.addi %mul3A_398, %add3A_399 : i32
      %mul3A_401 = arith.constant 16 : i32
      %mul3A_402 = arith.muli %add3A_400, %mul3A_401 : i32
      %get3A_403 = arith.index_cast %mul3A_402 : i32 to index
      %get3A_404 = tpu.vector_load %arg9[%get3A_403] {strides = array<i32>} : memref<1280xf32, #tpu.memory_space<vmem>>, vector<16xf32>,
      %get3A_405 = arith.index_cast %mul3A_402 : i32 to index
      %get3A_406 = tpu.vector_load %arg14[%get3A_405] {strides = array<i32>} : memref<1280xf32, #tpu.memory_space<vmem>>, vector<16xf32>,
      %add3A_407 = arith.addf %get3A_404, %get3A_406 : vector<16xf32>
      %swap3A_408 = arith.index_cast %mul3A_402 : i32 to index
      %swap3A_409 = tpu.vector_load %arg9[%swap3A_408] {strides = array<i32>} : memref<1280xf32, #tpu.memory_space<vmem>>, vector<16xf32>,
      tpu.vector_store %arg9[%swap3A_408], %add3A_407 {strides = array<i32>} : memref<1280xf32, #tpu.memory_space<vmem>>, vector<16xf32>,
      %mul3A_410 = arith.constant 8 : i32
      %mul3A_411 = arith.muli %scan3A_317, %mul3A_410 : i32
      %add3A_412 = arith.constant 7 : i32
      %add3A_413 = arith.addi %mul3A_411, %add3A_412 : i32
      %mul3A_414 = arith.constant 16 : i32
      %mul3A_415 = arith.muli %add3A_413, %mul3A_414 : i32
      %get3A_416 = arith.index_cast %mul3A_415 : i32 to index
      %get3A_417 = tpu.vector_load %arg9[%get3A_416] {strides = array<i32>} : memref<1280xf32, #tpu.memory_space<vmem>>, vector<16xf32>,
      %get3A_418 = arith.index_cast %mul3A_415 : i32 to index
      %get3A_419 = tpu.vector_load %arg14[%get3A_418] {strides = array<i32>} : memref<1280xf32, #tpu.memory_space<vmem>>, vector<16xf32>,
      %add3A_420 = arith.addf %get3A_417, %get3A_419 : vector<16xf32>
      %swap3A_421 = arith.index_cast %mul3A_415 : i32 to index
      %swap3A_422 = tpu.vector_load %arg9[%swap3A_421] {strides = array<i32>} : memref<1280xf32, #tpu.memory_space<vmem>>, vector<16xf32>,
      tpu.vector_store %arg9[%swap3A_421], %add3A_420 {strides = array<i32>} : memref<1280xf32, #tpu.memory_space<vmem>>, vector<16xf32>,
      %scan3A_423 = arith.constant 0 : i32
      scf.yield %scan3A_423 : i32
    }
    %scan3A_116 = arith.constant 10 : i32
    %add3A_117 = arith.constant 1 : i32
    %add3A_118 = arith.addi %mul3A_107, %add3A_117 : i32
    %mul3A_119 = arith.constant 1280 : i32
    %mul3A_120 = arith.muli %add3A_118, %mul3A_119 : i32
    "tpu.region"() ({
      %run_scoped3A = tpu.sem_alloc : memref<!tpu.dma_semaphore, #tpu.memory_space<semaphore_mem>>
      %dma_start3A = tpu.memref_slice %arg17[%mul3A_120] : memref<40960xf32, #tpu.memory_space<vmem_shared>> -> memref<1280xf32, #tpu.memory_space<vmem_shared>>
      %dma_start3A_317 = tpu.memref_slice %arg17[%mul3A_120] : memref<40960xf32, #tpu.memory_space<vmem_shared>> -> memref<1280xf32, #tpu.memory_space<vmem_shared>>
      tpu.enqueue_dma source(%dma_start3A_317 : memref<1280xf32, #tpu.memory_space<vmem_shared>>) target(%arg14 : memref<1280xf32, #tpu.memory_space<vmem>>) target_semaphore(%run_scoped3A : memref<!tpu.dma_semaphore, #tpu.memory_space<semaphore_mem>>)
      %dma_wait3A = tpu.memref_slice %arg17[%mul3A_120] : memref<40960xf32, #tpu.memory_space<vmem_shared>> -> memref<1280xf32, #tpu.memory_space<vmem_shared>>
      %dma_wait3A_318 = tpu.memref_slice %arg17[%mul3A_120] : memref<40960xf32, #tpu.memory_space<vmem_shared>> -> memref<1280xf32, #tpu.memory_space<vmem_shared>>
      tpu.wait_dma2 semaphore(%run_scoped3A : memref<!tpu.dma_semaphore, #tpu.memory_space<semaphore_mem>>) src(%dma_wait3A_318 : memref<1280xf32, #tpu.memory_space<vmem_shared>>) dst(%arg14 : memref<1280xf32, #tpu.memory_space<vmem>>)
      tpu.yield
    }) : () -> ()
    %scan3A_121 = arith.constant 0 : i32
    %scan3A_122 = arith.constant 0 : i32
    %scan3A_123 = arith.constant 10 : i32
    %scan3A_124 = arith.addi %scan3A_122, %scan3A_123 : i32
    %scan3A_125 = arith.constant 1 : i32
    %scan3A_126 = scf.for %scan3A_317 = %scan3A_122 to %scan3A_124 step %scan3A_125 iter_args(%scan3A_318 = %scan3A_121) -> (i32)  : i32 {
      %mul3A_319 = arith.constant 8 : i32
      %mul3A_320 = arith.muli %scan3A_317, %mul3A_319 : i32
      %add3A_321 = arith.constant 0 : i32
      %add3A_322 = arith.addi %mul3A_320, %add3A_321 : i32
      %mul3A_323 = arith.constant 16 : i32
      %mul3A_324 = arith.muli %add3A_322, %mul3A_323 : i32
      %get3A_325 = arith.index_cast %mul3A_324 : i32 to index
      %get3A_326 = tpu.vector_load %arg10[%get3A_325] {strides = array<i32>} : memref<1280xf32, #tpu.memory_space<vmem>>, vector<16xf32>,
      %get3A_327 = arith.index_cast %mul3A_324 : i32 to index
      %get3A_328 = tpu.vector_load %arg14[%get3A_327] {strides = array<i32>} : memref<1280xf32, #tpu.memory_space<vmem>>, vector<16xf32>,
      %add3A_329 = arith.addf %get3A_326, %get3A_328 : vector<16xf32>
      %swap3A_330 = arith.index_cast %mul3A_324 : i32 to index
      %swap3A_331 = tpu.vector_load %arg10[%swap3A_330] {strides = array<i32>} : memref<1280xf32, #tpu.memory_space<vmem>>, vector<16xf32>,
      tpu.vector_store %arg10[%swap3A_330], %add3A_329 {strides = array<i32>} : memref<1280xf32, #tpu.memory_space<vmem>>, vector<16xf32>,
      %mul3A_332 = arith.constant 8 : i32
      %mul3A_333 = arith.muli %scan3A_317, %mul3A_332 : i32
      %add3A_334 = arith.constant 1 : i32
      %add3A_335 = arith.addi %mul3A_333, %add3A_334 : i32
      %mul3A_336 = arith.constant 16 : i32
      %mul3A_337 = arith.muli %add3A_335, %mul3A_336 : i32
      %get3A_338 = arith.index_cast %mul3A_337 : i32 to index
      %get3A_339 = tpu.vector_load %arg10[%get3A_338] {strides = array<i32>} : memref<1280xf32, #tpu.memory_space<vmem>>, vector<16xf32>,
      %get3A_340 = arith.index_cast %mul3A_337 : i32 to index
      %get3A_341 = tpu.vector_load %arg14[%get3A_340] {strides = array<i32>} : memref<1280xf32, #tpu.memory_space<vmem>>, vector<16xf32>,
      %add3A_342 = arith.addf %get3A_339, %get3A_341 : vector<16xf32>
      %swap3A_343 = arith.index_cast %mul3A_337 : i32 to index
      %swap3A_344 = tpu.vector_load %arg10[%swap3A_343] {strides = array<i32>} : memref<1280xf32, #tpu.memory_space<vmem>>, vector<16xf32>,
      tpu.vector_store %arg10[%swap3A_343], %add3A_342 {strides = array<i32>} : memref<1280xf32, #tpu.memory_space<vmem>>, vector<16xf32>,
      %mul3A_345 = arith.constant 8 : i32
      %mul3A_346 = arith.muli %scan3A_317, %mul3A_345 : i32
      %add3A_347 = arith.constant 2 : i32
      %add3A_348 = arith.addi %mul3A_346, %add3A_347 : i32
      %mul3A_349 = arith.constant 16 : i32
      %mul3A_350 = arith.muli %add3A_348, %mul3A_349 : i32
      %get3A_351 = arith.index_cast %mul3A_350 : i32 to index
      %get3A_352 = tpu.vector_load %arg10[%get3A_351] {strides = array<i32>} : memref<1280xf32, #tpu.memory_space<vmem>>, vector<16xf32>,
      %get3A_353 = arith.index_cast %mul3A_350 : i32 to index
      %get3A_354 = tpu.vector_load %arg14[%get3A_353] {strides = array<i32>} : memref<1280xf32, #tpu.memory_space<vmem>>, vector<16xf32>,
      %add3A_355 = arith.addf %get3A_352, %get3A_354 : vector<16xf32>
      %swap3A_356 = arith.index_cast %mul3A_350 : i32 to index
      %swap3A_357 = tpu.vector_load %arg10[%swap3A_356] {strides = array<i32>} : memref<1280xf32, #tpu.memory_space<vmem>>, vector<16xf32>,
      tpu.vector_store %arg10[%swap3A_356], %add3A_355 {strides = array<i32>} : memref<1280xf32, #tpu.memory_space<vmem>>, vector<16xf32>,
      %mul3A_358 = arith.constant 8 : i32
      %mul3A_359 = arith.muli %scan3A_317, %mul3A_358 : i32
      %add3A_360 = arith.constant 3 : i32
      %add3A_361 = arith.addi %mul3A_359, %add3A_360 : i32
      %mul3A_362 = arith.constant 16 : i32
      %mul3A_363 = arith.muli %add3A_361, %mul3A_362 : i32
      %get3A_364 = arith.index_cast %mul3A_363 : i32 to index
      %get3A_365 = tpu.vector_load %arg10[%get3A_364] {strides = array<i32>} : memref<1280xf32, #tpu.memory_space<vmem>>, vector<16xf32>,
      %get3A_366 = arith.index_cast %mul3A_363 : i32 to index
      %get3A_367 = tpu.vector_load %arg14[%get3A_366] {strides = array<i32>} : memref<1280xf32, #tpu.memory_space<vmem>>, vector<16xf32>,
      %add3A_368 = arith.addf %get3A_365, %get3A_367 : vector<16xf32>
      %swap3A_369 = arith.index_cast %mul3A_363 : i32 to index
      %swap3A_370 = tpu.vector_load %arg10[%swap3A_369] {strides = array<i32>} : memref<1280xf32, #tpu.memory_space<vmem>>, vector<16xf32>,
      tpu.vector_store %arg10[%swap3A_369], %add3A_368 {strides = array<i32>} : memref<1280xf32, #tpu.memory_space<vmem>>, vector<16xf32>,
      %mul3A_371 = arith.constant 8 : i32
      %mul3A_372 = arith.muli %scan3A_317, %mul3A_371 : i32
      %add3A_373 = arith.constant 4 : i32
      %add3A_374 = arith.addi %mul3A_372, %add3A_373 : i32
      %mul3A_375 = arith.constant 16 : i32
      %mul3A_376 = arith.muli %add3A_374, %mul3A_375 : i32
      %get3A_377 = arith.index_cast %mul3A_376 : i32 to index
      %get3A_378 = tpu.vector_load %arg10[%get3A_377] {strides = array<i32>} : memref<1280xf32, #tpu.memory_space<vmem>>, vector<16xf32>,
      %get3A_379 = arith.index_cast %mul3A_376 : i32 to index
      %get3A_380 = tpu.vector_load %arg14[%get3A_379] {strides = array<i32>} : memref<1280xf32, #tpu.memory_space<vmem>>, vector<16xf32>,
      %add3A_381 = arith.addf %get3A_378, %get3A_380 : vector<16xf32>
      %swap3A_382 = arith.index_cast %mul3A_376 : i32 to index
      %swap3A_383 = tpu.vector_load %arg10[%swap3A_382] {strides = array<i32>} : memref<1280xf32, #tpu.memory_space<vmem>>, vector<16xf32>,
      tpu.vector_store %arg10[%swap3A_382], %add3A_381 {strides = array<i32>} : memref<1280xf32, #tpu.memory_space<vmem>>, vector<16xf32>,
      %mul3A_384 = arith.constant 8 : i32
      %mul3A_385 = arith.muli %scan3A_317, %mul3A_384 : i32
      %add3A_386 = arith.constant 5 : i32
      %add3A_387 = arith.addi %mul3A_385, %add3A_386 : i32
      %mul3A_388 = arith.constant 16 : i32
      %mul3A_389 = arith.muli %add3A_387, %mul3A_388 : i32
      %get3A_390 = arith.index_cast %mul3A_389 : i32 to index
      %get3A_391 = tpu.vector_load %arg10[%get3A_390] {strides = array<i32>} : memref<1280xf32, #tpu.memory_space<vmem>>, vector<16xf32>,
      %get3A_392 = arith.index_cast %mul3A_389 : i32 to index
      %get3A_393 = tpu.vector_load %arg14[%get3A_392] {strides = array<i32>} : memref<1280xf32, #tpu.memory_space<vmem>>, vector<16xf32>,
      %add3A_394 = arith.addf %get3A_391, %get3A_393 : vector<16xf32>
      %swap3A_395 = arith.index_cast %mul3A_389 : i32 to index
      %swap3A_396 = tpu.vector_load %arg10[%swap3A_395] {strides = array<i32>} : memref<1280xf32, #tpu.memory_space<vmem>>, vector<16xf32>,
      tpu.vector_store %arg10[%swap3A_395], %add3A_394 {strides = array<i32>} : memref<1280xf32, #tpu.memory_space<vmem>>, vector<16xf32>,
      %mul3A_397 = arith.constant 8 : i32
      %mul3A_398 = arith.muli %scan3A_317, %mul3A_397 : i32
      %add3A_399 = arith.constant 6 : i32
      %add3A_400 = arith.addi %mul3A_398, %add3A_399 : i32
      %mul3A_401 = arith.constant 16 : i32
      %mul3A_402 = arith.muli %add3A_400, %mul3A_401 : i32
      %get3A_403 = arith.index_cast %mul3A_402 : i32 to index
      %get3A_404 = tpu.vector_load %arg10[%get3A_403] {strides = array<i32>} : memref<1280xf32, #tpu.memory_space<vmem>>, vector<16xf32>,
      %get3A_405 = arith.index_cast %mul3A_402 : i32 to index
      %get3A_406 = tpu.vector_load %arg14[%get3A_405] {strides = array<i32>} : memref<1280xf32, #tpu.memory_space<vmem>>, vector<16xf32>,
      %add3A_407 = arith.addf %get3A_404, %get3A_406 : vector<16xf32>
      %swap3A_408 = arith.index_cast %mul3A_402 : i32 to index
      %swap3A_409 = tpu.vector_load %arg10[%swap3A_408] {strides = array<i32>} : memref<1280xf32, #tpu.memory_space<vmem>>, vector<16xf32>,
      tpu.vector_store %arg10[%swap3A_408], %add3A_407 {strides = array<i32>} : memref<1280xf32, #tpu.memory_space<vmem>>, vector<16xf32>,
      %mul3A_410 = arith.constant 8 : i32
      %mul3A_411 = arith.muli %scan3A_317, %mul3A_410 : i32
      %add3A_412 = arith.constant 7 : i32
      %add3A_413 = arith.addi %mul3A_411, %add3A_412 : i32
      %mul3A_414 = arith.constant 16 : i32
      %mul3A_415 = arith.muli %add3A_413, %mul3A_414 : i32
      %get3A_416 = arith.index_cast %mul3A_415 : i32 to index
      %get3A_417 = tpu.vector_load %arg10[%get3A_416] {strides = array<i32>} : memref<1280xf32, #tpu.memory_space<vmem>>, vector<16xf32>,
      %get3A_418 = arith.index_cast %mul3A_415 : i32 to index
      %get3A_419 = tpu.vector_load %arg14[%get3A_418] {strides = array<i32>} : memref<1280xf32, #tpu.memory_space<vmem>>, vector<16xf32>,
      %add3A_420 = arith.addf %get3A_417, %get3A_419 : vector<16xf32>
      %swap3A_421 = arith.index_cast %mul3A_415 : i32 to index
      %swap3A_422 = tpu.vector_load %arg10[%swap3A_421] {strides = array<i32>} : memref<1280xf32, #tpu.memory_space<vmem>>, vector<16xf32>,
      tpu.vector_store %arg10[%swap3A_421], %add3A_420 {strides = array<i32>} : memref<1280xf32, #tpu.memory_space<vmem>>, vector<16xf32>,
      %scan3A_423 = arith.constant 0 : i32
      scf.yield %scan3A_423 : i32
    }
    %scan3A_127 = arith.constant 10 : i32
    %mul3A_128 = arith.constant 4 : i32
    %mul3A_129 = arith.muli %select_n3A, %mul3A_128 : i32
    %add3A_130 = arith.constant 1 : i32
    %add3A_131 = arith.addi %mul3A_129, %add3A_130 : i32
    %mul3A_132 = arith.constant 2 : i32
    %mul3A_133 = arith.muli %add3A_131, %mul3A_132 : i32
    %mul3A_134 = arith.constant 1280 : i32
    %mul3A_135 = arith.muli %mul3A_133, %mul3A_134 : i32
    "tpu.region"() ({
      %run_scoped3A = tpu.sem_alloc : memref<!tpu.dma_semaphore, #tpu.memory_space<semaphore_mem>>
      %dma_start3A = tpu.memref_slice %arg17[%mul3A_135] : memref<40960xf32, #tpu.memory_space<vmem_shared>> -> memref<1280xf32, #tpu.memory_space<vmem_shared>>
      %dma_start3A_317 = tpu.memref_slice %arg17[%mul3A_135] : memref<40960xf32, #tpu.memory_space<vmem_shared>> -> memref<1280xf32, #tpu.memory_space<vmem_shared>>
      tpu.enqueue_dma source(%dma_start3A_317 : memref<1280xf32, #tpu.memory_space<vmem_shared>>) target(%arg14 : memref<1280xf32, #tpu.memory_space<vmem>>) target_semaphore(%run_scoped3A : memref<!tpu.dma_semaphore, #tpu.memory_space<semaphore_mem>>)
      %dma_wait3A = tpu.memref_slice %arg17[%mul3A_135] : memref<40960xf32, #tpu.memory_space<vmem_shared>> -> memref<1280xf32, #tpu.memory_space<vmem_shared>>
      %dma_wait3A_318 = tpu.memref_slice %arg17[%mul3A_135] : memref<40960xf32, #tpu.memory_space<vmem_shared>> -> memref<1280xf32, #tpu.memory_space<vmem_shared>>
      tpu.wait_dma2 semaphore(%run_scoped3A : memref<!tpu.dma_semaphore, #tpu.memory_space<semaphore_mem>>) src(%dma_wait3A_318 : memref<1280xf32, #tpu.memory_space<vmem_shared>>) dst(%arg14 : memref<1280xf32, #tpu.memory_space<vmem>>)
      tpu.yield
    }) : () -> ()
    %scan3A_136 = arith.constant 0 : i32
    %scan3A_137 = arith.constant 0 : i32
    %scan3A_138 = arith.constant 10 : i32
    %scan3A_139 = arith.addi %scan3A_137, %scan3A_138 : i32
    %scan3A_140 = arith.constant 1 : i32
    %scan3A_141 = scf.for %scan3A_317 = %scan3A_137 to %scan3A_139 step %scan3A_140 iter_args(%scan3A_318 = %scan3A_136) -> (i32)  : i32 {
      %mul3A_319 = arith.constant 8 : i32
      %mul3A_320 = arith.muli %scan3A_317, %mul3A_319 : i32
      %add3A_321 = arith.constant 0 : i32
      %add3A_322 = arith.addi %mul3A_320, %add3A_321 : i32
      %mul3A_323 = arith.constant 16 : i32
      %mul3A_324 = arith.muli %add3A_322, %mul3A_323 : i32
      %get3A_325 = arith.index_cast %mul3A_324 : i32 to index
      %get3A_326 = tpu.vector_load %arg9[%get3A_325] {strides = array<i32>} : memref<1280xf32, #tpu.memory_space<vmem>>, vector<16xf32>,
      %get3A_327 = arith.index_cast %mul3A_324 : i32 to index
      %get3A_328 = tpu.vector_load %arg14[%get3A_327] {strides = array<i32>} : memref<1280xf32, #tpu.memory_space<vmem>>, vector<16xf32>,
      %add3A_329 = arith.addf %get3A_326, %get3A_328 : vector<16xf32>
      %swap3A_330 = arith.index_cast %mul3A_324 : i32 to index
      %swap3A_331 = tpu.vector_load %arg9[%swap3A_330] {strides = array<i32>} : memref<1280xf32, #tpu.memory_space<vmem>>, vector<16xf32>,
      tpu.vector_store %arg9[%swap3A_330], %add3A_329 {strides = array<i32>} : memref<1280xf32, #tpu.memory_space<vmem>>, vector<16xf32>,
      %mul3A_332 = arith.constant 8 : i32
      %mul3A_333 = arith.muli %scan3A_317, %mul3A_332 : i32
      %add3A_334 = arith.constant 1 : i32
      %add3A_335 = arith.addi %mul3A_333, %add3A_334 : i32
      %mul3A_336 = arith.constant 16 : i32
      %mul3A_337 = arith.muli %add3A_335, %mul3A_336 : i32
      %get3A_338 = arith.index_cast %mul3A_337 : i32 to index
      %get3A_339 = tpu.vector_load %arg9[%get3A_338] {strides = array<i32>} : memref<1280xf32, #tpu.memory_space<vmem>>, vector<16xf32>,
      %get3A_340 = arith.index_cast %mul3A_337 : i32 to index
      %get3A_341 = tpu.vector_load %arg14[%get3A_340] {strides = array<i32>} : memref<1280xf32, #tpu.memory_space<vmem>>, vector<16xf32>,
      %add3A_342 = arith.addf %get3A_339, %get3A_341 : vector<16xf32>
      %swap3A_343 = arith.index_cast %mul3A_337 : i32 to index
      %swap3A_344 = tpu.vector_load %arg9[%swap3A_343] {strides = array<i32>} : memref<1280xf32, #tpu.memory_space<vmem>>, vector<16xf32>,
      tpu.vector_store %arg9[%swap3A_343], %add3A_342 {strides = array<i32>} : memref<1280xf32, #tpu.memory_space<vmem>>, vector<16xf32>,
      %mul3A_345 = arith.constant 8 : i32
      %mul3A_346 = arith.muli %scan3A_317, %mul3A_345 : i32
      %add3A_347 = arith.constant 2 : i32
      %add3A_348 = arith.addi %mul3A_346, %add3A_347 : i32
      %mul3A_349 = arith.constant 16 : i32
      %mul3A_350 = arith.muli %add3A_348, %mul3A_349 : i32
      %get3A_351 = arith.index_cast %mul3A_350 : i32 to index
      %get3A_352 = tpu.vector_load %arg9[%get3A_351] {strides = array<i32>} : memref<1280xf32, #tpu.memory_space<vmem>>, vector<16xf32>,
      %get3A_353 = arith.index_cast %mul3A_350 : i32 to index
      %get3A_354 = tpu.vector_load %arg14[%get3A_353] {strides = array<i32>} : memref<1280xf32, #tpu.memory_space<vmem>>, vector<16xf32>,
      %add3A_355 = arith.addf %get3A_352, %get3A_354 : vector<16xf32>
      %swap3A_356 = arith.index_cast %mul3A_350 : i32 to index
      %swap3A_357 = tpu.vector_load %arg9[%swap3A_356] {strides = array<i32>} : memref<1280xf32, #tpu.memory_space<vmem>>, vector<16xf32>,
      tpu.vector_store %arg9[%swap3A_356], %add3A_355 {strides = array<i32>} : memref<1280xf32, #tpu.memory_space<vmem>>, vector<16xf32>,
      %mul3A_358 = arith.constant 8 : i32
      %mul3A_359 = arith.muli %scan3A_317, %mul3A_358 : i32
      %add3A_360 = arith.constant 3 : i32
      %add3A_361 = arith.addi %mul3A_359, %add3A_360 : i32
      %mul3A_362 = arith.constant 16 : i32
      %mul3A_363 = arith.muli %add3A_361, %mul3A_362 : i32
      %get3A_364 = arith.index_cast %mul3A_363 : i32 to index
      %get3A_365 = tpu.vector_load %arg9[%get3A_364] {strides = array<i32>} : memref<1280xf32, #tpu.memory_space<vmem>>, vector<16xf32>,
      %get3A_366 = arith.index_cast %mul3A_363 : i32 to index
      %get3A_367 = tpu.vector_load %arg14[%get3A_366] {strides = array<i32>} : memref<1280xf32, #tpu.memory_space<vmem>>, vector<16xf32>,
      %add3A_368 = arith.addf %get3A_365, %get3A_367 : vector<16xf32>
      %swap3A_369 = arith.index_cast %mul3A_363 : i32 to index
      %swap3A_370 = tpu.vector_load %arg9[%swap3A_369] {strides = array<i32>} : memref<1280xf32, #tpu.memory_space<vmem>>, vector<16xf32>,
      tpu.vector_store %arg9[%swap3A_369], %add3A_368 {strides = array<i32>} : memref<1280xf32, #tpu.memory_space<vmem>>, vector<16xf32>,
      %mul3A_371 = arith.constant 8 : i32
      %mul3A_372 = arith.muli %scan3A_317, %mul3A_371 : i32
      %add3A_373 = arith.constant 4 : i32
      %add3A_374 = arith.addi %mul3A_372, %add3A_373 : i32
      %mul3A_375 = arith.constant 16 : i32
      %mul3A_376 = arith.muli %add3A_374, %mul3A_375 : i32
      %get3A_377 = arith.index_cast %mul3A_376 : i32 to index
      %get3A_378 = tpu.vector_load %arg9[%get3A_377] {strides = array<i32>} : memref<1280xf32, #tpu.memory_space<vmem>>, vector<16xf32>,
      %get3A_379 = arith.index_cast %mul3A_376 : i32 to index
      %get3A_380 = tpu.vector_load %arg14[%get3A_379] {strides = array<i32>} : memref<1280xf32, #tpu.memory_space<vmem>>, vector<16xf32>,
      %add3A_381 = arith.addf %get3A_378, %get3A_380 : vector<16xf32>
      %swap3A_382 = arith.index_cast %mul3A_376 : i32 to index
      %swap3A_383 = tpu.vector_load %arg9[%swap3A_382] {strides = array<i32>} : memref<1280xf32, #tpu.memory_space<vmem>>, vector<16xf32>,
      tpu.vector_store %arg9[%swap3A_382], %add3A_381 {strides = array<i32>} : memref<1280xf32, #tpu.memory_space<vmem>>, vector<16xf32>,
      %mul3A_384 = arith.constant 8 : i32
      %mul3A_385 = arith.muli %scan3A_317, %mul3A_384 : i32
      %add3A_386 = arith.constant 5 : i32
      %add3A_387 = arith.addi %mul3A_385, %add3A_386 : i32
      %mul3A_388 = arith.constant 16 : i32
      %mul3A_389 = arith.muli %add3A_387, %mul3A_388 : i32
      %get3A_390 = arith.index_cast %mul3A_389 : i32 to index
      %get3A_391 = tpu.vector_load %arg9[%get3A_390] {strides = array<i32>} : memref<1280xf32, #tpu.memory_space<vmem>>, vector<16xf32>,
      %get3A_392 = arith.index_cast %mul3A_389 : i32 to index
      %get3A_393 = tpu.vector_load %arg14[%get3A_392] {strides = array<i32>} : memref<1280xf32, #tpu.memory_space<vmem>>, vector<16xf32>,
      %add3A_394 = arith.addf %get3A_391, %get3A_393 : vector<16xf32>
      %swap3A_395 = arith.index_cast %mul3A_389 : i32 to index
      %swap3A_396 = tpu.vector_load %arg9[%swap3A_395] {strides = array<i32>} : memref<1280xf32, #tpu.memory_space<vmem>>, vector<16xf32>,
      tpu.vector_store %arg9[%swap3A_395], %add3A_394 {strides = array<i32>} : memref<1280xf32, #tpu.memory_space<vmem>>, vector<16xf32>,
      %mul3A_397 = arith.constant 8 : i32
      %mul3A_398 = arith.muli %scan3A_317, %mul3A_397 : i32
      %add3A_399 = arith.constant 6 : i32
      %add3A_400 = arith.addi %mul3A_398, %add3A_399 : i32
      %mul3A_401 = arith.constant 16 : i32
      %mul3A_402 = arith.muli %add3A_400, %mul3A_401 : i32
      %get3A_403 = arith.index_cast %mul3A_402 : i32 to index
      %get3A_404 = tpu.vector_load %arg9[%get3A_403] {strides = array<i32>} : memref<1280xf32, #tpu.memory_space<vmem>>, vector<16xf32>,
      %get3A_405 = arith.index_cast %mul3A_402 : i32 to index
      %get3A_406 = tpu.vector_load %arg14[%get3A_405] {strides = array<i32>} : memref<1280xf32, #tpu.memory_space<vmem>>, vector<16xf32>,
      %add3A_407 = arith.addf %get3A_404, %get3A_406 : vector<16xf32>
      %swap3A_408 = arith.index_cast %mul3A_402 : i32 to index
      %swap3A_409 = tpu.vector_load %arg9[%swap3A_408] {strides = array<i32>} : memref<1280xf32, #tpu.memory_space<vmem>>, vector<16xf32>,
      tpu.vector_store %arg9[%swap3A_408], %add3A_407 {strides = array<i32>} : memref<1280xf32, #tpu.memory_space<vmem>>, vector<16xf32>,
      %mul3A_410 = arith.constant 8 : i32
      %mul3A_411 = arith.muli %scan3A_317, %mul3A_410 : i32
      %add3A_412 = arith.constant 7 : i32
      %add3A_413 = arith.addi %mul3A_411, %add3A_412 : i32
      %mul3A_414 = arith.constant 16 : i32
      %mul3A_415 = arith.muli %add3A_413, %mul3A_414 : i32
      %get3A_416 = arith.index_cast %mul3A_415 : i32 to index
      %get3A_417 = tpu.vector_load %arg9[%get3A_416] {strides = array<i32>} : memref<1280xf32, #tpu.memory_space<vmem>>, vector<16xf32>,
      %get3A_418 = arith.index_cast %mul3A_415 : i32 to index
      %get3A_419 = tpu.vector_load %arg14[%get3A_418] {strides = array<i32>} : memref<1280xf32, #tpu.memory_space<vmem>>, vector<16xf32>,
      %add3A_420 = arith.addf %get3A_417, %get3A_419 : vector<16xf32>
      %swap3A_421 = arith.index_cast %mul3A_415 : i32 to index
      %swap3A_422 = tpu.vector_load %arg9[%swap3A_421] {strides = array<i32>} : memref<1280xf32, #tpu.memory_space<vmem>>, vector<16xf32>,
      tpu.vector_store %arg9[%swap3A_421], %add3A_420 {strides = array<i32>} : memref<1280xf32, #tpu.memory_space<vmem>>, vector<16xf32>,
      %scan3A_423 = arith.constant 0 : i32
      scf.yield %scan3A_423 : i32
    }
    %scan3A_142 = arith.constant 10 : i32
    %add3A_143 = arith.constant 1 : i32
    %add3A_144 = arith.addi %mul3A_133, %add3A_143 : i32
    %mul3A_145 = arith.constant 1280 : i32
    %mul3A_146 = arith.muli %add3A_144, %mul3A_145 : i32
    "tpu.region"() ({
      %run_scoped3A = tpu.sem_alloc : memref<!tpu.dma_semaphore, #tpu.memory_space<semaphore_mem>>
      %dma_start3A = tpu.memref_slice %arg17[%mul3A_146] : memref<40960xf32, #tpu.memory_space<vmem_shared>> -> memref<1280xf32, #tpu.memory_space<vmem_shared>>
      %dma_start3A_317 = tpu.memref_slice %arg17[%mul3A_146] : memref<40960xf32, #tpu.memory_space<vmem_shared>> -> memref<1280xf32, #tpu.memory_space<vmem_shared>>
      tpu.enqueue_dma source(%dma_start3A_317 : memref<1280xf32, #tpu.memory_space<vmem_shared>>) target(%arg14 : memref<1280xf32, #tpu.memory_space<vmem>>) target_semaphore(%run_scoped3A : memref<!tpu.dma_semaphore, #tpu.memory_space<semaphore_mem>>)
      %dma_wait3A = tpu.memref_slice %arg17[%mul3A_146] : memref<40960xf32, #tpu.memory_space<vmem_shared>> -> memref<1280xf32, #tpu.memory_space<vmem_shared>>
      %dma_wait3A_318 = tpu.memref_slice %arg17[%mul3A_146] : memref<40960xf32, #tpu.memory_space<vmem_shared>> -> memref<1280xf32, #tpu.memory_space<vmem_shared>>
      tpu.wait_dma2 semaphore(%run_scoped3A : memref<!tpu.dma_semaphore, #tpu.memory_space<semaphore_mem>>) src(%dma_wait3A_318 : memref<1280xf32, #tpu.memory_space<vmem_shared>>) dst(%arg14 : memref<1280xf32, #tpu.memory_space<vmem>>)
      tpu.yield
    }) : () -> ()
    %scan3A_147 = arith.constant 0 : i32
    %scan3A_148 = arith.constant 0 : i32
    %scan3A_149 = arith.constant 10 : i32
    %scan3A_150 = arith.addi %scan3A_148, %scan3A_149 : i32
    %scan3A_151 = arith.constant 1 : i32
    %scan3A_152 = scf.for %scan3A_317 = %scan3A_148 to %scan3A_150 step %scan3A_151 iter_args(%scan3A_318 = %scan3A_147) -> (i32)  : i32 {
      %mul3A_319 = arith.constant 8 : i32
      %mul3A_320 = arith.muli %scan3A_317, %mul3A_319 : i32
      %add3A_321 = arith.constant 0 : i32
      %add3A_322 = arith.addi %mul3A_320, %add3A_321 : i32
      %mul3A_323 = arith.constant 16 : i32
      %mul3A_324 = arith.muli %add3A_322, %mul3A_323 : i32
      %get3A_325 = arith.index_cast %mul3A_324 : i32 to index
      %get3A_326 = tpu.vector_load %arg10[%get3A_325] {strides = array<i32>} : memref<1280xf32, #tpu.memory_space<vmem>>, vector<16xf32>,
      %get3A_327 = arith.index_cast %mul3A_324 : i32 to index
      %get3A_328 = tpu.vector_load %arg14[%get3A_327] {strides = array<i32>} : memref<1280xf32, #tpu.memory_space<vmem>>, vector<16xf32>,
      %add3A_329 = arith.addf %get3A_326, %get3A_328 : vector<16xf32>
      %swap3A_330 = arith.index_cast %mul3A_324 : i32 to index
      %swap3A_331 = tpu.vector_load %arg10[%swap3A_330] {strides = array<i32>} : memref<1280xf32, #tpu.memory_space<vmem>>, vector<16xf32>,
      tpu.vector_store %arg10[%swap3A_330], %add3A_329 {strides = array<i32>} : memref<1280xf32, #tpu.memory_space<vmem>>, vector<16xf32>,
      %mul3A_332 = arith.constant 8 : i32
      %mul3A_333 = arith.muli %scan3A_317, %mul3A_332 : i32
      %add3A_334 = arith.constant 1 : i32
      %add3A_335 = arith.addi %mul3A_333, %add3A_334 : i32
      %mul3A_336 = arith.constant 16 : i32
      %mul3A_337 = arith.muli %add3A_335, %mul3A_336 : i32
      %get3A_338 = arith.index_cast %mul3A_337 : i32 to index
      %get3A_339 = tpu.vector_load %arg10[%get3A_338] {strides = array<i32>} : memref<1280xf32, #tpu.memory_space<vmem>>, vector<16xf32>,
      %get3A_340 = arith.index_cast %mul3A_337 : i32 to index
      %get3A_341 = tpu.vector_load %arg14[%get3A_340] {strides = array<i32>} : memref<1280xf32, #tpu.memory_space<vmem>>, vector<16xf32>,
      %add3A_342 = arith.addf %get3A_339, %get3A_341 : vector<16xf32>
      %swap3A_343 = arith.index_cast %mul3A_337 : i32 to index
      %swap3A_344 = tpu.vector_load %arg10[%swap3A_343] {strides = array<i32>} : memref<1280xf32, #tpu.memory_space<vmem>>, vector<16xf32>,
      tpu.vector_store %arg10[%swap3A_343], %add3A_342 {strides = array<i32>} : memref<1280xf32, #tpu.memory_space<vmem>>, vector<16xf32>,
      %mul3A_345 = arith.constant 8 : i32
      %mul3A_346 = arith.muli %scan3A_317, %mul3A_345 : i32
      %add3A_347 = arith.constant 2 : i32
      %add3A_348 = arith.addi %mul3A_346, %add3A_347 : i32
      %mul3A_349 = arith.constant 16 : i32
      %mul3A_350 = arith.muli %add3A_348, %mul3A_349 : i32
      %get3A_351 = arith.index_cast %mul3A_350 : i32 to index
      %get3A_352 = tpu.vector_load %arg10[%get3A_351] {strides = array<i32>} : memref<1280xf32, #tpu.memory_space<vmem>>, vector<16xf32>,
      %get3A_353 = arith.index_cast %mul3A_350 : i32 to index
      %get3A_354 = tpu.vector_load %arg14[%get3A_353] {strides = array<i32>} : memref<1280xf32, #tpu.memory_space<vmem>>, vector<16xf32>,
      %add3A_355 = arith.addf %get3A_352, %get3A_354 : vector<16xf32>
      %swap3A_356 = arith.index_cast %mul3A_350 : i32 to index
      %swap3A_357 = tpu.vector_load %arg10[%swap3A_356] {strides = array<i32>} : memref<1280xf32, #tpu.memory_space<vmem>>, vector<16xf32>,
      tpu.vector_store %arg10[%swap3A_356], %add3A_355 {strides = array<i32>} : memref<1280xf32, #tpu.memory_space<vmem>>, vector<16xf32>,
      %mul3A_358 = arith.constant 8 : i32
      %mul3A_359 = arith.muli %scan3A_317, %mul3A_358 : i32
      %add3A_360 = arith.constant 3 : i32
      %add3A_361 = arith.addi %mul3A_359, %add3A_360 : i32
      %mul3A_362 = arith.constant 16 : i32
      %mul3A_363 = arith.muli %add3A_361, %mul3A_362 : i32
      %get3A_364 = arith.index_cast %mul3A_363 : i32 to index
      %get3A_365 = tpu.vector_load %arg10[%get3A_364] {strides = array<i32>} : memref<1280xf32, #tpu.memory_space<vmem>>, vector<16xf32>,
      %get3A_366 = arith.index_cast %mul3A_363 : i32 to index
      %get3A_367 = tpu.vector_load %arg14[%get3A_366] {strides = array<i32>} : memref<1280xf32, #tpu.memory_space<vmem>>, vector<16xf32>,
      %add3A_368 = arith.addf %get3A_365, %get3A_367 : vector<16xf32>
      %swap3A_369 = arith.index_cast %mul3A_363 : i32 to index
      %swap3A_370 = tpu.vector_load %arg10[%swap3A_369] {strides = array<i32>} : memref<1280xf32, #tpu.memory_space<vmem>>, vector<16xf32>,
      tpu.vector_store %arg10[%swap3A_369], %add3A_368 {strides = array<i32>} : memref<1280xf32, #tpu.memory_space<vmem>>, vector<16xf32>,
      %mul3A_371 = arith.constant 8 : i32
      %mul3A_372 = arith.muli %scan3A_317, %mul3A_371 : i32
      %add3A_373 = arith.constant 4 : i32
      %add3A_374 = arith.addi %mul3A_372, %add3A_373 : i32
      %mul3A_375 = arith.constant 16 : i32
      %mul3A_376 = arith.muli %add3A_374, %mul3A_375 : i32
      %get3A_377 = arith.index_cast %mul3A_376 : i32 to index
      %get3A_378 = tpu.vector_load %arg10[%get3A_377] {strides = array<i32>} : memref<1280xf32, #tpu.memory_space<vmem>>, vector<16xf32>,
      %get3A_379 = arith.index_cast %mul3A_376 : i32 to index
      %get3A_380 = tpu.vector_load %arg14[%get3A_379] {strides = array<i32>} : memref<1280xf32, #tpu.memory_space<vmem>>, vector<16xf32>,
      %add3A_381 = arith.addf %get3A_378, %get3A_380 : vector<16xf32>
      %swap3A_382 = arith.index_cast %mul3A_376 : i32 to index
      %swap3A_383 = tpu.vector_load %arg10[%swap3A_382] {strides = array<i32>} : memref<1280xf32, #tpu.memory_space<vmem>>, vector<16xf32>,
      tpu.vector_store %arg10[%swap3A_382], %add3A_381 {strides = array<i32>} : memref<1280xf32, #tpu.memory_space<vmem>>, vector<16xf32>,
      %mul3A_384 = arith.constant 8 : i32
      %mul3A_385 = arith.muli %scan3A_317, %mul3A_384 : i32
      %add3A_386 = arith.constant 5 : i32
      %add3A_387 = arith.addi %mul3A_385, %add3A_386 : i32
      %mul3A_388 = arith.constant 16 : i32
      %mul3A_389 = arith.muli %add3A_387, %mul3A_388 : i32
      %get3A_390 = arith.index_cast %mul3A_389 : i32 to index
      %get3A_391 = tpu.vector_load %arg10[%get3A_390] {strides = array<i32>} : memref<1280xf32, #tpu.memory_space<vmem>>, vector<16xf32>,
      %get3A_392 = arith.index_cast %mul3A_389 : i32 to index
      %get3A_393 = tpu.vector_load %arg14[%get3A_392] {strides = array<i32>} : memref<1280xf32, #tpu.memory_space<vmem>>, vector<16xf32>,
      %add3A_394 = arith.addf %get3A_391, %get3A_393 : vector<16xf32>
      %swap3A_395 = arith.index_cast %mul3A_389 : i32 to index
      %swap3A_396 = tpu.vector_load %arg10[%swap3A_395] {strides = array<i32>} : memref<1280xf32, #tpu.memory_space<vmem>>, vector<16xf32>,
      tpu.vector_store %arg10[%swap3A_395], %add3A_394 {strides = array<i32>} : memref<1280xf32, #tpu.memory_space<vmem>>, vector<16xf32>,
      %mul3A_397 = arith.constant 8 : i32
      %mul3A_398 = arith.muli %scan3A_317, %mul3A_397 : i32
      %add3A_399 = arith.constant 6 : i32
      %add3A_400 = arith.addi %mul3A_398, %add3A_399 : i32
      %mul3A_401 = arith.constant 16 : i32
      %mul3A_402 = arith.muli %add3A_400, %mul3A_401 : i32
      %get3A_403 = arith.index_cast %mul3A_402 : i32 to index
      %get3A_404 = tpu.vector_load %arg10[%get3A_403] {strides = array<i32>} : memref<1280xf32, #tpu.memory_space<vmem>>, vector<16xf32>,
      %get3A_405 = arith.index_cast %mul3A_402 : i32 to index
      %get3A_406 = tpu.vector_load %arg14[%get3A_405] {strides = array<i32>} : memref<1280xf32, #tpu.memory_space<vmem>>, vector<16xf32>,
      %add3A_407 = arith.addf %get3A_404, %get3A_406 : vector<16xf32>
      %swap3A_408 = arith.index_cast %mul3A_402 : i32 to index
      %swap3A_409 = tpu.vector_load %arg10[%swap3A_408] {strides = array<i32>} : memref<1280xf32, #tpu.memory_space<vmem>>, vector<16xf32>,
      tpu.vector_store %arg10[%swap3A_408], %add3A_407 {strides = array<i32>} : memref<1280xf32, #tpu.memory_space<vmem>>, vector<16xf32>,
      %mul3A_410 = arith.constant 8 : i32
      %mul3A_411 = arith.muli %scan3A_317, %mul3A_410 : i32
      %add3A_412 = arith.constant 7 : i32
      %add3A_413 = arith.addi %mul3A_411, %add3A_412 : i32
      %mul3A_414 = arith.constant 16 : i32
      %mul3A_415 = arith.muli %add3A_413, %mul3A_414 : i32
      %get3A_416 = arith.index_cast %mul3A_415 : i32 to index
      %get3A_417 = tpu.vector_load %arg10[%get3A_416] {strides = array<i32>} : memref<1280xf32, #tpu.memory_space<vmem>>, vector<16xf32>,
      %get3A_418 = arith.index_cast %mul3A_415 : i32 to index
      %get3A_419 = tpu.vector_load %arg14[%get3A_418] {strides = array<i32>} : memref<1280xf32, #tpu.memory_space<vmem>>, vector<16xf32>,
      %add3A_420 = arith.addf %get3A_417, %get3A_419 : vector<16xf32>
      %swap3A_421 = arith.index_cast %mul3A_415 : i32 to index
      %swap3A_422 = tpu.vector_load %arg10[%swap3A_421] {strides = array<i32>} : memref<1280xf32, #tpu.memory_space<vmem>>, vector<16xf32>,
      tpu.vector_store %arg10[%swap3A_421], %add3A_420 {strides = array<i32>} : memref<1280xf32, #tpu.memory_space<vmem>>, vector<16xf32>,
      %scan3A_423 = arith.constant 0 : i32
      scf.yield %scan3A_423 : i32
    }
    %scan3A_153 = arith.constant 10 : i32
    %mul3A_154 = arith.constant 4 : i32
    %mul3A_155 = arith.muli %select_n3A, %mul3A_154 : i32
    %add3A_156 = arith.constant 2 : i32
    %add3A_157 = arith.addi %mul3A_155, %add3A_156 : i32
    %mul3A_158 = arith.constant 2 : i32
    %mul3A_159 = arith.muli %add3A_157, %mul3A_158 : i32
    %mul3A_160 = arith.constant 1280 : i32
    %mul3A_161 = arith.muli %mul3A_159, %mul3A_160 : i32
    "tpu.region"() ({
      %run_scoped3A = tpu.sem_alloc : memref<!tpu.dma_semaphore, #tpu.memory_space<semaphore_mem>>
      %dma_start3A = tpu.memref_slice %arg17[%mul3A_161] : memref<40960xf32, #tpu.memory_space<vmem_shared>> -> memref<1280xf32, #tpu.memory_space<vmem_shared>>
      %dma_start3A_317 = tpu.memref_slice %arg17[%mul3A_161] : memref<40960xf32, #tpu.memory_space<vmem_shared>> -> memref<1280xf32, #tpu.memory_space<vmem_shared>>
      tpu.enqueue_dma source(%dma_start3A_317 : memref<1280xf32, #tpu.memory_space<vmem_shared>>) target(%arg14 : memref<1280xf32, #tpu.memory_space<vmem>>) target_semaphore(%run_scoped3A : memref<!tpu.dma_semaphore, #tpu.memory_space<semaphore_mem>>)
      %dma_wait3A = tpu.memref_slice %arg17[%mul3A_161] : memref<40960xf32, #tpu.memory_space<vmem_shared>> -> memref<1280xf32, #tpu.memory_space<vmem_shared>>
      %dma_wait3A_318 = tpu.memref_slice %arg17[%mul3A_161] : memref<40960xf32, #tpu.memory_space<vmem_shared>> -> memref<1280xf32, #tpu.memory_space<vmem_shared>>
      tpu.wait_dma2 semaphore(%run_scoped3A : memref<!tpu.dma_semaphore, #tpu.memory_space<semaphore_mem>>) src(%dma_wait3A_318 : memref<1280xf32, #tpu.memory_space<vmem_shared>>) dst(%arg14 : memref<1280xf32, #tpu.memory_space<vmem>>)
      tpu.yield
    }) : () -> ()
    %scan3A_162 = arith.constant 0 : i32
    %scan3A_163 = arith.constant 0 : i32
    %scan3A_164 = arith.constant 10 : i32
    %scan3A_165 = arith.addi %scan3A_163, %scan3A_164 : i32
    %scan3A_166 = arith.constant 1 : i32
    %scan3A_167 = scf.for %scan3A_317 = %scan3A_163 to %scan3A_165 step %scan3A_166 iter_args(%scan3A_318 = %scan3A_162) -> (i32)  : i32 {
      %mul3A_319 = arith.constant 8 : i32
      %mul3A_320 = arith.muli %scan3A_317, %mul3A_319 : i32
      %add3A_321 = arith.constant 0 : i32
      %add3A_322 = arith.addi %mul3A_320, %add3A_321 : i32
      %mul3A_323 = arith.constant 16 : i32
      %mul3A_324 = arith.muli %add3A_322, %mul3A_323 : i32
      %get3A_325 = arith.index_cast %mul3A_324 : i32 to index
      %get3A_326 = tpu.vector_load %arg9[%get3A_325] {strides = array<i32>} : memref<1280xf32, #tpu.memory_space<vmem>>, vector<16xf32>,
      %get3A_327 = arith.index_cast %mul3A_324 : i32 to index
      %get3A_328 = tpu.vector_load %arg14[%get3A_327] {strides = array<i32>} : memref<1280xf32, #tpu.memory_space<vmem>>, vector<16xf32>,
      %add3A_329 = arith.addf %get3A_326, %get3A_328 : vector<16xf32>
      %swap3A_330 = arith.index_cast %mul3A_324 : i32 to index
      %swap3A_331 = tpu.vector_load %arg9[%swap3A_330] {strides = array<i32>} : memref<1280xf32, #tpu.memory_space<vmem>>, vector<16xf32>,
      tpu.vector_store %arg9[%swap3A_330], %add3A_329 {strides = array<i32>} : memref<1280xf32, #tpu.memory_space<vmem>>, vector<16xf32>,
      %mul3A_332 = arith.constant 8 : i32
      %mul3A_333 = arith.muli %scan3A_317, %mul3A_332 : i32
      %add3A_334 = arith.constant 1 : i32
      %add3A_335 = arith.addi %mul3A_333, %add3A_334 : i32
      %mul3A_336 = arith.constant 16 : i32
      %mul3A_337 = arith.muli %add3A_335, %mul3A_336 : i32
      %get3A_338 = arith.index_cast %mul3A_337 : i32 to index
      %get3A_339 = tpu.vector_load %arg9[%get3A_338] {strides = array<i32>} : memref<1280xf32, #tpu.memory_space<vmem>>, vector<16xf32>,
      %get3A_340 = arith.index_cast %mul3A_337 : i32 to index
      %get3A_341 = tpu.vector_load %arg14[%get3A_340] {strides = array<i32>} : memref<1280xf32, #tpu.memory_space<vmem>>, vector<16xf32>,
      %add3A_342 = arith.addf %get3A_339, %get3A_341 : vector<16xf32>
      %swap3A_343 = arith.index_cast %mul3A_337 : i32 to index
      %swap3A_344 = tpu.vector_load %arg9[%swap3A_343] {strides = array<i32>} : memref<1280xf32, #tpu.memory_space<vmem>>, vector<16xf32>,
      tpu.vector_store %arg9[%swap3A_343], %add3A_342 {strides = array<i32>} : memref<1280xf32, #tpu.memory_space<vmem>>, vector<16xf32>,
      %mul3A_345 = arith.constant 8 : i32
      %mul3A_346 = arith.muli %scan3A_317, %mul3A_345 : i32
      %add3A_347 = arith.constant 2 : i32
      %add3A_348 = arith.addi %mul3A_346, %add3A_347 : i32
      %mul3A_349 = arith.constant 16 : i32
      %mul3A_350 = arith.muli %add3A_348, %mul3A_349 : i32
      %get3A_351 = arith.index_cast %mul3A_350 : i32 to index
      %get3A_352 = tpu.vector_load %arg9[%get3A_351] {strides = array<i32>} : memref<1280xf32, #tpu.memory_space<vmem>>, vector<16xf32>,
      %get3A_353 = arith.index_cast %mul3A_350 : i32 to index
      %get3A_354 = tpu.vector_load %arg14[%get3A_353] {strides = array<i32>} : memref<1280xf32, #tpu.memory_space<vmem>>, vector<16xf32>,
      %add3A_355 = arith.addf %get3A_352, %get3A_354 : vector<16xf32>
      %swap3A_356 = arith.index_cast %mul3A_350 : i32 to index
      %swap3A_357 = tpu.vector_load %arg9[%swap3A_356] {strides = array<i32>} : memref<1280xf32, #tpu.memory_space<vmem>>, vector<16xf32>,
      tpu.vector_store %arg9[%swap3A_356], %add3A_355 {strides = array<i32>} : memref<1280xf32, #tpu.memory_space<vmem>>, vector<16xf32>,
      %mul3A_358 = arith.constant 8 : i32
      %mul3A_359 = arith.muli %scan3A_317, %mul3A_358 : i32
      %add3A_360 = arith.constant 3 : i32
      %add3A_361 = arith.addi %mul3A_359, %add3A_360 : i32
      %mul3A_362 = arith.constant 16 : i32
      %mul3A_363 = arith.muli %add3A_361, %mul3A_362 : i32
      %get3A_364 = arith.index_cast %mul3A_363 : i32 to index
      %get3A_365 = tpu.vector_load %arg9[%get3A_364] {strides = array<i32>} : memref<1280xf32, #tpu.memory_space<vmem>>, vector<16xf32>,
      %get3A_366 = arith.index_cast %mul3A_363 : i32 to index
      %get3A_367 = tpu.vector_load %arg14[%get3A_366] {strides = array<i32>} : memref<1280xf32, #tpu.memory_space<vmem>>, vector<16xf32>,
      %add3A_368 = arith.addf %get3A_365, %get3A_367 : vector<16xf32>
      %swap3A_369 = arith.index_cast %mul3A_363 : i32 to index
      %swap3A_370 = tpu.vector_load %arg9[%swap3A_369] {strides = array<i32>} : memref<1280xf32, #tpu.memory_space<vmem>>, vector<16xf32>,
      tpu.vector_store %arg9[%swap3A_369], %add3A_368 {strides = array<i32>} : memref<1280xf32, #tpu.memory_space<vmem>>, vector<16xf32>,
      %mul3A_371 = arith.constant 8 : i32
      %mul3A_372 = arith.muli %scan3A_317, %mul3A_371 : i32
      %add3A_373 = arith.constant 4 : i32
      %add3A_374 = arith.addi %mul3A_372, %add3A_373 : i32
      %mul3A_375 = arith.constant 16 : i32
      %mul3A_376 = arith.muli %add3A_374, %mul3A_375 : i32
      %get3A_377 = arith.index_cast %mul3A_376 : i32 to index
      %get3A_378 = tpu.vector_load %arg9[%get3A_377] {strides = array<i32>} : memref<1280xf32, #tpu.memory_space<vmem>>, vector<16xf32>,
      %get3A_379 = arith.index_cast %mul3A_376 : i32 to index
      %get3A_380 = tpu.vector_load %arg14[%get3A_379] {strides = array<i32>} : memref<1280xf32, #tpu.memory_space<vmem>>, vector<16xf32>,
      %add3A_381 = arith.addf %get3A_378, %get3A_380 : vector<16xf32>
      %swap3A_382 = arith.index_cast %mul3A_376 : i32 to index
      %swap3A_383 = tpu.vector_load %arg9[%swap3A_382] {strides = array<i32>} : memref<1280xf32, #tpu.memory_space<vmem>>, vector<16xf32>,
      tpu.vector_store %arg9[%swap3A_382], %add3A_381 {strides = array<i32>} : memref<1280xf32, #tpu.memory_space<vmem>>, vector<16xf32>,
      %mul3A_384 = arith.constant 8 : i32
      %mul3A_385 = arith.muli %scan3A_317, %mul3A_384 : i32
      %add3A_386 = arith.constant 5 : i32
      %add3A_387 = arith.addi %mul3A_385, %add3A_386 : i32
      %mul3A_388 = arith.constant 16 : i32
      %mul3A_389 = arith.muli %add3A_387, %mul3A_388 : i32
      %get3A_390 = arith.index_cast %mul3A_389 : i32 to index
      %get3A_391 = tpu.vector_load %arg9[%get3A_390] {strides = array<i32>} : memref<1280xf32, #tpu.memory_space<vmem>>, vector<16xf32>,
      %get3A_392 = arith.index_cast %mul3A_389 : i32 to index
      %get3A_393 = tpu.vector_load %arg14[%get3A_392] {strides = array<i32>} : memref<1280xf32, #tpu.memory_space<vmem>>, vector<16xf32>,
      %add3A_394 = arith.addf %get3A_391, %get3A_393 : vector<16xf32>
      %swap3A_395 = arith.index_cast %mul3A_389 : i32 to index
      %swap3A_396 = tpu.vector_load %arg9[%swap3A_395] {strides = array<i32>} : memref<1280xf32, #tpu.memory_space<vmem>>, vector<16xf32>,
      tpu.vector_store %arg9[%swap3A_395], %add3A_394 {strides = array<i32>} : memref<1280xf32, #tpu.memory_space<vmem>>, vector<16xf32>,
      %mul3A_397 = arith.constant 8 : i32
      %mul3A_398 = arith.muli %scan3A_317, %mul3A_397 : i32
      %add3A_399 = arith.constant 6 : i32
      %add3A_400 = arith.addi %mul3A_398, %add3A_399 : i32
      %mul3A_401 = arith.constant 16 : i32
      %mul3A_402 = arith.muli %add3A_400, %mul3A_401 : i32
      %get3A_403 = arith.index_cast %mul3A_402 : i32 to index
      %get3A_404 = tpu.vector_load %arg9[%get3A_403] {strides = array<i32>} : memref<1280xf32, #tpu.memory_space<vmem>>, vector<16xf32>,
      %get3A_405 = arith.index_cast %mul3A_402 : i32 to index
      %get3A_406 = tpu.vector_load %arg14[%get3A_405] {strides = array<i32>} : memref<1280xf32, #tpu.memory_space<vmem>>, vector<16xf32>,
      %add3A_407 = arith.addf %get3A_404, %get3A_406 : vector<16xf32>
      %swap3A_408 = arith.index_cast %mul3A_402 : i32 to index
      %swap3A_409 = tpu.vector_load %arg9[%swap3A_408] {strides = array<i32>} : memref<1280xf32, #tpu.memory_space<vmem>>, vector<16xf32>,
      tpu.vector_store %arg9[%swap3A_408], %add3A_407 {strides = array<i32>} : memref<1280xf32, #tpu.memory_space<vmem>>, vector<16xf32>,
      %mul3A_410 = arith.constant 8 : i32
      %mul3A_411 = arith.muli %scan3A_317, %mul3A_410 : i32
      %add3A_412 = arith.constant 7 : i32
      %add3A_413 = arith.addi %mul3A_411, %add3A_412 : i32
      %mul3A_414 = arith.constant 16 : i32
      %mul3A_415 = arith.muli %add3A_413, %mul3A_414 : i32
      %get3A_416 = arith.index_cast %mul3A_415 : i32 to index
      %get3A_417 = tpu.vector_load %arg9[%get3A_416] {strides = array<i32>} : memref<1280xf32, #tpu.memory_space<vmem>>, vector<16xf32>,
      %get3A_418 = arith.index_cast %mul3A_415 : i32 to index
      %get3A_419 = tpu.vector_load %arg14[%get3A_418] {strides = array<i32>} : memref<1280xf32, #tpu.memory_space<vmem>>, vector<16xf32>,
      %add3A_420 = arith.addf %get3A_417, %get3A_419 : vector<16xf32>
      %swap3A_421 = arith.index_cast %mul3A_415 : i32 to index
      %swap3A_422 = tpu.vector_load %arg9[%swap3A_421] {strides = array<i32>} : memref<1280xf32, #tpu.memory_space<vmem>>, vector<16xf32>,
      tpu.vector_store %arg9[%swap3A_421], %add3A_420 {strides = array<i32>} : memref<1280xf32, #tpu.memory_space<vmem>>, vector<16xf32>,
      %scan3A_423 = arith.constant 0 : i32
      scf.yield %scan3A_423 : i32
    }
    %scan3A_168 = arith.constant 10 : i32
    %add3A_169 = arith.constant 1 : i32
    %add3A_170 = arith.addi %mul3A_159, %add3A_169 : i32
    %mul3A_171 = arith.constant 1280 : i32
    %mul3A_172 = arith.muli %add3A_170, %mul3A_171 : i32
    "tpu.region"() ({
      %run_scoped3A = tpu.sem_alloc : memref<!tpu.dma_semaphore, #tpu.memory_space<semaphore_mem>>
      %dma_start3A = tpu.memref_slice %arg17[%mul3A_172] : memref<40960xf32, #tpu.memory_space<vmem_shared>> -> memref<1280xf32, #tpu.memory_space<vmem_shared>>
      %dma_start3A_317 = tpu.memref_slice %arg17[%mul3A_172] : memref<40960xf32, #tpu.memory_space<vmem_shared>> -> memref<1280xf32, #tpu.memory_space<vmem_shared>>
      tpu.enqueue_dma source(%dma_start3A_317 : memref<1280xf32, #tpu.memory_space<vmem_shared>>) target(%arg14 : memref<1280xf32, #tpu.memory_space<vmem>>) target_semaphore(%run_scoped3A : memref<!tpu.dma_semaphore, #tpu.memory_space<semaphore_mem>>)
      %dma_wait3A = tpu.memref_slice %arg17[%mul3A_172] : memref<40960xf32, #tpu.memory_space<vmem_shared>> -> memref<1280xf32, #tpu.memory_space<vmem_shared>>
      %dma_wait3A_318 = tpu.memref_slice %arg17[%mul3A_172] : memref<40960xf32, #tpu.memory_space<vmem_shared>> -> memref<1280xf32, #tpu.memory_space<vmem_shared>>
      tpu.wait_dma2 semaphore(%run_scoped3A : memref<!tpu.dma_semaphore, #tpu.memory_space<semaphore_mem>>) src(%dma_wait3A_318 : memref<1280xf32, #tpu.memory_space<vmem_shared>>) dst(%arg14 : memref<1280xf32, #tpu.memory_space<vmem>>)
      tpu.yield
    }) : () -> ()
    %scan3A_173 = arith.constant 0 : i32
    %scan3A_174 = arith.constant 0 : i32
    %scan3A_175 = arith.constant 10 : i32
    %scan3A_176 = arith.addi %scan3A_174, %scan3A_175 : i32
    %scan3A_177 = arith.constant 1 : i32
    %scan3A_178 = scf.for %scan3A_317 = %scan3A_174 to %scan3A_176 step %scan3A_177 iter_args(%scan3A_318 = %scan3A_173) -> (i32)  : i32 {
      %mul3A_319 = arith.constant 8 : i32
      %mul3A_320 = arith.muli %scan3A_317, %mul3A_319 : i32
      %add3A_321 = arith.constant 0 : i32
      %add3A_322 = arith.addi %mul3A_320, %add3A_321 : i32
      %mul3A_323 = arith.constant 16 : i32
      %mul3A_324 = arith.muli %add3A_322, %mul3A_323 : i32
      %get3A_325 = arith.index_cast %mul3A_324 : i32 to index
      %get3A_326 = tpu.vector_load %arg10[%get3A_325] {strides = array<i32>} : memref<1280xf32, #tpu.memory_space<vmem>>, vector<16xf32>,
      %get3A_327 = arith.index_cast %mul3A_324 : i32 to index
      %get3A_328 = tpu.vector_load %arg14[%get3A_327] {strides = array<i32>} : memref<1280xf32, #tpu.memory_space<vmem>>, vector<16xf32>,
      %add3A_329 = arith.addf %get3A_326, %get3A_328 : vector<16xf32>
      %swap3A_330 = arith.index_cast %mul3A_324 : i32 to index
      %swap3A_331 = tpu.vector_load %arg10[%swap3A_330] {strides = array<i32>} : memref<1280xf32, #tpu.memory_space<vmem>>, vector<16xf32>,
      tpu.vector_store %arg10[%swap3A_330], %add3A_329 {strides = array<i32>} : memref<1280xf32, #tpu.memory_space<vmem>>, vector<16xf32>,
      %mul3A_332 = arith.constant 8 : i32
      %mul3A_333 = arith.muli %scan3A_317, %mul3A_332 : i32
      %add3A_334 = arith.constant 1 : i32
      %add3A_335 = arith.addi %mul3A_333, %add3A_334 : i32
      %mul3A_336 = arith.constant 16 : i32
      %mul3A_337 = arith.muli %add3A_335, %mul3A_336 : i32
      %get3A_338 = arith.index_cast %mul3A_337 : i32 to index
      %get3A_339 = tpu.vector_load %arg10[%get3A_338] {strides = array<i32>} : memref<1280xf32, #tpu.memory_space<vmem>>, vector<16xf32>,
      %get3A_340 = arith.index_cast %mul3A_337 : i32 to index
      %get3A_341 = tpu.vector_load %arg14[%get3A_340] {strides = array<i32>} : memref<1280xf32, #tpu.memory_space<vmem>>, vector<16xf32>,
      %add3A_342 = arith.addf %get3A_339, %get3A_341 : vector<16xf32>
      %swap3A_343 = arith.index_cast %mul3A_337 : i32 to index
      %swap3A_344 = tpu.vector_load %arg10[%swap3A_343] {strides = array<i32>} : memref<1280xf32, #tpu.memory_space<vmem>>, vector<16xf32>,
      tpu.vector_store %arg10[%swap3A_343], %add3A_342 {strides = array<i32>} : memref<1280xf32, #tpu.memory_space<vmem>>, vector<16xf32>,
      %mul3A_345 = arith.constant 8 : i32
      %mul3A_346 = arith.muli %scan3A_317, %mul3A_345 : i32
      %add3A_347 = arith.constant 2 : i32
      %add3A_348 = arith.addi %mul3A_346, %add3A_347 : i32
      %mul3A_349 = arith.constant 16 : i32
      %mul3A_350 = arith.muli %add3A_348, %mul3A_349 : i32
      %get3A_351 = arith.index_cast %mul3A_350 : i32 to index
      %get3A_352 = tpu.vector_load %arg10[%get3A_351] {strides = array<i32>} : memref<1280xf32, #tpu.memory_space<vmem>>, vector<16xf32>,
      %get3A_353 = arith.index_cast %mul3A_350 : i32 to index
      %get3A_354 = tpu.vector_load %arg14[%get3A_353] {strides = array<i32>} : memref<1280xf32, #tpu.memory_space<vmem>>, vector<16xf32>,
      %add3A_355 = arith.addf %get3A_352, %get3A_354 : vector<16xf32>
      %swap3A_356 = arith.index_cast %mul3A_350 : i32 to index
      %swap3A_357 = tpu.vector_load %arg10[%swap3A_356] {strides = array<i32>} : memref<1280xf32, #tpu.memory_space<vmem>>, vector<16xf32>,
      tpu.vector_store %arg10[%swap3A_356], %add3A_355 {strides = array<i32>} : memref<1280xf32, #tpu.memory_space<vmem>>, vector<16xf32>,
      %mul3A_358 = arith.constant 8 : i32
      %mul3A_359 = arith.muli %scan3A_317, %mul3A_358 : i32
      %add3A_360 = arith.constant 3 : i32
      %add3A_361 = arith.addi %mul3A_359, %add3A_360 : i32
      %mul3A_362 = arith.constant 16 : i32
      %mul3A_363 = arith.muli %add3A_361, %mul3A_362 : i32
      %get3A_364 = arith.index_cast %mul3A_363 : i32 to index
      %get3A_365 = tpu.vector_load %arg10[%get3A_364] {strides = array<i32>} : memref<1280xf32, #tpu.memory_space<vmem>>, vector<16xf32>,
      %get3A_366 = arith.index_cast %mul3A_363 : i32 to index
      %get3A_367 = tpu.vector_load %arg14[%get3A_366] {strides = array<i32>} : memref<1280xf32, #tpu.memory_space<vmem>>, vector<16xf32>,
      %add3A_368 = arith.addf %get3A_365, %get3A_367 : vector<16xf32>
      %swap3A_369 = arith.index_cast %mul3A_363 : i32 to index
      %swap3A_370 = tpu.vector_load %arg10[%swap3A_369] {strides = array<i32>} : memref<1280xf32, #tpu.memory_space<vmem>>, vector<16xf32>,
      tpu.vector_store %arg10[%swap3A_369], %add3A_368 {strides = array<i32>} : memref<1280xf32, #tpu.memory_space<vmem>>, vector<16xf32>,
      %mul3A_371 = arith.constant 8 : i32
      %mul3A_372 = arith.muli %scan3A_317, %mul3A_371 : i32
      %add3A_373 = arith.constant 4 : i32
      %add3A_374 = arith.addi %mul3A_372, %add3A_373 : i32
      %mul3A_375 = arith.constant 16 : i32
      %mul3A_376 = arith.muli %add3A_374, %mul3A_375 : i32
      %get3A_377 = arith.index_cast %mul3A_376 : i32 to index
      %get3A_378 = tpu.vector_load %arg10[%get3A_377] {strides = array<i32>} : memref<1280xf32, #tpu.memory_space<vmem>>, vector<16xf32>,
      %get3A_379 = arith.index_cast %mul3A_376 : i32 to index
      %get3A_380 = tpu.vector_load %arg14[%get3A_379] {strides = array<i32>} : memref<1280xf32, #tpu.memory_space<vmem>>, vector<16xf32>,
      %add3A_381 = arith.addf %get3A_378, %get3A_380 : vector<16xf32>
      %swap3A_382 = arith.index_cast %mul3A_376 : i32 to index
      %swap3A_383 = tpu.vector_load %arg10[%swap3A_382] {strides = array<i32>} : memref<1280xf32, #tpu.memory_space<vmem>>, vector<16xf32>,
      tpu.vector_store %arg10[%swap3A_382], %add3A_381 {strides = array<i32>} : memref<1280xf32, #tpu.memory_space<vmem>>, vector<16xf32>,
      %mul3A_384 = arith.constant 8 : i32
      %mul3A_385 = arith.muli %scan3A_317, %mul3A_384 : i32
      %add3A_386 = arith.constant 5 : i32
      %add3A_387 = arith.addi %mul3A_385, %add3A_386 : i32
      %mul3A_388 = arith.constant 16 : i32
      %mul3A_389 = arith.muli %add3A_387, %mul3A_388 : i32
      %get3A_390 = arith.index_cast %mul3A_389 : i32 to index
      %get3A_391 = tpu.vector_load %arg10[%get3A_390] {strides = array<i32>} : memref<1280xf32, #tpu.memory_space<vmem>>, vector<16xf32>,
      %get3A_392 = arith.index_cast %mul3A_389 : i32 to index
      %get3A_393 = tpu.vector_load %arg14[%get3A_392] {strides = array<i32>} : memref<1280xf32, #tpu.memory_space<vmem>>, vector<16xf32>,
      %add3A_394 = arith.addf %get3A_391, %get3A_393 : vector<16xf32>
      %swap3A_395 = arith.index_cast %mul3A_389 : i32 to index
      %swap3A_396 = tpu.vector_load %arg10[%swap3A_395] {strides = array<i32>} : memref<1280xf32, #tpu.memory_space<vmem>>, vector<16xf32>,
      tpu.vector_store %arg10[%swap3A_395], %add3A_394 {strides = array<i32>} : memref<1280xf32, #tpu.memory_space<vmem>>, vector<16xf32>,
      %mul3A_397 = arith.constant 8 : i32
      %mul3A_398 = arith.muli %scan3A_317, %mul3A_397 : i32
      %add3A_399 = arith.constant 6 : i32
      %add3A_400 = arith.addi %mul3A_398, %add3A_399 : i32
      %mul3A_401 = arith.constant 16 : i32
      %mul3A_402 = arith.muli %add3A_400, %mul3A_401 : i32
      %get3A_403 = arith.index_cast %mul3A_402 : i32 to index
      %get3A_404 = tpu.vector_load %arg10[%get3A_403] {strides = array<i32>} : memref<1280xf32, #tpu.memory_space<vmem>>, vector<16xf32>,
      %get3A_405 = arith.index_cast %mul3A_402 : i32 to index
      %get3A_406 = tpu.vector_load %arg14[%get3A_405] {strides = array<i32>} : memref<1280xf32, #tpu.memory_space<vmem>>, vector<16xf32>,
      %add3A_407 = arith.addf %get3A_404, %get3A_406 : vector<16xf32>
      %swap3A_408 = arith.index_cast %mul3A_402 : i32 to index
      %swap3A_409 = tpu.vector_load %arg10[%swap3A_408] {strides = array<i32>} : memref<1280xf32, #tpu.memory_space<vmem>>, vector<16xf32>,
      tpu.vector_store %arg10[%swap3A_408], %add3A_407 {strides = array<i32>} : memref<1280xf32, #tpu.memory_space<vmem>>, vector<16xf32>,
      %mul3A_410 = arith.constant 8 : i32
      %mul3A_411 = arith.muli %scan3A_317, %mul3A_410 : i32
      %add3A_412 = arith.constant 7 : i32
      %add3A_413 = arith.addi %mul3A_411, %add3A_412 : i32
      %mul3A_414 = arith.constant 16 : i32
      %mul3A_415 = arith.muli %add3A_413, %mul3A_414 : i32
      %get3A_416 = arith.index_cast %mul3A_415 : i32 to index
      %get3A_417 = tpu.vector_load %arg10[%get3A_416] {strides = array<i32>} : memref<1280xf32, #tpu.memory_space<vmem>>, vector<16xf32>,
      %get3A_418 = arith.index_cast %mul3A_415 : i32 to index
      %get3A_419 = tpu.vector_load %arg14[%get3A_418] {strides = array<i32>} : memref<1280xf32, #tpu.memory_space<vmem>>, vector<16xf32>,
      %add3A_420 = arith.addf %get3A_417, %get3A_419 : vector<16xf32>
      %swap3A_421 = arith.index_cast %mul3A_415 : i32 to index
      %swap3A_422 = tpu.vector_load %arg10[%swap3A_421] {strides = array<i32>} : memref<1280xf32, #tpu.memory_space<vmem>>, vector<16xf32>,
      tpu.vector_store %arg10[%swap3A_421], %add3A_420 {strides = array<i32>} : memref<1280xf32, #tpu.memory_space<vmem>>, vector<16xf32>,
      %scan3A_423 = arith.constant 0 : i32
      scf.yield %scan3A_423 : i32
    }
    %scan3A_179 = arith.constant 10 : i32
    %mul3A_180 = arith.constant 4 : i32
    %mul3A_181 = arith.muli %select_n3A, %mul3A_180 : i32
    %add3A_182 = arith.constant 3 : i32
    %add3A_183 = arith.addi %mul3A_181, %add3A_182 : i32
    %mul3A_184 = arith.constant 2 : i32
    %mul3A_185 = arith.muli %add3A_183, %mul3A_184 : i32
    %mul3A_186 = arith.constant 1280 : i32
    %mul3A_187 = arith.muli %mul3A_185, %mul3A_186 : i32
    "tpu.region"() ({
      %run_scoped3A = tpu.sem_alloc : memref<!tpu.dma_semaphore, #tpu.memory_space<semaphore_mem>>
      %dma_start3A = tpu.memref_slice %arg17[%mul3A_187] : memref<40960xf32, #tpu.memory_space<vmem_shared>> -> memref<1280xf32, #tpu.memory_space<vmem_shared>>
      %dma_start3A_317 = tpu.memref_slice %arg17[%mul3A_187] : memref<40960xf32, #tpu.memory_space<vmem_shared>> -> memref<1280xf32, #tpu.memory_space<vmem_shared>>
      tpu.enqueue_dma source(%dma_start3A_317 : memref<1280xf32, #tpu.memory_space<vmem_shared>>) target(%arg14 : memref<1280xf32, #tpu.memory_space<vmem>>) target_semaphore(%run_scoped3A : memref<!tpu.dma_semaphore, #tpu.memory_space<semaphore_mem>>)
      %dma_wait3A = tpu.memref_slice %arg17[%mul3A_187] : memref<40960xf32, #tpu.memory_space<vmem_shared>> -> memref<1280xf32, #tpu.memory_space<vmem_shared>>
      %dma_wait3A_318 = tpu.memref_slice %arg17[%mul3A_187] : memref<40960xf32, #tpu.memory_space<vmem_shared>> -> memref<1280xf32, #tpu.memory_space<vmem_shared>>
      tpu.wait_dma2 semaphore(%run_scoped3A : memref<!tpu.dma_semaphore, #tpu.memory_space<semaphore_mem>>) src(%dma_wait3A_318 : memref<1280xf32, #tpu.memory_space<vmem_shared>>) dst(%arg14 : memref<1280xf32, #tpu.memory_space<vmem>>)
      tpu.yield
    }) : () -> ()
    %scan3A_188 = arith.constant 0 : i32
    %scan3A_189 = arith.constant 0 : i32
    %scan3A_190 = arith.constant 10 : i32
    %scan3A_191 = arith.addi %scan3A_189, %scan3A_190 : i32
    %scan3A_192 = arith.constant 1 : i32
    %scan3A_193 = scf.for %scan3A_317 = %scan3A_189 to %scan3A_191 step %scan3A_192 iter_args(%scan3A_318 = %scan3A_188) -> (i32)  : i32 {
      %mul3A_319 = arith.constant 8 : i32
      %mul3A_320 = arith.muli %scan3A_317, %mul3A_319 : i32
      %add3A_321 = arith.constant 0 : i32
      %add3A_322 = arith.addi %mul3A_320, %add3A_321 : i32
      %mul3A_323 = arith.constant 16 : i32
      %mul3A_324 = arith.muli %add3A_322, %mul3A_323 : i32
      %get3A_325 = arith.index_cast %mul3A_324 : i32 to index
      %get3A_326 = tpu.vector_load %arg9[%get3A_325] {strides = array<i32>} : memref<1280xf32, #tpu.memory_space<vmem>>, vector<16xf32>,
      %get3A_327 = arith.index_cast %mul3A_324 : i32 to index
      %get3A_328 = tpu.vector_load %arg14[%get3A_327] {strides = array<i32>} : memref<1280xf32, #tpu.memory_space<vmem>>, vector<16xf32>,
      %add3A_329 = arith.addf %get3A_326, %get3A_328 : vector<16xf32>
      %swap3A_330 = arith.index_cast %mul3A_324 : i32 to index
      %swap3A_331 = tpu.vector_load %arg9[%swap3A_330] {strides = array<i32>} : memref<1280xf32, #tpu.memory_space<vmem>>, vector<16xf32>,
      tpu.vector_store %arg9[%swap3A_330], %add3A_329 {strides = array<i32>} : memref<1280xf32, #tpu.memory_space<vmem>>, vector<16xf32>,
      %mul3A_332 = arith.constant 8 : i32
      %mul3A_333 = arith.muli %scan3A_317, %mul3A_332 : i32
      %add3A_334 = arith.constant 1 : i32
      %add3A_335 = arith.addi %mul3A_333, %add3A_334 : i32
      %mul3A_336 = arith.constant 16 : i32
      %mul3A_337 = arith.muli %add3A_335, %mul3A_336 : i32
      %get3A_338 = arith.index_cast %mul3A_337 : i32 to index
      %get3A_339 = tpu.vector_load %arg9[%get3A_338] {strides = array<i32>} : memref<1280xf32, #tpu.memory_space<vmem>>, vector<16xf32>,
      %get3A_340 = arith.index_cast %mul3A_337 : i32 to index
      %get3A_341 = tpu.vector_load %arg14[%get3A_340] {strides = array<i32>} : memref<1280xf32, #tpu.memory_space<vmem>>, vector<16xf32>,
      %add3A_342 = arith.addf %get3A_339, %get3A_341 : vector<16xf32>
      %swap3A_343 = arith.index_cast %mul3A_337 : i32 to index
      %swap3A_344 = tpu.vector_load %arg9[%swap3A_343] {strides = array<i32>} : memref<1280xf32, #tpu.memory_space<vmem>>, vector<16xf32>,
      tpu.vector_store %arg9[%swap3A_343], %add3A_342 {strides = array<i32>} : memref<1280xf32, #tpu.memory_space<vmem>>, vector<16xf32>,
      %mul3A_345 = arith.constant 8 : i32
      %mul3A_346 = arith.muli %scan3A_317, %mul3A_345 : i32
      %add3A_347 = arith.constant 2 : i32
      %add3A_348 = arith.addi %mul3A_346, %add3A_347 : i32
      %mul3A_349 = arith.constant 16 : i32
      %mul3A_350 = arith.muli %add3A_348, %mul3A_349 : i32
      %get3A_351 = arith.index_cast %mul3A_350 : i32 to index
      %get3A_352 = tpu.vector_load %arg9[%get3A_351] {strides = array<i32>} : memref<1280xf32, #tpu.memory_space<vmem>>, vector<16xf32>,
      %get3A_353 = arith.index_cast %mul3A_350 : i32 to index
      %get3A_354 = tpu.vector_load %arg14[%get3A_353] {strides = array<i32>} : memref<1280xf32, #tpu.memory_space<vmem>>, vector<16xf32>,
      %add3A_355 = arith.addf %get3A_352, %get3A_354 : vector<16xf32>
      %swap3A_356 = arith.index_cast %mul3A_350 : i32 to index
      %swap3A_357 = tpu.vector_load %arg9[%swap3A_356] {strides = array<i32>} : memref<1280xf32, #tpu.memory_space<vmem>>, vector<16xf32>,
      tpu.vector_store %arg9[%swap3A_356], %add3A_355 {strides = array<i32>} : memref<1280xf32, #tpu.memory_space<vmem>>, vector<16xf32>,
      %mul3A_358 = arith.constant 8 : i32
      %mul3A_359 = arith.muli %scan3A_317, %mul3A_358 : i32
      %add3A_360 = arith.constant 3 : i32
      %add3A_361 = arith.addi %mul3A_359, %add3A_360 : i32
      %mul3A_362 = arith.constant 16 : i32
      %mul3A_363 = arith.muli %add3A_361, %mul3A_362 : i32
      %get3A_364 = arith.index_cast %mul3A_363 : i32 to index
      %get3A_365 = tpu.vector_load %arg9[%get3A_364] {strides = array<i32>} : memref<1280xf32, #tpu.memory_space<vmem>>, vector<16xf32>,
      %get3A_366 = arith.index_cast %mul3A_363 : i32 to index
      %get3A_367 = tpu.vector_load %arg14[%get3A_366] {strides = array<i32>} : memref<1280xf32, #tpu.memory_space<vmem>>, vector<16xf32>,
      %add3A_368 = arith.addf %get3A_365, %get3A_367 : vector<16xf32>
      %swap3A_369 = arith.index_cast %mul3A_363 : i32 to index
      %swap3A_370 = tpu.vector_load %arg9[%swap3A_369] {strides = array<i32>} : memref<1280xf32, #tpu.memory_space<vmem>>, vector<16xf32>,
      tpu.vector_store %arg9[%swap3A_369], %add3A_368 {strides = array<i32>} : memref<1280xf32, #tpu.memory_space<vmem>>, vector<16xf32>,
      %mul3A_371 = arith.constant 8 : i32
      %mul3A_372 = arith.muli %scan3A_317, %mul3A_371 : i32
      %add3A_373 = arith.constant 4 : i32
      %add3A_374 = arith.addi %mul3A_372, %add3A_373 : i32
      %mul3A_375 = arith.constant 16 : i32
      %mul3A_376 = arith.muli %add3A_374, %mul3A_375 : i32
      %get3A_377 = arith.index_cast %mul3A_376 : i32 to index
      %get3A_378 = tpu.vector_load %arg9[%get3A_377] {strides = array<i32>} : memref<1280xf32, #tpu.memory_space<vmem>>, vector<16xf32>,
      %get3A_379 = arith.index_cast %mul3A_376 : i32 to index
      %get3A_380 = tpu.vector_load %arg14[%get3A_379] {strides = array<i32>} : memref<1280xf32, #tpu.memory_space<vmem>>, vector<16xf32>,
      %add3A_381 = arith.addf %get3A_378, %get3A_380 : vector<16xf32>
      %swap3A_382 = arith.index_cast %mul3A_376 : i32 to index
      %swap3A_383 = tpu.vector_load %arg9[%swap3A_382] {strides = array<i32>} : memref<1280xf32, #tpu.memory_space<vmem>>, vector<16xf32>,
      tpu.vector_store %arg9[%swap3A_382], %add3A_381 {strides = array<i32>} : memref<1280xf32, #tpu.memory_space<vmem>>, vector<16xf32>,
      %mul3A_384 = arith.constant 8 : i32
      %mul3A_385 = arith.muli %scan3A_317, %mul3A_384 : i32
      %add3A_386 = arith.constant 5 : i32
      %add3A_387 = arith.addi %mul3A_385, %add3A_386 : i32
      %mul3A_388 = arith.constant 16 : i32
      %mul3A_389 = arith.muli %add3A_387, %mul3A_388 : i32
      %get3A_390 = arith.index_cast %mul3A_389 : i32 to index
      %get3A_391 = tpu.vector_load %arg9[%get3A_390] {strides = array<i32>} : memref<1280xf32, #tpu.memory_space<vmem>>, vector<16xf32>,
      %get3A_392 = arith.index_cast %mul3A_389 : i32 to index
      %get3A_393 = tpu.vector_load %arg14[%get3A_392] {strides = array<i32>} : memref<1280xf32, #tpu.memory_space<vmem>>, vector<16xf32>,
      %add3A_394 = arith.addf %get3A_391, %get3A_393 : vector<16xf32>
      %swap3A_395 = arith.index_cast %mul3A_389 : i32 to index
      %swap3A_396 = tpu.vector_load %arg9[%swap3A_395] {strides = array<i32>} : memref<1280xf32, #tpu.memory_space<vmem>>, vector<16xf32>,
      tpu.vector_store %arg9[%swap3A_395], %add3A_394 {strides = array<i32>} : memref<1280xf32, #tpu.memory_space<vmem>>, vector<16xf32>,
      %mul3A_397 = arith.constant 8 : i32
      %mul3A_398 = arith.muli %scan3A_317, %mul3A_397 : i32
      %add3A_399 = arith.constant 6 : i32
      %add3A_400 = arith.addi %mul3A_398, %add3A_399 : i32
      %mul3A_401 = arith.constant 16 : i32
      %mul3A_402 = arith.muli %add3A_400, %mul3A_401 : i32
      %get3A_403 = arith.index_cast %mul3A_402 : i32 to index
      %get3A_404 = tpu.vector_load %arg9[%get3A_403] {strides = array<i32>} : memref<1280xf32, #tpu.memory_space<vmem>>, vector<16xf32>,
      %get3A_405 = arith.index_cast %mul3A_402 : i32 to index
      %get3A_406 = tpu.vector_load %arg14[%get3A_405] {strides = array<i32>} : memref<1280xf32, #tpu.memory_space<vmem>>, vector<16xf32>,
      %add3A_407 = arith.addf %get3A_404, %get3A_406 : vector<16xf32>
      %swap3A_408 = arith.index_cast %mul3A_402 : i32 to index
      %swap3A_409 = tpu.vector_load %arg9[%swap3A_408] {strides = array<i32>} : memref<1280xf32, #tpu.memory_space<vmem>>, vector<16xf32>,
      tpu.vector_store %arg9[%swap3A_408], %add3A_407 {strides = array<i32>} : memref<1280xf32, #tpu.memory_space<vmem>>, vector<16xf32>,
      %mul3A_410 = arith.constant 8 : i32
      %mul3A_411 = arith.muli %scan3A_317, %mul3A_410 : i32
      %add3A_412 = arith.constant 7 : i32
      %add3A_413 = arith.addi %mul3A_411, %add3A_412 : i32
      %mul3A_414 = arith.constant 16 : i32
      %mul3A_415 = arith.muli %add3A_413, %mul3A_414 : i32
      %get3A_416 = arith.index_cast %mul3A_415 : i32 to index
      %get3A_417 = tpu.vector_load %arg9[%get3A_416] {strides = array<i32>} : memref<1280xf32, #tpu.memory_space<vmem>>, vector<16xf32>,
      %get3A_418 = arith.index_cast %mul3A_415 : i32 to index
      %get3A_419 = tpu.vector_load %arg14[%get3A_418] {strides = array<i32>} : memref<1280xf32, #tpu.memory_space<vmem>>, vector<16xf32>,
      %add3A_420 = arith.addf %get3A_417, %get3A_419 : vector<16xf32>
      %swap3A_421 = arith.index_cast %mul3A_415 : i32 to index
      %swap3A_422 = tpu.vector_load %arg9[%swap3A_421] {strides = array<i32>} : memref<1280xf32, #tpu.memory_space<vmem>>, vector<16xf32>,
      tpu.vector_store %arg9[%swap3A_421], %add3A_420 {strides = array<i32>} : memref<1280xf32, #tpu.memory_space<vmem>>, vector<16xf32>,
      %scan3A_423 = arith.constant 0 : i32
      scf.yield %scan3A_423 : i32
    }
    %scan3A_194 = arith.constant 10 : i32
    %add3A_195 = arith.constant 1 : i32
    %add3A_196 = arith.addi %mul3A_185, %add3A_195 : i32
    %mul3A_197 = arith.constant 1280 : i32
    %mul3A_198 = arith.muli %add3A_196, %mul3A_197 : i32
    "tpu.region"() ({
      %run_scoped3A = tpu.sem_alloc : memref<!tpu.dma_semaphore, #tpu.memory_space<semaphore_mem>>
      %dma_start3A = tpu.memref_slice %arg17[%mul3A_198] : memref<40960xf32, #tpu.memory_space<vmem_shared>> -> memref<1280xf32, #tpu.memory_space<vmem_shared>>
      %dma_start3A_317 = tpu.memref_slice %arg17[%mul3A_198] : memref<40960xf32, #tpu.memory_space<vmem_shared>> -> memref<1280xf32, #tpu.memory_space<vmem_shared>>
      tpu.enqueue_dma source(%dma_start3A_317 : memref<1280xf32, #tpu.memory_space<vmem_shared>>) target(%arg14 : memref<1280xf32, #tpu.memory_space<vmem>>) target_semaphore(%run_scoped3A : memref<!tpu.dma_semaphore, #tpu.memory_space<semaphore_mem>>)
      %dma_wait3A = tpu.memref_slice %arg17[%mul3A_198] : memref<40960xf32, #tpu.memory_space<vmem_shared>> -> memref<1280xf32, #tpu.memory_space<vmem_shared>>
      %dma_wait3A_318 = tpu.memref_slice %arg17[%mul3A_198] : memref<40960xf32, #tpu.memory_space<vmem_shared>> -> memref<1280xf32, #tpu.memory_space<vmem_shared>>
      tpu.wait_dma2 semaphore(%run_scoped3A : memref<!tpu.dma_semaphore, #tpu.memory_space<semaphore_mem>>) src(%dma_wait3A_318 : memref<1280xf32, #tpu.memory_space<vmem_shared>>) dst(%arg14 : memref<1280xf32, #tpu.memory_space<vmem>>)
      tpu.yield
    }) : () -> ()
    %scan3A_199 = arith.constant 0 : i32
    %scan3A_200 = arith.constant 0 : i32
    %scan3A_201 = arith.constant 10 : i32
    %scan3A_202 = arith.addi %scan3A_200, %scan3A_201 : i32
    %scan3A_203 = arith.constant 1 : i32
    %scan3A_204 = scf.for %scan3A_317 = %scan3A_200 to %scan3A_202 step %scan3A_203 iter_args(%scan3A_318 = %scan3A_199) -> (i32)  : i32 {
      %mul3A_319 = arith.constant 8 : i32
      %mul3A_320 = arith.muli %scan3A_317, %mul3A_319 : i32
      %add3A_321 = arith.constant 0 : i32
      %add3A_322 = arith.addi %mul3A_320, %add3A_321 : i32
      %mul3A_323 = arith.constant 16 : i32
      %mul3A_324 = arith.muli %add3A_322, %mul3A_323 : i32
      %get3A_325 = arith.index_cast %mul3A_324 : i32 to index
      %get3A_326 = tpu.vector_load %arg10[%get3A_325] {strides = array<i32>} : memref<1280xf32, #tpu.memory_space<vmem>>, vector<16xf32>,
      %get3A_327 = arith.index_cast %mul3A_324 : i32 to index
      %get3A_328 = tpu.vector_load %arg14[%get3A_327] {strides = array<i32>} : memref<1280xf32, #tpu.memory_space<vmem>>, vector<16xf32>,
      %add3A_329 = arith.addf %get3A_326, %get3A_328 : vector<16xf32>
      %swap3A_330 = arith.index_cast %mul3A_324 : i32 to index
      %swap3A_331 = tpu.vector_load %arg10[%swap3A_330] {strides = array<i32>} : memref<1280xf32, #tpu.memory_space<vmem>>, vector<16xf32>,
      tpu.vector_store %arg10[%swap3A_330], %add3A_329 {strides = array<i32>} : memref<1280xf32, #tpu.memory_space<vmem>>, vector<16xf32>,
      %mul3A_332 = arith.constant 8 : i32
      %mul3A_333 = arith.muli %scan3A_317, %mul3A_332 : i32
      %add3A_334 = arith.constant 1 : i32
      %add3A_335 = arith.addi %mul3A_333, %add3A_334 : i32
      %mul3A_336 = arith.constant 16 : i32
      %mul3A_337 = arith.muli %add3A_335, %mul3A_336 : i32
      %get3A_338 = arith.index_cast %mul3A_337 : i32 to index
      %get3A_339 = tpu.vector_load %arg10[%get3A_338] {strides = array<i32>} : memref<1280xf32, #tpu.memory_space<vmem>>, vector<16xf32>,
      %get3A_340 = arith.index_cast %mul3A_337 : i32 to index
      %get3A_341 = tpu.vector_load %arg14[%get3A_340] {strides = array<i32>} : memref<1280xf32, #tpu.memory_space<vmem>>, vector<16xf32>,
      %add3A_342 = arith.addf %get3A_339, %get3A_341 : vector<16xf32>
      %swap3A_343 = arith.index_cast %mul3A_337 : i32 to index
      %swap3A_344 = tpu.vector_load %arg10[%swap3A_343] {strides = array<i32>} : memref<1280xf32, #tpu.memory_space<vmem>>, vector<16xf32>,
      tpu.vector_store %arg10[%swap3A_343], %add3A_342 {strides = array<i32>} : memref<1280xf32, #tpu.memory_space<vmem>>, vector<16xf32>,
      %mul3A_345 = arith.constant 8 : i32
      %mul3A_346 = arith.muli %scan3A_317, %mul3A_345 : i32
      %add3A_347 = arith.constant 2 : i32
      %add3A_348 = arith.addi %mul3A_346, %add3A_347 : i32
      %mul3A_349 = arith.constant 16 : i32
      %mul3A_350 = arith.muli %add3A_348, %mul3A_349 : i32
      %get3A_351 = arith.index_cast %mul3A_350 : i32 to index
      %get3A_352 = tpu.vector_load %arg10[%get3A_351] {strides = array<i32>} : memref<1280xf32, #tpu.memory_space<vmem>>, vector<16xf32>,
      %get3A_353 = arith.index_cast %mul3A_350 : i32 to index
      %get3A_354 = tpu.vector_load %arg14[%get3A_353] {strides = array<i32>} : memref<1280xf32, #tpu.memory_space<vmem>>, vector<16xf32>,
      %add3A_355 = arith.addf %get3A_352, %get3A_354 : vector<16xf32>
      %swap3A_356 = arith.index_cast %mul3A_350 : i32 to index
      %swap3A_357 = tpu.vector_load %arg10[%swap3A_356] {strides = array<i32>} : memref<1280xf32, #tpu.memory_space<vmem>>, vector<16xf32>,
      tpu.vector_store %arg10[%swap3A_356], %add3A_355 {strides = array<i32>} : memref<1280xf32, #tpu.memory_space<vmem>>, vector<16xf32>,
      %mul3A_358 = arith.constant 8 : i32
      %mul3A_359 = arith.muli %scan3A_317, %mul3A_358 : i32
      %add3A_360 = arith.constant 3 : i32
      %add3A_361 = arith.addi %mul3A_359, %add3A_360 : i32
      %mul3A_362 = arith.constant 16 : i32
      %mul3A_363 = arith.muli %add3A_361, %mul3A_362 : i32
      %get3A_364 = arith.index_cast %mul3A_363 : i32 to index
      %get3A_365 = tpu.vector_load %arg10[%get3A_364] {strides = array<i32>} : memref<1280xf32, #tpu.memory_space<vmem>>, vector<16xf32>,
      %get3A_366 = arith.index_cast %mul3A_363 : i32 to index
      %get3A_367 = tpu.vector_load %arg14[%get3A_366] {strides = array<i32>} : memref<1280xf32, #tpu.memory_space<vmem>>, vector<16xf32>,
      %add3A_368 = arith.addf %get3A_365, %get3A_367 : vector<16xf32>
      %swap3A_369 = arith.index_cast %mul3A_363 : i32 to index
      %swap3A_370 = tpu.vector_load %arg10[%swap3A_369] {strides = array<i32>} : memref<1280xf32, #tpu.memory_space<vmem>>, vector<16xf32>,
      tpu.vector_store %arg10[%swap3A_369], %add3A_368 {strides = array<i32>} : memref<1280xf32, #tpu.memory_space<vmem>>, vector<16xf32>,
      %mul3A_371 = arith.constant 8 : i32
      %mul3A_372 = arith.muli %scan3A_317, %mul3A_371 : i32
      %add3A_373 = arith.constant 4 : i32
      %add3A_374 = arith.addi %mul3A_372, %add3A_373 : i32
      %mul3A_375 = arith.constant 16 : i32
      %mul3A_376 = arith.muli %add3A_374, %mul3A_375 : i32
      %get3A_377 = arith.index_cast %mul3A_376 : i32 to index
      %get3A_378 = tpu.vector_load %arg10[%get3A_377] {strides = array<i32>} : memref<1280xf32, #tpu.memory_space<vmem>>, vector<16xf32>,
      %get3A_379 = arith.index_cast %mul3A_376 : i32 to index
      %get3A_380 = tpu.vector_load %arg14[%get3A_379] {strides = array<i32>} : memref<1280xf32, #tpu.memory_space<vmem>>, vector<16xf32>,
      %add3A_381 = arith.addf %get3A_378, %get3A_380 : vector<16xf32>
      %swap3A_382 = arith.index_cast %mul3A_376 : i32 to index
      %swap3A_383 = tpu.vector_load %arg10[%swap3A_382] {strides = array<i32>} : memref<1280xf32, #tpu.memory_space<vmem>>, vector<16xf32>,
      tpu.vector_store %arg10[%swap3A_382], %add3A_381 {strides = array<i32>} : memref<1280xf32, #tpu.memory_space<vmem>>, vector<16xf32>,
      %mul3A_384 = arith.constant 8 : i32
      %mul3A_385 = arith.muli %scan3A_317, %mul3A_384 : i32
      %add3A_386 = arith.constant 5 : i32
      %add3A_387 = arith.addi %mul3A_385, %add3A_386 : i32
      %mul3A_388 = arith.constant 16 : i32
      %mul3A_389 = arith.muli %add3A_387, %mul3A_388 : i32
      %get3A_390 = arith.index_cast %mul3A_389 : i32 to index
      %get3A_391 = tpu.vector_load %arg10[%get3A_390] {strides = array<i32>} : memref<1280xf32, #tpu.memory_space<vmem>>, vector<16xf32>,
      %get3A_392 = arith.index_cast %mul3A_389 : i32 to index
      %get3A_393 = tpu.vector_load %arg14[%get3A_392] {strides = array<i32>} : memref<1280xf32, #tpu.memory_space<vmem>>, vector<16xf32>,
      %add3A_394 = arith.addf %get3A_391, %get3A_393 : vector<16xf32>
      %swap3A_395 = arith.index_cast %mul3A_389 : i32 to index
      %swap3A_396 = tpu.vector_load %arg10[%swap3A_395] {strides = array<i32>} : memref<1280xf32, #tpu.memory_space<vmem>>, vector<16xf32>,
      tpu.vector_store %arg10[%swap3A_395], %add3A_394 {strides = array<i32>} : memref<1280xf32, #tpu.memory_space<vmem>>, vector<16xf32>,
      %mul3A_397 = arith.constant 8 : i32
      %mul3A_398 = arith.muli %scan3A_317, %mul3A_397 : i32
      %add3A_399 = arith.constant 6 : i32
      %add3A_400 = arith.addi %mul3A_398, %add3A_399 : i32
      %mul3A_401 = arith.constant 16 : i32
      %mul3A_402 = arith.muli %add3A_400, %mul3A_401 : i32
      %get3A_403 = arith.index_cast %mul3A_402 : i32 to index
      %get3A_404 = tpu.vector_load %arg10[%get3A_403] {strides = array<i32>} : memref<1280xf32, #tpu.memory_space<vmem>>, vector<16xf32>,
      %get3A_405 = arith.index_cast %mul3A_402 : i32 to index
      %get3A_406 = tpu.vector_load %arg14[%get3A_405] {strides = array<i32>} : memref<1280xf32, #tpu.memory_space<vmem>>, vector<16xf32>,
      %add3A_407 = arith.addf %get3A_404, %get3A_406 : vector<16xf32>
      %swap3A_408 = arith.index_cast %mul3A_402 : i32 to index
      %swap3A_409 = tpu.vector_load %arg10[%swap3A_408] {strides = array<i32>} : memref<1280xf32, #tpu.memory_space<vmem>>, vector<16xf32>,
      tpu.vector_store %arg10[%swap3A_408], %add3A_407 {strides = array<i32>} : memref<1280xf32, #tpu.memory_space<vmem>>, vector<16xf32>,
      %mul3A_410 = arith.constant 8 : i32
      %mul3A_411 = arith.muli %scan3A_317, %mul3A_410 : i32
      %add3A_412 = arith.constant 7 : i32
      %add3A_413 = arith.addi %mul3A_411, %add3A_412 : i32
      %mul3A_414 = arith.constant 16 : i32
      %mul3A_415 = arith.muli %add3A_413, %mul3A_414 : i32
      %get3A_416 = arith.index_cast %mul3A_415 : i32 to index
      %get3A_417 = tpu.vector_load %arg10[%get3A_416] {strides = array<i32>} : memref<1280xf32, #tpu.memory_space<vmem>>, vector<16xf32>,
      %get3A_418 = arith.index_cast %mul3A_415 : i32 to index
      %get3A_419 = tpu.vector_load %arg14[%get3A_418] {strides = array<i32>} : memref<1280xf32, #tpu.memory_space<vmem>>, vector<16xf32>,
      %add3A_420 = arith.addf %get3A_417, %get3A_419 : vector<16xf32>
      %swap3A_421 = arith.index_cast %mul3A_415 : i32 to index
      %swap3A_422 = tpu.vector_load %arg10[%swap3A_421] {strides = array<i32>} : memref<1280xf32, #tpu.memory_space<vmem>>, vector<16xf32>,
      tpu.vector_store %arg10[%swap3A_421], %add3A_420 {strides = array<i32>} : memref<1280xf32, #tpu.memory_space<vmem>>, vector<16xf32>,
      %scan3A_423 = arith.constant 0 : i32
      scf.yield %scan3A_423 : i32
    }
    %scan3A_205 = arith.constant 10 : i32
    %scan3A_206 = arith.constant 0 : i32
    %scan3A_207 = arith.constant 0 : i32
    %scan3A_208 = arith.constant 80 : i32
    %scan3A_209 = arith.addi %scan3A_207, %scan3A_208 : i32
    %scan3A_210 = arith.constant 1 : i32
    %scan3A_211 = scf.for %scan3A_317 = %scan3A_207 to %scan3A_209 step %scan3A_210 iter_args(%scan3A_318 = %scan3A_206) -> (i32)  : i32 {
      %mul3A_319 = arith.constant 16 : i32
      %mul3A_320 = arith.muli %scan3A_317, %mul3A_319 : i32
      %get3A_321 = arith.index_cast %mul3A_320 : i32 to index
      %get3A_322 = tpu.vector_load %arg11[%get3A_321] {strides = array<i32>} : memref<1280xf32, #tpu.memory_space<vmem>>, vector<16xf32>,
      %get3A_323 = arith.index_cast %mul3A_320 : i32 to index
      %get3A_324 = tpu.vector_load %arg9[%get3A_323] {strides = array<i32>} : memref<1280xf32, #tpu.memory_space<vmem>>, vector<16xf32>,
      %add3A_325 = arith.addf %get3A_322, %get3A_324 : vector<16xf32>
      %get3A_326 = arith.index_cast %mul3A_320 : i32 to index
      %get3A_327 = tpu.vector_load %arg10[%get3A_326] {strides = array<i32>} : memref<1280xf32, #tpu.memory_space<vmem>>, vector<16xf32>,
      %eq3A_328 = arith.constant 0.000000e+00 : f32
      %eq3A_329 = vector.broadcast %eq3A_328 : f32 to vector<16xf32>
      %eq3A_330 = arith.cmpf oeq, %get3A_327, %eq3A_329 : vector<16xf32>
      %jit3A_331 = arith.constant 1.000000e+00 : f32
      %jit3A_332 = arith.constant 0.000000e+00 : f32
      %broadcast_in_dim3A_333 = vector.broadcast %jit3A_331 : f32 to vector<16xf32>
      %broadcast_in_dim3A_334 = vector.broadcast %jit3A_332 : f32 to vector<16xf32>
      %select_n3A_335 = arith.select %eq3A_330, %broadcast_in_dim3A_333, %broadcast_in_dim3A_334 : vector<16xi1>, vector<16xf32>
      %add3A_336 = arith.addf %add3A_325, %select_n3A_335 : vector<16xf32>
      %bitcast3A = vector.bitcast %add3A_336 : vector<16xf32> to vector<16xi32>
      %shift_right_arithmetic3A = arith.constant 1 : i32
      %shift_right_arithmetic3A_337 = vector.broadcast %shift_right_arithmetic3A : i32 to vector<16xi32>
      %shift_right_arithmetic3A_338 = arith.shrsi %bitcast3A, %shift_right_arithmetic3A_337 : vector<16xi32>
      %sub3A_339 = arith.constant 1597463007 : i32
      %sub3A_340 = vector.broadcast %sub3A_339 : i32 to vector<16xi32>
      %sub3A_341 = arith.subi %sub3A_340, %shift_right_arithmetic3A_338 : vector<16xi32>
      %bitcast3A_342 = vector.bitcast %sub3A_341 : vector<16xi32> to vector<16xf32>
      %mul3A_343 = arith.constant 5.000000e-01 : f32
      %mul3A_344 = vector.broadcast %mul3A_343 : f32 to vector<16xf32>
      %mul3A_345 = arith.mulf %mul3A_344, %add3A_336 : vector<16xf32>
      %mul3A_346 = arith.mulf %mul3A_345, %bitcast3A_342 : vector<16xf32>
      %mul3A_347 = arith.mulf %mul3A_346, %bitcast3A_342 : vector<16xf32>
      %sub3A_348 = arith.constant 1.500000e+00 : f32
      %sub3A_349 = vector.broadcast %sub3A_348 : f32 to vector<16xf32>
      %sub3A_350 = arith.subf %sub3A_349, %mul3A_347 : vector<16xf32>
      %mul3A_351 = arith.mulf %bitcast3A_342, %sub3A_350 : vector<16xf32>
      %mul3A_352 = arith.constant 5.000000e-01 : f32
      %mul3A_353 = vector.broadcast %mul3A_352 : f32 to vector<16xf32>
      %mul3A_354 = arith.mulf %mul3A_353, %add3A_336 : vector<16xf32>
      %mul3A_355 = arith.mulf %mul3A_354, %mul3A_351 : vector<16xf32>
      %mul3A_356 = arith.mulf %mul3A_355, %mul3A_351 : vector<16xf32>
      %sub3A_357 = arith.constant 1.500000e+00 : f32
      %sub3A_358 = vector.broadcast %sub3A_357 : f32 to vector<16xf32>
      %sub3A_359 = arith.subf %sub3A_358, %mul3A_356 : vector<16xf32>
      %mul3A_360 = arith.mulf %mul3A_351, %sub3A_359 : vector<16xf32>
      %mul3A_361 = arith.constant 5.000000e-01 : f32
      %mul3A_362 = vector.broadcast %mul3A_361 : f32 to vector<16xf32>
      %mul3A_363 = arith.mulf %mul3A_362, %add3A_336 : vector<16xf32>
      %mul3A_364 = arith.mulf %mul3A_363, %mul3A_360 : vector<16xf32>
      %mul3A_365 = arith.mulf %mul3A_364, %mul3A_360 : vector<16xf32>
      %sub3A_366 = arith.constant 1.500000e+00 : f32
      %sub3A_367 = vector.broadcast %sub3A_366 : f32 to vector<16xf32>
      %sub3A_368 = arith.subf %sub3A_367, %mul3A_365 : vector<16xf32>
      %mul3A_369 = arith.mulf %mul3A_360, %sub3A_368 : vector<16xf32>
      %swap3A_370 = arith.index_cast %mul3A_320 : i32 to index
      %swap3A_371 = tpu.vector_load %arg12[%swap3A_370] {strides = array<i32>} : memref<1280xf32, #tpu.memory_space<vmem>>, vector<16xf32>,
      tpu.vector_store %arg12[%swap3A_370], %mul3A_369 {strides = array<i32>} : memref<1280xf32, #tpu.memory_space<vmem>>, vector<16xf32>,
      %scan3A_372 = arith.constant 0 : i32
      scf.yield %scan3A_372 : i32
    }
    %scan3A_212 = arith.constant 80 : i32
    %parallel_loop3A_213 = arith.constant 0 : i32
    %parallel_loop3A_214 = arith.constant 80 : i32
    %parallel_loop3A_215 = arith.constant 1 : i32
    scf.for %parallel_loop3A_317 = %parallel_loop3A_213 to %parallel_loop3A_214 step %parallel_loop3A_215  : i32 {
      %parallel_loop3A_318 = arith.constant 16 : i32
      %parallel_loop3A_319 = arith.muli %parallel_loop3A_317, %parallel_loop3A_318 : i32
      %parallel_loop3A_320 = arith.index_cast %parallel_loop3A_319 : i32 to index
      %parallel_loop3A_321 = tpu.vector_load %arg12[%parallel_loop3A_320] {strides = array<i32>} : memref<1280xf32, #tpu.memory_space<vmem>>, vector<16xf32>,
      %parallel_loop3A_322 = arith.constant 16 : i32
      %parallel_loop3A_323 = arith.muli %parallel_loop3A_317, %parallel_loop3A_322 : i32
      %parallel_loop3A_324 = arith.constant 0 : i32
      %parallel_loop3A_325 = arith.addi %parallel_loop3A_324, %parallel_loop3A_323 : i32
      %parallel_loop3A_326 = arith.index_cast %parallel_loop3A_325 : i32 to index
      %parallel_loop3A_327 = tpu.vector_load %arg15[%parallel_loop3A_326] {strides = array<i32>} : memref<20480xf32, #tpu.memory_space<vmem>>, vector<16xf32>,
      %parallel_loop3A_328 = arith.mulf %parallel_loop3A_327, %parallel_loop3A_321 : vector<16xf32>
      %parallel_loop3A_329 = arith.index_cast %parallel_loop3A_325 : i32 to index
      %parallel_loop3A_330 = tpu.vector_load %arg15[%parallel_loop3A_329] {strides = array<i32>} : memref<20480xf32, #tpu.memory_space<vmem>>, vector<16xf32>,
      tpu.vector_store %arg15[%parallel_loop3A_329], %parallel_loop3A_328 {strides = array<i32>} : memref<20480xf32, #tpu.memory_space<vmem>>, vector<16xf32>,
      %parallel_loop3A_331 = arith.constant 16 : i32
      %parallel_loop3A_332 = arith.muli %parallel_loop3A_317, %parallel_loop3A_331 : i32
      %parallel_loop3A_333 = arith.constant 1280 : i32
      %parallel_loop3A_334 = arith.addi %parallel_loop3A_333, %parallel_loop3A_332 : i32
      %parallel_loop3A_335 = arith.index_cast %parallel_loop3A_334 : i32 to index
      %parallel_loop3A_336 = tpu.vector_load %arg15[%parallel_loop3A_335] {strides = array<i32>} : memref<20480xf32, #tpu.memory_space<vmem>>, vector<16xf32>,
      %parallel_loop3A_337 = arith.mulf %parallel_loop3A_336, %parallel_loop3A_321 : vector<16xf32>
      %parallel_loop3A_338 = arith.index_cast %parallel_loop3A_334 : i32 to index
      %parallel_loop3A_339 = tpu.vector_load %arg15[%parallel_loop3A_338] {strides = array<i32>} : memref<20480xf32, #tpu.memory_space<vmem>>, vector<16xf32>,
      tpu.vector_store %arg15[%parallel_loop3A_338], %parallel_loop3A_337 {strides = array<i32>} : memref<20480xf32, #tpu.memory_space<vmem>>, vector<16xf32>,
      %parallel_loop3A_340 = arith.constant 16 : i32
      %parallel_loop3A_341 = arith.muli %parallel_loop3A_317, %parallel_loop3A_340 : i32
      %parallel_loop3A_342 = arith.constant 2560 : i32
      %parallel_loop3A_343 = arith.addi %parallel_loop3A_342, %parallel_loop3A_341 : i32
      %parallel_loop3A_344 = arith.index_cast %parallel_loop3A_343 : i32 to index
      %parallel_loop3A_345 = tpu.vector_load %arg15[%parallel_loop3A_344] {strides = array<i32>} : memref<20480xf32, #tpu.memory_space<vmem>>, vector<16xf32>,
      %parallel_loop3A_346 = arith.mulf %parallel_loop3A_345, %parallel_loop3A_321 : vector<16xf32>
      %parallel_loop3A_347 = arith.index_cast %parallel_loop3A_343 : i32 to index
      %parallel_loop3A_348 = tpu.vector_load %arg15[%parallel_loop3A_347] {strides = array<i32>} : memref<20480xf32, #tpu.memory_space<vmem>>, vector<16xf32>,
      tpu.vector_store %arg15[%parallel_loop3A_347], %parallel_loop3A_346 {strides = array<i32>} : memref<20480xf32, #tpu.memory_space<vmem>>, vector<16xf32>,
      %parallel_loop3A_349 = arith.constant 16 : i32
      %parallel_loop3A_350 = arith.muli %parallel_loop3A_317, %parallel_loop3A_349 : i32
      %parallel_loop3A_351 = arith.constant 3840 : i32
      %parallel_loop3A_352 = arith.addi %parallel_loop3A_351, %parallel_loop3A_350 : i32
      %parallel_loop3A_353 = arith.index_cast %parallel_loop3A_352 : i32 to index
      %parallel_loop3A_354 = tpu.vector_load %arg15[%parallel_loop3A_353] {strides = array<i32>} : memref<20480xf32, #tpu.memory_space<vmem>>, vector<16xf32>,
      %parallel_loop3A_355 = arith.mulf %parallel_loop3A_354, %parallel_loop3A_321 : vector<16xf32>
      %parallel_loop3A_356 = arith.index_cast %parallel_loop3A_352 : i32 to index
      %parallel_loop3A_357 = tpu.vector_load %arg15[%parallel_loop3A_356] {strides = array<i32>} : memref<20480xf32, #tpu.memory_space<vmem>>, vector<16xf32>,
      tpu.vector_store %arg15[%parallel_loop3A_356], %parallel_loop3A_355 {strides = array<i32>} : memref<20480xf32, #tpu.memory_space<vmem>>, vector<16xf32>,
      %parallel_loop3A_358 = arith.constant 16 : i32
      %parallel_loop3A_359 = arith.muli %parallel_loop3A_317, %parallel_loop3A_358 : i32
      %parallel_loop3A_360 = arith.constant 5120 : i32
      %parallel_loop3A_361 = arith.addi %parallel_loop3A_360, %parallel_loop3A_359 : i32
      %parallel_loop3A_362 = arith.index_cast %parallel_loop3A_361 : i32 to index
      %parallel_loop3A_363 = tpu.vector_load %arg15[%parallel_loop3A_362] {strides = array<i32>} : memref<20480xf32, #tpu.memory_space<vmem>>, vector<16xf32>,
      %parallel_loop3A_364 = arith.mulf %parallel_loop3A_363, %parallel_loop3A_321 : vector<16xf32>
      %parallel_loop3A_365 = arith.index_cast %parallel_loop3A_361 : i32 to index
      %parallel_loop3A_366 = tpu.vector_load %arg15[%parallel_loop3A_365] {strides = array<i32>} : memref<20480xf32, #tpu.memory_space<vmem>>, vector<16xf32>,
      tpu.vector_store %arg15[%parallel_loop3A_365], %parallel_loop3A_364 {strides = array<i32>} : memref<20480xf32, #tpu.memory_space<vmem>>, vector<16xf32>,
      %parallel_loop3A_367 = arith.constant 16 : i32
      %parallel_loop3A_368 = arith.muli %parallel_loop3A_317, %parallel_loop3A_367 : i32
      %parallel_loop3A_369 = arith.constant 6400 : i32
      %parallel_loop3A_370 = arith.addi %parallel_loop3A_369, %parallel_loop3A_368 : i32
      %parallel_loop3A_371 = arith.index_cast %parallel_loop3A_370 : i32 to index
      %parallel_loop3A_372 = tpu.vector_load %arg15[%parallel_loop3A_371] {strides = array<i32>} : memref<20480xf32, #tpu.memory_space<vmem>>, vector<16xf32>,
      %parallel_loop3A_373 = arith.mulf %parallel_loop3A_372, %parallel_loop3A_321 : vector<16xf32>
      %parallel_loop3A_374 = arith.index_cast %parallel_loop3A_370 : i32 to index
      %parallel_loop3A_375 = tpu.vector_load %arg15[%parallel_loop3A_374] {strides = array<i32>} : memref<20480xf32, #tpu.memory_space<vmem>>, vector<16xf32>,
      tpu.vector_store %arg15[%parallel_loop3A_374], %parallel_loop3A_373 {strides = array<i32>} : memref<20480xf32, #tpu.memory_space<vmem>>, vector<16xf32>,
      %parallel_loop3A_376 = arith.constant 16 : i32
      %parallel_loop3A_377 = arith.muli %parallel_loop3A_317, %parallel_loop3A_376 : i32
      %parallel_loop3A_378 = arith.constant 7680 : i32
      %parallel_loop3A_379 = arith.addi %parallel_loop3A_378, %parallel_loop3A_377 : i32
      %parallel_loop3A_380 = arith.index_cast %parallel_loop3A_379 : i32 to index
      %parallel_loop3A_381 = tpu.vector_load %arg15[%parallel_loop3A_380] {strides = array<i32>} : memref<20480xf32, #tpu.memory_space<vmem>>, vector<16xf32>,
      %parallel_loop3A_382 = arith.mulf %parallel_loop3A_381, %parallel_loop3A_321 : vector<16xf32>
      %parallel_loop3A_383 = arith.index_cast %parallel_loop3A_379 : i32 to index
      %parallel_loop3A_384 = tpu.vector_load %arg15[%parallel_loop3A_383] {strides = array<i32>} : memref<20480xf32, #tpu.memory_space<vmem>>, vector<16xf32>,
      tpu.vector_store %arg15[%parallel_loop3A_383], %parallel_loop3A_382 {strides = array<i32>} : memref<20480xf32, #tpu.memory_space<vmem>>, vector<16xf32>,
      %parallel_loop3A_385 = arith.constant 16 : i32
      %parallel_loop3A_386 = arith.muli %parallel_loop3A_317, %parallel_loop3A_385 : i32
      %parallel_loop3A_387 = arith.constant 8960 : i32
      %parallel_loop3A_388 = arith.addi %parallel_loop3A_387, %parallel_loop3A_386 : i32
      %parallel_loop3A_389 = arith.index_cast %parallel_loop3A_388 : i32 to index
      %parallel_loop3A_390 = tpu.vector_load %arg15[%parallel_loop3A_389] {strides = array<i32>} : memref<20480xf32, #tpu.memory_space<vmem>>, vector<16xf32>,
      %parallel_loop3A_391 = arith.mulf %parallel_loop3A_390, %parallel_loop3A_321 : vector<16xf32>
      %parallel_loop3A_392 = arith.index_cast %parallel_loop3A_388 : i32 to index
      %parallel_loop3A_393 = tpu.vector_load %arg15[%parallel_loop3A_392] {strides = array<i32>} : memref<20480xf32, #tpu.memory_space<vmem>>, vector<16xf32>,
      tpu.vector_store %arg15[%parallel_loop3A_392], %parallel_loop3A_391 {strides = array<i32>} : memref<20480xf32, #tpu.memory_space<vmem>>, vector<16xf32>,
      %parallel_loop3A_394 = arith.constant 16 : i32
      %parallel_loop3A_395 = arith.muli %parallel_loop3A_317, %parallel_loop3A_394 : i32
      %parallel_loop3A_396 = arith.constant 10240 : i32
      %parallel_loop3A_397 = arith.addi %parallel_loop3A_396, %parallel_loop3A_395 : i32
      %parallel_loop3A_398 = arith.index_cast %parallel_loop3A_397 : i32 to index
      %parallel_loop3A_399 = tpu.vector_load %arg15[%parallel_loop3A_398] {strides = array<i32>} : memref<20480xf32, #tpu.memory_space<vmem>>, vector<16xf32>,
      %parallel_loop3A_400 = arith.mulf %parallel_loop3A_399, %parallel_loop3A_321 : vector<16xf32>
      %parallel_loop3A_401 = arith.index_cast %parallel_loop3A_397 : i32 to index
      %parallel_loop3A_402 = tpu.vector_load %arg15[%parallel_loop3A_401] {strides = array<i32>} : memref<20480xf32, #tpu.memory_space<vmem>>, vector<16xf32>,
      tpu.vector_store %arg15[%parallel_loop3A_401], %parallel_loop3A_400 {strides = array<i32>} : memref<20480xf32, #tpu.memory_space<vmem>>, vector<16xf32>,
      %parallel_loop3A_403 = arith.constant 16 : i32
      %parallel_loop3A_404 = arith.muli %parallel_loop3A_317, %parallel_loop3A_403 : i32
      %parallel_loop3A_405 = arith.constant 11520 : i32
      %parallel_loop3A_406 = arith.addi %parallel_loop3A_405, %parallel_loop3A_404 : i32
      %parallel_loop3A_407 = arith.index_cast %parallel_loop3A_406 : i32 to index
      %parallel_loop3A_408 = tpu.vector_load %arg15[%parallel_loop3A_407] {strides = array<i32>} : memref<20480xf32, #tpu.memory_space<vmem>>, vector<16xf32>,
      %parallel_loop3A_409 = arith.mulf %parallel_loop3A_408, %parallel_loop3A_321 : vector<16xf32>
      %parallel_loop3A_410 = arith.index_cast %parallel_loop3A_406 : i32 to index
      %parallel_loop3A_411 = tpu.vector_load %arg15[%parallel_loop3A_410] {strides = array<i32>} : memref<20480xf32, #tpu.memory_space<vmem>>, vector<16xf32>,
      tpu.vector_store %arg15[%parallel_loop3A_410], %parallel_loop3A_409 {strides = array<i32>} : memref<20480xf32, #tpu.memory_space<vmem>>, vector<16xf32>,
      %parallel_loop3A_412 = arith.constant 16 : i32
      %parallel_loop3A_413 = arith.muli %parallel_loop3A_317, %parallel_loop3A_412 : i32
      %parallel_loop3A_414 = arith.constant 12800 : i32
      %parallel_loop3A_415 = arith.addi %parallel_loop3A_414, %parallel_loop3A_413 : i32
      %parallel_loop3A_416 = arith.index_cast %parallel_loop3A_415 : i32 to index
      %parallel_loop3A_417 = tpu.vector_load %arg15[%parallel_loop3A_416] {strides = array<i32>} : memref<20480xf32, #tpu.memory_space<vmem>>, vector<16xf32>,
      %parallel_loop3A_418 = arith.mulf %parallel_loop3A_417, %parallel_loop3A_321 : vector<16xf32>
      %parallel_loop3A_419 = arith.index_cast %parallel_loop3A_415 : i32 to index
      %parallel_loop3A_420 = tpu.vector_load %arg15[%parallel_loop3A_419] {strides = array<i32>} : memref<20480xf32, #tpu.memory_space<vmem>>, vector<16xf32>,
      tpu.vector_store %arg15[%parallel_loop3A_419], %parallel_loop3A_418 {strides = array<i32>} : memref<20480xf32, #tpu.memory_space<vmem>>, vector<16xf32>,
      %parallel_loop3A_421 = arith.constant 16 : i32
      %parallel_loop3A_422 = arith.muli %parallel_loop3A_317, %parallel_loop3A_421 : i32
      %parallel_loop3A_423 = arith.constant 14080 : i32
      %parallel_loop3A_424 = arith.addi %parallel_loop3A_423, %parallel_loop3A_422 : i32
      %parallel_loop3A_425 = arith.index_cast %parallel_loop3A_424 : i32 to index
      %parallel_loop3A_426 = tpu.vector_load %arg15[%parallel_loop3A_425] {strides = array<i32>} : memref<20480xf32, #tpu.memory_space<vmem>>, vector<16xf32>,
      %parallel_loop3A_427 = arith.mulf %parallel_loop3A_426, %parallel_loop3A_321 : vector<16xf32>
      %parallel_loop3A_428 = arith.index_cast %parallel_loop3A_424 : i32 to index
      %parallel_loop3A_429 = tpu.vector_load %arg15[%parallel_loop3A_428] {strides = array<i32>} : memref<20480xf32, #tpu.memory_space<vmem>>, vector<16xf32>,
      tpu.vector_store %arg15[%parallel_loop3A_428], %parallel_loop3A_427 {strides = array<i32>} : memref<20480xf32, #tpu.memory_space<vmem>>, vector<16xf32>,
      %parallel_loop3A_430 = arith.constant 16 : i32
      %parallel_loop3A_431 = arith.muli %parallel_loop3A_317, %parallel_loop3A_430 : i32
      %parallel_loop3A_432 = arith.constant 15360 : i32
      %parallel_loop3A_433 = arith.addi %parallel_loop3A_432, %parallel_loop3A_431 : i32
      %parallel_loop3A_434 = arith.index_cast %parallel_loop3A_433 : i32 to index
      %parallel_loop3A_435 = tpu.vector_load %arg15[%parallel_loop3A_434] {strides = array<i32>} : memref<20480xf32, #tpu.memory_space<vmem>>, vector<16xf32>,
      %parallel_loop3A_436 = arith.mulf %parallel_loop3A_435, %parallel_loop3A_321 : vector<16xf32>
      %parallel_loop3A_437 = arith.index_cast %parallel_loop3A_433 : i32 to index
      %parallel_loop3A_438 = tpu.vector_load %arg15[%parallel_loop3A_437] {strides = array<i32>} : memref<20480xf32, #tpu.memory_space<vmem>>, vector<16xf32>,
      tpu.vector_store %arg15[%parallel_loop3A_437], %parallel_loop3A_436 {strides = array<i32>} : memref<20480xf32, #tpu.memory_space<vmem>>, vector<16xf32>,
      %parallel_loop3A_439 = arith.constant 16 : i32
      %parallel_loop3A_440 = arith.muli %parallel_loop3A_317, %parallel_loop3A_439 : i32
      %parallel_loop3A_441 = arith.constant 16640 : i32
      %parallel_loop3A_442 = arith.addi %parallel_loop3A_441, %parallel_loop3A_440 : i32
      %parallel_loop3A_443 = arith.index_cast %parallel_loop3A_442 : i32 to index
      %parallel_loop3A_444 = tpu.vector_load %arg15[%parallel_loop3A_443] {strides = array<i32>} : memref<20480xf32, #tpu.memory_space<vmem>>, vector<16xf32>,
      %parallel_loop3A_445 = arith.mulf %parallel_loop3A_444, %parallel_loop3A_321 : vector<16xf32>
      %parallel_loop3A_446 = arith.index_cast %parallel_loop3A_442 : i32 to index
      %parallel_loop3A_447 = tpu.vector_load %arg15[%parallel_loop3A_446] {strides = array<i32>} : memref<20480xf32, #tpu.memory_space<vmem>>, vector<16xf32>,
      tpu.vector_store %arg15[%parallel_loop3A_446], %parallel_loop3A_445 {strides = array<i32>} : memref<20480xf32, #tpu.memory_space<vmem>>, vector<16xf32>,
      %parallel_loop3A_448 = arith.constant 16 : i32
      %parallel_loop3A_449 = arith.muli %parallel_loop3A_317, %parallel_loop3A_448 : i32
      %parallel_loop3A_450 = arith.constant 17920 : i32
      %parallel_loop3A_451 = arith.addi %parallel_loop3A_450, %parallel_loop3A_449 : i32
      %parallel_loop3A_452 = arith.index_cast %parallel_loop3A_451 : i32 to index
      %parallel_loop3A_453 = tpu.vector_load %arg15[%parallel_loop3A_452] {strides = array<i32>} : memref<20480xf32, #tpu.memory_space<vmem>>, vector<16xf32>,
      %parallel_loop3A_454 = arith.mulf %parallel_loop3A_453, %parallel_loop3A_321 : vector<16xf32>
      %parallel_loop3A_455 = arith.index_cast %parallel_loop3A_451 : i32 to index
      %parallel_loop3A_456 = tpu.vector_load %arg15[%parallel_loop3A_455] {strides = array<i32>} : memref<20480xf32, #tpu.memory_space<vmem>>, vector<16xf32>,
      tpu.vector_store %arg15[%parallel_loop3A_455], %parallel_loop3A_454 {strides = array<i32>} : memref<20480xf32, #tpu.memory_space<vmem>>, vector<16xf32>,
      %parallel_loop3A_457 = arith.constant 16 : i32
      %parallel_loop3A_458 = arith.muli %parallel_loop3A_317, %parallel_loop3A_457 : i32
      %parallel_loop3A_459 = arith.constant 19200 : i32
      %parallel_loop3A_460 = arith.addi %parallel_loop3A_459, %parallel_loop3A_458 : i32
      %parallel_loop3A_461 = arith.index_cast %parallel_loop3A_460 : i32 to index
      %parallel_loop3A_462 = tpu.vector_load %arg15[%parallel_loop3A_461] {strides = array<i32>} : memref<20480xf32, #tpu.memory_space<vmem>>, vector<16xf32>,
      %parallel_loop3A_463 = arith.mulf %parallel_loop3A_462, %parallel_loop3A_321 : vector<16xf32>
      %parallel_loop3A_464 = arith.index_cast %parallel_loop3A_460 : i32 to index
      %parallel_loop3A_465 = tpu.vector_load %arg15[%parallel_loop3A_464] {strides = array<i32>} : memref<20480xf32, #tpu.memory_space<vmem>>, vector<16xf32>,
      tpu.vector_store %arg15[%parallel_loop3A_464], %parallel_loop3A_463 {strides = array<i32>} : memref<20480xf32, #tpu.memory_space<vmem>>, vector<16xf32>,
    } {sc.loop_unroll_factor = 2 : i64, sc.parallel_access}
    %parallel_loop3A_216 = arith.constant 0 : i32
    %parallel_loop3A_217 = arith.constant 312 : i32
    %parallel_loop3A_218 = arith.constant 1 : i32
    scf.for %parallel_loop3A_317 = %parallel_loop3A_216 to %parallel_loop3A_217 step %parallel_loop3A_218  : i32 {
      %parallel_loop3A_318 = arith.constant 16 : i32
      %parallel_loop3A_319 = arith.muli %parallel_loop3A_317, %parallel_loop3A_318 : i32
      %parallel_loop3A_320 = arith.index_cast %parallel_loop3A_319 : i32 to index
      %parallel_loop3A_321 = tpu.vector_load %arg7[%parallel_loop3A_320] {strides = array<i32>} : memref<5016xi32, #tpu.memory_space<vmem>>, vector<16xi32>,
      %parallel_loop3A_322 = arith.index_cast %parallel_loop3A_319 : i32 to index
      %parallel_loop3A_323 = tpu.vector_load %arg8[%parallel_loop3A_322] {strides = array<i32>} : memref<5016xi32, #tpu.memory_space<vmem>>, vector<16xi32>,
      %parallel_loop3A_324 = tpu.vector_load_idx %arg12[%parallel_loop3A_323] : memref<1280xf32, #tpu.memory_space<vmem>>[vector<16xi32>], vector<16xf32>,
      %parallel_loop3A_325 = arith.constant 0 : i32
      %parallel_loop3A_326 = tpu.memref_slice %arg15[%parallel_loop3A_325] : memref<20480xf32, #tpu.memory_space<vmem>> -> memref<1280xf32, #tpu.memory_space<vmem>>
      %parallel_loop3A_327 = tpu.vector_load_idx %parallel_loop3A_326[%parallel_loop3A_321] : memref<1280xf32, #tpu.memory_space<vmem>>[vector<16xi32>], vector<16xf32>,
      %parallel_loop3A_328 = arith.constant 1280 : i32
      %parallel_loop3A_329 = tpu.memref_slice %arg15[%parallel_loop3A_328] : memref<20480xf32, #tpu.memory_space<vmem>> -> memref<1280xf32, #tpu.memory_space<vmem>>
      %parallel_loop3A_330 = tpu.vector_load_idx %parallel_loop3A_329[%parallel_loop3A_321] : memref<1280xf32, #tpu.memory_space<vmem>>[vector<16xi32>], vector<16xf32>,
      %parallel_loop3A_331 = arith.constant 2560 : i32
      %parallel_loop3A_332 = tpu.memref_slice %arg15[%parallel_loop3A_331] : memref<20480xf32, #tpu.memory_space<vmem>> -> memref<1280xf32, #tpu.memory_space<vmem>>
      %parallel_loop3A_333 = tpu.vector_load_idx %parallel_loop3A_332[%parallel_loop3A_321] : memref<1280xf32, #tpu.memory_space<vmem>>[vector<16xi32>], vector<16xf32>,
      %parallel_loop3A_334 = arith.constant 3840 : i32
      %parallel_loop3A_335 = tpu.memref_slice %arg15[%parallel_loop3A_334] : memref<20480xf32, #tpu.memory_space<vmem>> -> memref<1280xf32, #tpu.memory_space<vmem>>
      %parallel_loop3A_336 = tpu.vector_load_idx %parallel_loop3A_335[%parallel_loop3A_321] : memref<1280xf32, #tpu.memory_space<vmem>>[vector<16xi32>], vector<16xf32>,
      %parallel_loop3A_337 = arith.constant 5120 : i32
      %parallel_loop3A_338 = tpu.memref_slice %arg15[%parallel_loop3A_337] : memref<20480xf32, #tpu.memory_space<vmem>> -> memref<1280xf32, #tpu.memory_space<vmem>>
      %parallel_loop3A_339 = tpu.vector_load_idx %parallel_loop3A_338[%parallel_loop3A_321] : memref<1280xf32, #tpu.memory_space<vmem>>[vector<16xi32>], vector<16xf32>,
      %parallel_loop3A_340 = arith.constant 6400 : i32
      %parallel_loop3A_341 = tpu.memref_slice %arg15[%parallel_loop3A_340] : memref<20480xf32, #tpu.memory_space<vmem>> -> memref<1280xf32, #tpu.memory_space<vmem>>
      %parallel_loop3A_342 = tpu.vector_load_idx %parallel_loop3A_341[%parallel_loop3A_321] : memref<1280xf32, #tpu.memory_space<vmem>>[vector<16xi32>], vector<16xf32>,
      %parallel_loop3A_343 = arith.constant 7680 : i32
      %parallel_loop3A_344 = tpu.memref_slice %arg15[%parallel_loop3A_343] : memref<20480xf32, #tpu.memory_space<vmem>> -> memref<1280xf32, #tpu.memory_space<vmem>>
      %parallel_loop3A_345 = tpu.vector_load_idx %parallel_loop3A_344[%parallel_loop3A_321] : memref<1280xf32, #tpu.memory_space<vmem>>[vector<16xi32>], vector<16xf32>,
      %parallel_loop3A_346 = arith.constant 8960 : i32
      %parallel_loop3A_347 = tpu.memref_slice %arg15[%parallel_loop3A_346] : memref<20480xf32, #tpu.memory_space<vmem>> -> memref<1280xf32, #tpu.memory_space<vmem>>
      %parallel_loop3A_348 = tpu.vector_load_idx %parallel_loop3A_347[%parallel_loop3A_321] : memref<1280xf32, #tpu.memory_space<vmem>>[vector<16xi32>], vector<16xf32>,
      %parallel_loop3A_349 = arith.constant 10240 : i32
      %parallel_loop3A_350 = tpu.memref_slice %arg15[%parallel_loop3A_349] : memref<20480xf32, #tpu.memory_space<vmem>> -> memref<1280xf32, #tpu.memory_space<vmem>>
      %parallel_loop3A_351 = tpu.vector_load_idx %parallel_loop3A_350[%parallel_loop3A_321] : memref<1280xf32, #tpu.memory_space<vmem>>[vector<16xi32>], vector<16xf32>,
      %parallel_loop3A_352 = arith.constant 11520 : i32
      %parallel_loop3A_353 = tpu.memref_slice %arg15[%parallel_loop3A_352] : memref<20480xf32, #tpu.memory_space<vmem>> -> memref<1280xf32, #tpu.memory_space<vmem>>
      %parallel_loop3A_354 = tpu.vector_load_idx %parallel_loop3A_353[%parallel_loop3A_321] : memref<1280xf32, #tpu.memory_space<vmem>>[vector<16xi32>], vector<16xf32>,
      %parallel_loop3A_355 = arith.constant 12800 : i32
      %parallel_loop3A_356 = tpu.memref_slice %arg15[%parallel_loop3A_355] : memref<20480xf32, #tpu.memory_space<vmem>> -> memref<1280xf32, #tpu.memory_space<vmem>>
      %parallel_loop3A_357 = tpu.vector_load_idx %parallel_loop3A_356[%parallel_loop3A_321] : memref<1280xf32, #tpu.memory_space<vmem>>[vector<16xi32>], vector<16xf32>,
      %parallel_loop3A_358 = arith.constant 14080 : i32
      %parallel_loop3A_359 = tpu.memref_slice %arg15[%parallel_loop3A_358] : memref<20480xf32, #tpu.memory_space<vmem>> -> memref<1280xf32, #tpu.memory_space<vmem>>
      %parallel_loop3A_360 = tpu.vector_load_idx %parallel_loop3A_359[%parallel_loop3A_321] : memref<1280xf32, #tpu.memory_space<vmem>>[vector<16xi32>], vector<16xf32>,
      %parallel_loop3A_361 = arith.constant 15360 : i32
      %parallel_loop3A_362 = tpu.memref_slice %arg15[%parallel_loop3A_361] : memref<20480xf32, #tpu.memory_space<vmem>> -> memref<1280xf32, #tpu.memory_space<vmem>>
      %parallel_loop3A_363 = tpu.vector_load_idx %parallel_loop3A_362[%parallel_loop3A_321] : memref<1280xf32, #tpu.memory_space<vmem>>[vector<16xi32>], vector<16xf32>,
      %parallel_loop3A_364 = arith.constant 16640 : i32
      %parallel_loop3A_365 = tpu.memref_slice %arg15[%parallel_loop3A_364] : memref<20480xf32, #tpu.memory_space<vmem>> -> memref<1280xf32, #tpu.memory_space<vmem>>
      %parallel_loop3A_366 = tpu.vector_load_idx %parallel_loop3A_365[%parallel_loop3A_321] : memref<1280xf32, #tpu.memory_space<vmem>>[vector<16xi32>], vector<16xf32>,
      %parallel_loop3A_367 = arith.constant 17920 : i32
      %parallel_loop3A_368 = tpu.memref_slice %arg15[%parallel_loop3A_367] : memref<20480xf32, #tpu.memory_space<vmem>> -> memref<1280xf32, #tpu.memory_space<vmem>>
      %parallel_loop3A_369 = tpu.vector_load_idx %parallel_loop3A_368[%parallel_loop3A_321] : memref<1280xf32, #tpu.memory_space<vmem>>[vector<16xi32>], vector<16xf32>,
      %parallel_loop3A_370 = arith.constant 19200 : i32
      %parallel_loop3A_371 = tpu.memref_slice %arg15[%parallel_loop3A_370] : memref<20480xf32, #tpu.memory_space<vmem>> -> memref<1280xf32, #tpu.memory_space<vmem>>
      %parallel_loop3A_372 = tpu.vector_load_idx %parallel_loop3A_371[%parallel_loop3A_321] : memref<1280xf32, #tpu.memory_space<vmem>>[vector<16xi32>], vector<16xf32>,
      tpu.vector_store_idx %arg13[%parallel_loop3A_321], %parallel_loop3A_324 {add = true} : memref<1280xf32, #tpu.memory_space<vmem>>[vector<16xi32>], vector<16xf32>,
      %parallel_loop3A_373 = arith.constant 0 : i32
      %parallel_loop3A_374 = tpu.memref_slice %arg16[%parallel_loop3A_373] : memref<20480xf32, #tpu.memory_space<vmem>> -> memref<1280xf32, #tpu.memory_space<vmem>>
      tpu.vector_store_idx %parallel_loop3A_374[%parallel_loop3A_323], %parallel_loop3A_327 {add = true} : memref<1280xf32, #tpu.memory_space<vmem>>[vector<16xi32>], vector<16xf32>,
      %parallel_loop3A_375 = arith.constant 1280 : i32
      %parallel_loop3A_376 = tpu.memref_slice %arg16[%parallel_loop3A_375] : memref<20480xf32, #tpu.memory_space<vmem>> -> memref<1280xf32, #tpu.memory_space<vmem>>
      tpu.vector_store_idx %parallel_loop3A_376[%parallel_loop3A_323], %parallel_loop3A_330 {add = true} : memref<1280xf32, #tpu.memory_space<vmem>>[vector<16xi32>], vector<16xf32>,
      %parallel_loop3A_377 = arith.constant 2560 : i32
      %parallel_loop3A_378 = tpu.memref_slice %arg16[%parallel_loop3A_377] : memref<20480xf32, #tpu.memory_space<vmem>> -> memref<1280xf32, #tpu.memory_space<vmem>>
      tpu.vector_store_idx %parallel_loop3A_378[%parallel_loop3A_323], %parallel_loop3A_333 {add = true} : memref<1280xf32, #tpu.memory_space<vmem>>[vector<16xi32>], vector<16xf32>,
      %parallel_loop3A_379 = arith.constant 3840 : i32
      %parallel_loop3A_380 = tpu.memref_slice %arg16[%parallel_loop3A_379] : memref<20480xf32, #tpu.memory_space<vmem>> -> memref<1280xf32, #tpu.memory_space<vmem>>
      tpu.vector_store_idx %parallel_loop3A_380[%parallel_loop3A_323], %parallel_loop3A_336 {add = true} : memref<1280xf32, #tpu.memory_space<vmem>>[vector<16xi32>], vector<16xf32>,
      %parallel_loop3A_381 = arith.constant 5120 : i32
      %parallel_loop3A_382 = tpu.memref_slice %arg16[%parallel_loop3A_381] : memref<20480xf32, #tpu.memory_space<vmem>> -> memref<1280xf32, #tpu.memory_space<vmem>>
      tpu.vector_store_idx %parallel_loop3A_382[%parallel_loop3A_323], %parallel_loop3A_339 {add = true} : memref<1280xf32, #tpu.memory_space<vmem>>[vector<16xi32>], vector<16xf32>,
      %parallel_loop3A_383 = arith.constant 6400 : i32
      %parallel_loop3A_384 = tpu.memref_slice %arg16[%parallel_loop3A_383] : memref<20480xf32, #tpu.memory_space<vmem>> -> memref<1280xf32, #tpu.memory_space<vmem>>
      tpu.vector_store_idx %parallel_loop3A_384[%parallel_loop3A_323], %parallel_loop3A_342 {add = true} : memref<1280xf32, #tpu.memory_space<vmem>>[vector<16xi32>], vector<16xf32>,
      %parallel_loop3A_385 = arith.constant 7680 : i32
      %parallel_loop3A_386 = tpu.memref_slice %arg16[%parallel_loop3A_385] : memref<20480xf32, #tpu.memory_space<vmem>> -> memref<1280xf32, #tpu.memory_space<vmem>>
      tpu.vector_store_idx %parallel_loop3A_386[%parallel_loop3A_323], %parallel_loop3A_345 {add = true} : memref<1280xf32, #tpu.memory_space<vmem>>[vector<16xi32>], vector<16xf32>,
      %parallel_loop3A_387 = arith.constant 8960 : i32
      %parallel_loop3A_388 = tpu.memref_slice %arg16[%parallel_loop3A_387] : memref<20480xf32, #tpu.memory_space<vmem>> -> memref<1280xf32, #tpu.memory_space<vmem>>
      tpu.vector_store_idx %parallel_loop3A_388[%parallel_loop3A_323], %parallel_loop3A_348 {add = true} : memref<1280xf32, #tpu.memory_space<vmem>>[vector<16xi32>], vector<16xf32>,
      %parallel_loop3A_389 = arith.constant 10240 : i32
      %parallel_loop3A_390 = tpu.memref_slice %arg16[%parallel_loop3A_389] : memref<20480xf32, #tpu.memory_space<vmem>> -> memref<1280xf32, #tpu.memory_space<vmem>>
      tpu.vector_store_idx %parallel_loop3A_390[%parallel_loop3A_323], %parallel_loop3A_351 {add = true} : memref<1280xf32, #tpu.memory_space<vmem>>[vector<16xi32>], vector<16xf32>,
      %parallel_loop3A_391 = arith.constant 11520 : i32
      %parallel_loop3A_392 = tpu.memref_slice %arg16[%parallel_loop3A_391] : memref<20480xf32, #tpu.memory_space<vmem>> -> memref<1280xf32, #tpu.memory_space<vmem>>
      tpu.vector_store_idx %parallel_loop3A_392[%parallel_loop3A_323], %parallel_loop3A_354 {add = true} : memref<1280xf32, #tpu.memory_space<vmem>>[vector<16xi32>], vector<16xf32>,
      %parallel_loop3A_393 = arith.constant 12800 : i32
      %parallel_loop3A_394 = tpu.memref_slice %arg16[%parallel_loop3A_393] : memref<20480xf32, #tpu.memory_space<vmem>> -> memref<1280xf32, #tpu.memory_space<vmem>>
      tpu.vector_store_idx %parallel_loop3A_394[%parallel_loop3A_323], %parallel_loop3A_357 {add = true} : memref<1280xf32, #tpu.memory_space<vmem>>[vector<16xi32>], vector<16xf32>,
      %parallel_loop3A_395 = arith.constant 14080 : i32
      %parallel_loop3A_396 = tpu.memref_slice %arg16[%parallel_loop3A_395] : memref<20480xf32, #tpu.memory_space<vmem>> -> memref<1280xf32, #tpu.memory_space<vmem>>
      tpu.vector_store_idx %parallel_loop3A_396[%parallel_loop3A_323], %parallel_loop3A_360 {add = true} : memref<1280xf32, #tpu.memory_space<vmem>>[vector<16xi32>], vector<16xf32>,
      %parallel_loop3A_397 = arith.constant 15360 : i32
      %parallel_loop3A_398 = tpu.memref_slice %arg16[%parallel_loop3A_397] : memref<20480xf32, #tpu.memory_space<vmem>> -> memref<1280xf32, #tpu.memory_space<vmem>>
      tpu.vector_store_idx %parallel_loop3A_398[%parallel_loop3A_323], %parallel_loop3A_363 {add = true} : memref<1280xf32, #tpu.memory_space<vmem>>[vector<16xi32>], vector<16xf32>,
      %parallel_loop3A_399 = arith.constant 16640 : i32
      %parallel_loop3A_400 = tpu.memref_slice %arg16[%parallel_loop3A_399] : memref<20480xf32, #tpu.memory_space<vmem>> -> memref<1280xf32, #tpu.memory_space<vmem>>
      tpu.vector_store_idx %parallel_loop3A_400[%parallel_loop3A_323], %parallel_loop3A_366 {add = true} : memref<1280xf32, #tpu.memory_space<vmem>>[vector<16xi32>], vector<16xf32>,
      %parallel_loop3A_401 = arith.constant 17920 : i32
      %parallel_loop3A_402 = tpu.memref_slice %arg16[%parallel_loop3A_401] : memref<20480xf32, #tpu.memory_space<vmem>> -> memref<1280xf32, #tpu.memory_space<vmem>>
      tpu.vector_store_idx %parallel_loop3A_402[%parallel_loop3A_323], %parallel_loop3A_369 {add = true} : memref<1280xf32, #tpu.memory_space<vmem>>[vector<16xi32>], vector<16xf32>,
      %parallel_loop3A_403 = arith.constant 19200 : i32
      %parallel_loop3A_404 = tpu.memref_slice %arg16[%parallel_loop3A_403] : memref<20480xf32, #tpu.memory_space<vmem>> -> memref<1280xf32, #tpu.memory_space<vmem>>
      tpu.vector_store_idx %parallel_loop3A_404[%parallel_loop3A_323], %parallel_loop3A_372 {add = true} : memref<1280xf32, #tpu.memory_space<vmem>>[vector<16xi32>], vector<16xf32>,
    } {sc.loop_unroll_factor = 2 : i64, sc.parallel_access}
    %get3A_219 = arith.constant 4992 : index
    %get3A_220 = tpu.vector_load %arg7[%get3A_219] {strides = array<i32>} : memref<5016xi32, #tpu.memory_space<vmem>>, vector<16xi32>,
    %get3A_221 = arith.constant 4992 : index
    %get3A_222 = tpu.vector_load %arg8[%get3A_221] {strides = array<i32>} : memref<5016xi32, #tpu.memory_space<vmem>>, vector<16xi32>,
    %gather3A = tpu.vector_load_idx %arg12[%get3A_222] : memref<1280xf32, #tpu.memory_space<vmem>>[vector<16xi32>], vector<16xf32>,
    %gather3A_223 = arith.constant 0 : i32
    %gather3A_224 = tpu.memref_slice %arg15[%gather3A_223] : memref<20480xf32, #tpu.memory_space<vmem>> -> memref<1280xf32, #tpu.memory_space<vmem>>
    %gather3A_225 = tpu.vector_load_idx %gather3A_224[%get3A_220] : memref<1280xf32, #tpu.memory_space<vmem>>[vector<16xi32>], vector<16xf32>,
    %gather3A_226 = arith.constant 1280 : i32
    %gather3A_227 = tpu.memref_slice %arg15[%gather3A_226] : memref<20480xf32, #tpu.memory_space<vmem>> -> memref<1280xf32, #tpu.memory_space<vmem>>
    %gather3A_228 = tpu.vector_load_idx %gather3A_227[%get3A_220] : memref<1280xf32, #tpu.memory_space<vmem>>[vector<16xi32>], vector<16xf32>,
    %gather3A_229 = arith.constant 2560 : i32
    %gather3A_230 = tpu.memref_slice %arg15[%gather3A_229] : memref<20480xf32, #tpu.memory_space<vmem>> -> memref<1280xf32, #tpu.memory_space<vmem>>
    %gather3A_231 = tpu.vector_load_idx %gather3A_230[%get3A_220] : memref<1280xf32, #tpu.memory_space<vmem>>[vector<16xi32>], vector<16xf32>,
    %gather3A_232 = arith.constant 3840 : i32
    %gather3A_233 = tpu.memref_slice %arg15[%gather3A_232] : memref<20480xf32, #tpu.memory_space<vmem>> -> memref<1280xf32, #tpu.memory_space<vmem>>
    %gather3A_234 = tpu.vector_load_idx %gather3A_233[%get3A_220] : memref<1280xf32, #tpu.memory_space<vmem>>[vector<16xi32>], vector<16xf32>,
    %gather3A_235 = arith.constant 5120 : i32
    %gather3A_236 = tpu.memref_slice %arg15[%gather3A_235] : memref<20480xf32, #tpu.memory_space<vmem>> -> memref<1280xf32, #tpu.memory_space<vmem>>
    %gather3A_237 = tpu.vector_load_idx %gather3A_236[%get3A_220] : memref<1280xf32, #tpu.memory_space<vmem>>[vector<16xi32>], vector<16xf32>,
    %gather3A_238 = arith.constant 6400 : i32
    %gather3A_239 = tpu.memref_slice %arg15[%gather3A_238] : memref<20480xf32, #tpu.memory_space<vmem>> -> memref<1280xf32, #tpu.memory_space<vmem>>
    %gather3A_240 = tpu.vector_load_idx %gather3A_239[%get3A_220] : memref<1280xf32, #tpu.memory_space<vmem>>[vector<16xi32>], vector<16xf32>,
    %gather3A_241 = arith.constant 7680 : i32
    %gather3A_242 = tpu.memref_slice %arg15[%gather3A_241] : memref<20480xf32, #tpu.memory_space<vmem>> -> memref<1280xf32, #tpu.memory_space<vmem>>
    %gather3A_243 = tpu.vector_load_idx %gather3A_242[%get3A_220] : memref<1280xf32, #tpu.memory_space<vmem>>[vector<16xi32>], vector<16xf32>,
    %gather3A_244 = arith.constant 8960 : i32
    %gather3A_245 = tpu.memref_slice %arg15[%gather3A_244] : memref<20480xf32, #tpu.memory_space<vmem>> -> memref<1280xf32, #tpu.memory_space<vmem>>
    %gather3A_246 = tpu.vector_load_idx %gather3A_245[%get3A_220] : memref<1280xf32, #tpu.memory_space<vmem>>[vector<16xi32>], vector<16xf32>,
    %gather3A_247 = arith.constant 10240 : i32
    %gather3A_248 = tpu.memref_slice %arg15[%gather3A_247] : memref<20480xf32, #tpu.memory_space<vmem>> -> memref<1280xf32, #tpu.memory_space<vmem>>
    %gather3A_249 = tpu.vector_load_idx %gather3A_248[%get3A_220] : memref<1280xf32, #tpu.memory_space<vmem>>[vector<16xi32>], vector<16xf32>,
    %gather3A_250 = arith.constant 11520 : i32
    %gather3A_251 = tpu.memref_slice %arg15[%gather3A_250] : memref<20480xf32, #tpu.memory_space<vmem>> -> memref<1280xf32, #tpu.memory_space<vmem>>
    %gather3A_252 = tpu.vector_load_idx %gather3A_251[%get3A_220] : memref<1280xf32, #tpu.memory_space<vmem>>[vector<16xi32>], vector<16xf32>,
    %gather3A_253 = arith.constant 12800 : i32
    %gather3A_254 = tpu.memref_slice %arg15[%gather3A_253] : memref<20480xf32, #tpu.memory_space<vmem>> -> memref<1280xf32, #tpu.memory_space<vmem>>
    %gather3A_255 = tpu.vector_load_idx %gather3A_254[%get3A_220] : memref<1280xf32, #tpu.memory_space<vmem>>[vector<16xi32>], vector<16xf32>,
    %gather3A_256 = arith.constant 14080 : i32
    %gather3A_257 = tpu.memref_slice %arg15[%gather3A_256] : memref<20480xf32, #tpu.memory_space<vmem>> -> memref<1280xf32, #tpu.memory_space<vmem>>
    %gather3A_258 = tpu.vector_load_idx %gather3A_257[%get3A_220] : memref<1280xf32, #tpu.memory_space<vmem>>[vector<16xi32>], vector<16xf32>,
    %gather3A_259 = arith.constant 15360 : i32
    %gather3A_260 = tpu.memref_slice %arg15[%gather3A_259] : memref<20480xf32, #tpu.memory_space<vmem>> -> memref<1280xf32, #tpu.memory_space<vmem>>
    %gather3A_261 = tpu.vector_load_idx %gather3A_260[%get3A_220] : memref<1280xf32, #tpu.memory_space<vmem>>[vector<16xi32>], vector<16xf32>,
    %gather3A_262 = arith.constant 16640 : i32
    %gather3A_263 = tpu.memref_slice %arg15[%gather3A_262] : memref<20480xf32, #tpu.memory_space<vmem>> -> memref<1280xf32, #tpu.memory_space<vmem>>
    %gather3A_264 = tpu.vector_load_idx %gather3A_263[%get3A_220] : memref<1280xf32, #tpu.memory_space<vmem>>[vector<16xi32>], vector<16xf32>,
    %gather3A_265 = arith.constant 17920 : i32
    %gather3A_266 = tpu.memref_slice %arg15[%gather3A_265] : memref<20480xf32, #tpu.memory_space<vmem>> -> memref<1280xf32, #tpu.memory_space<vmem>>
    %gather3A_267 = tpu.vector_load_idx %gather3A_266[%get3A_220] : memref<1280xf32, #tpu.memory_space<vmem>>[vector<16xi32>], vector<16xf32>,
    %gather3A_268 = arith.constant 19200 : i32
    %gather3A_269 = tpu.memref_slice %arg15[%gather3A_268] : memref<20480xf32, #tpu.memory_space<vmem>> -> memref<1280xf32, #tpu.memory_space<vmem>>
    %gather3A_270 = tpu.vector_load_idx %gather3A_269[%get3A_220] : memref<1280xf32, #tpu.memory_space<vmem>>[vector<16xi32>], vector<16xf32>,
    tpu.vector_store_idx %arg13[%get3A_220], %gather3A masked %lt3A_76 {add = true} : memref<1280xf32, #tpu.memory_space<vmem>>[vector<16xi32>], vector<16xf32>, vector<16xi1>
    %scatter3A = arith.constant 0 : i32
    %scatter3A_271 = tpu.memref_slice %arg16[%scatter3A] : memref<20480xf32, #tpu.memory_space<vmem>> -> memref<1280xf32, #tpu.memory_space<vmem>>
    tpu.vector_store_idx %scatter3A_271[%get3A_222], %gather3A_225 masked %lt3A_76 {add = true} : memref<1280xf32, #tpu.memory_space<vmem>>[vector<16xi32>], vector<16xf32>, vector<16xi1>
    %scatter3A_272 = arith.constant 1280 : i32
    %scatter3A_273 = tpu.memref_slice %arg16[%scatter3A_272] : memref<20480xf32, #tpu.memory_space<vmem>> -> memref<1280xf32, #tpu.memory_space<vmem>>
    tpu.vector_store_idx %scatter3A_273[%get3A_222], %gather3A_228 masked %lt3A_76 {add = true} : memref<1280xf32, #tpu.memory_space<vmem>>[vector<16xi32>], vector<16xf32>, vector<16xi1>
    %scatter3A_274 = arith.constant 2560 : i32
    %scatter3A_275 = tpu.memref_slice %arg16[%scatter3A_274] : memref<20480xf32, #tpu.memory_space<vmem>> -> memref<1280xf32, #tpu.memory_space<vmem>>
    tpu.vector_store_idx %scatter3A_275[%get3A_222], %gather3A_231 masked %lt3A_76 {add = true} : memref<1280xf32, #tpu.memory_space<vmem>>[vector<16xi32>], vector<16xf32>, vector<16xi1>
    %scatter3A_276 = arith.constant 3840 : i32
    %scatter3A_277 = tpu.memref_slice %arg16[%scatter3A_276] : memref<20480xf32, #tpu.memory_space<vmem>> -> memref<1280xf32, #tpu.memory_space<vmem>>
    tpu.vector_store_idx %scatter3A_277[%get3A_222], %gather3A_234 masked %lt3A_76 {add = true} : memref<1280xf32, #tpu.memory_space<vmem>>[vector<16xi32>], vector<16xf32>, vector<16xi1>
    %scatter3A_278 = arith.constant 5120 : i32
    %scatter3A_279 = tpu.memref_slice %arg16[%scatter3A_278] : memref<20480xf32, #tpu.memory_space<vmem>> -> memref<1280xf32, #tpu.memory_space<vmem>>
    tpu.vector_store_idx %scatter3A_279[%get3A_222], %gather3A_237 masked %lt3A_76 {add = true} : memref<1280xf32, #tpu.memory_space<vmem>>[vector<16xi32>], vector<16xf32>, vector<16xi1>
    %scatter3A_280 = arith.constant 6400 : i32
    %scatter3A_281 = tpu.memref_slice %arg16[%scatter3A_280] : memref<20480xf32, #tpu.memory_space<vmem>> -> memref<1280xf32, #tpu.memory_space<vmem>>
    tpu.vector_store_idx %scatter3A_281[%get3A_222], %gather3A_240 masked %lt3A_76 {add = true} : memref<1280xf32, #tpu.memory_space<vmem>>[vector<16xi32>], vector<16xf32>, vector<16xi1>
    %scatter3A_282 = arith.constant 7680 : i32
    %scatter3A_283 = tpu.memref_slice %arg16[%scatter3A_282] : memref<20480xf32, #tpu.memory_space<vmem>> -> memref<1280xf32, #tpu.memory_space<vmem>>
    tpu.vector_store_idx %scatter3A_283[%get3A_222], %gather3A_243 masked %lt3A_76 {add = true} : memref<1280xf32, #tpu.memory_space<vmem>>[vector<16xi32>], vector<16xf32>, vector<16xi1>
    %scatter3A_284 = arith.constant 8960 : i32
    %scatter3A_285 = tpu.memref_slice %arg16[%scatter3A_284] : memref<20480xf32, #tpu.memory_space<vmem>> -> memref<1280xf32, #tpu.memory_space<vmem>>
    tpu.vector_store_idx %scatter3A_285[%get3A_222], %gather3A_246 masked %lt3A_76 {add = true} : memref<1280xf32, #tpu.memory_space<vmem>>[vector<16xi32>], vector<16xf32>, vector<16xi1>
    %scatter3A_286 = arith.constant 10240 : i32
    %scatter3A_287 = tpu.memref_slice %arg16[%scatter3A_286] : memref<20480xf32, #tpu.memory_space<vmem>> -> memref<1280xf32, #tpu.memory_space<vmem>>
    tpu.vector_store_idx %scatter3A_287[%get3A_222], %gather3A_249 masked %lt3A_76 {add = true} : memref<1280xf32, #tpu.memory_space<vmem>>[vector<16xi32>], vector<16xf32>, vector<16xi1>
    %scatter3A_288 = arith.constant 11520 : i32
    %scatter3A_289 = tpu.memref_slice %arg16[%scatter3A_288] : memref<20480xf32, #tpu.memory_space<vmem>> -> memref<1280xf32, #tpu.memory_space<vmem>>
    tpu.vector_store_idx %scatter3A_289[%get3A_222], %gather3A_252 masked %lt3A_76 {add = true} : memref<1280xf32, #tpu.memory_space<vmem>>[vector<16xi32>], vector<16xf32>, vector<16xi1>
    %scatter3A_290 = arith.constant 12800 : i32
    %scatter3A_291 = tpu.memref_slice %arg16[%scatter3A_290] : memref<20480xf32, #tpu.memory_space<vmem>> -> memref<1280xf32, #tpu.memory_space<vmem>>
    tpu.vector_store_idx %scatter3A_291[%get3A_222], %gather3A_255 masked %lt3A_76 {add = true} : memref<1280xf32, #tpu.memory_space<vmem>>[vector<16xi32>], vector<16xf32>, vector<16xi1>
    %scatter3A_292 = arith.constant 14080 : i32
    %scatter3A_293 = tpu.memref_slice %arg16[%scatter3A_292] : memref<20480xf32, #tpu.memory_space<vmem>> -> memref<1280xf32, #tpu.memory_space<vmem>>
    tpu.vector_store_idx %scatter3A_293[%get3A_222], %gather3A_258 masked %lt3A_76 {add = true} : memref<1280xf32, #tpu.memory_space<vmem>>[vector<16xi32>], vector<16xf32>, vector<16xi1>
    %scatter3A_294 = arith.constant 15360 : i32
    %scatter3A_295 = tpu.memref_slice %arg16[%scatter3A_294] : memref<20480xf32, #tpu.memory_space<vmem>> -> memref<1280xf32, #tpu.memory_space<vmem>>
    tpu.vector_store_idx %scatter3A_295[%get3A_222], %gather3A_261 masked %lt3A_76 {add = true} : memref<1280xf32, #tpu.memory_space<vmem>>[vector<16xi32>], vector<16xf32>, vector<16xi1>
    %scatter3A_296 = arith.constant 16640 : i32
    %scatter3A_297 = tpu.memref_slice %arg16[%scatter3A_296] : memref<20480xf32, #tpu.memory_space<vmem>> -> memref<1280xf32, #tpu.memory_space<vmem>>
    tpu.vector_store_idx %scatter3A_297[%get3A_222], %gather3A_264 masked %lt3A_76 {add = true} : memref<1280xf32, #tpu.memory_space<vmem>>[vector<16xi32>], vector<16xf32>, vector<16xi1>
    %scatter3A_298 = arith.constant 17920 : i32
    %scatter3A_299 = tpu.memref_slice %arg16[%scatter3A_298] : memref<20480xf32, #tpu.memory_space<vmem>> -> memref<1280xf32, #tpu.memory_space<vmem>>
    tpu.vector_store_idx %scatter3A_299[%get3A_222], %gather3A_267 masked %lt3A_76 {add = true} : memref<1280xf32, #tpu.memory_space<vmem>>[vector<16xi32>], vector<16xf32>, vector<16xi1>
    %scatter3A_300 = arith.constant 19200 : i32
    %scatter3A_301 = tpu.memref_slice %arg16[%scatter3A_300] : memref<20480xf32, #tpu.memory_space<vmem>> -> memref<1280xf32, #tpu.memory_space<vmem>>
    tpu.vector_store_idx %scatter3A_301[%get3A_222], %gather3A_270 masked %lt3A_76 {add = true} : memref<1280xf32, #tpu.memory_space<vmem>>[vector<16xi32>], vector<16xf32>, vector<16xi1>
    %mul3A_302 = arith.constant 4 : i32
    %mul3A_303 = arith.muli %add3A_30, %mul3A_302 : i32
    %add3A_304 = arith.addi %mul3A_303, %select_n3A_28 : i32
    %mul3A_305 = arith.constant 1280 : i32
    %mul3A_306 = arith.muli %add3A_304, %mul3A_305 : i32
    %mul3A_307 = arith.constant 16 : i32
    %mul3A_308 = arith.muli %mul3A_306, %mul3A_307 : i32
    "tpu.region"() ({
      %run_scoped3A = tpu.sem_alloc : memref<!tpu.dma_semaphore, #tpu.memory_space<semaphore_mem>>
      %dma_start3A = tpu.memref_slice %arg5[%mul3A_308] : memref<655360xf32, #tpu.memory_space<hbm>> -> memref<20480xf32, #tpu.memory_space<hbm>>
      %dma_start3A_317 = tpu.memref_slice %arg5[%mul3A_308] : memref<655360xf32, #tpu.memory_space<hbm>> -> memref<20480xf32, #tpu.memory_space<hbm>>
      tpu.enqueue_dma source(%arg16 : memref<20480xf32, #tpu.memory_space<vmem>>) target(%dma_start3A_317 : memref<20480xf32, #tpu.memory_space<hbm>>) target_semaphore(%run_scoped3A : memref<!tpu.dma_semaphore, #tpu.memory_space<semaphore_mem>>)
      %dma_wait3A = tpu.memref_slice %arg5[%mul3A_308] : memref<655360xf32, #tpu.memory_space<hbm>> -> memref<20480xf32, #tpu.memory_space<hbm>>
      %dma_wait3A_318 = tpu.memref_slice %arg5[%mul3A_308] : memref<655360xf32, #tpu.memory_space<hbm>> -> memref<20480xf32, #tpu.memory_space<hbm>>
      tpu.wait_dma2 semaphore(%run_scoped3A : memref<!tpu.dma_semaphore, #tpu.memory_space<semaphore_mem>>) src(%arg16 : memref<20480xf32, #tpu.memory_space<vmem>>) dst(%dma_wait3A_318 : memref<20480xf32, #tpu.memory_space<hbm>>)
      tpu.yield
    }) : () -> ()
    %mul3A_309 = arith.constant 8 : i32
    %mul3A_310 = arith.muli %add3A_30, %mul3A_309 : i32
    %add3A_311 = arith.addi %mul3A_310, %select_n3A_28 : i32
    %mul3A_312 = arith.constant 1280 : i32
    %mul3A_313 = arith.muli %add3A_311, %mul3A_312 : i32
    "tpu.region"() ({
      %run_scoped3A = tpu.sem_alloc : memref<!tpu.dma_semaphore, #tpu.memory_space<semaphore_mem>>
      %dma_start3A = tpu.memref_slice %arg6[%mul3A_313] : memref<81920xf32, #tpu.memory_space<hbm>> -> memref<1280xf32, #tpu.memory_space<hbm>>
      %dma_start3A_317 = tpu.memref_slice %arg6[%mul3A_313] : memref<81920xf32, #tpu.memory_space<hbm>> -> memref<1280xf32, #tpu.memory_space<hbm>>
      tpu.enqueue_dma source(%arg13 : memref<1280xf32, #tpu.memory_space<vmem>>) target(%dma_start3A_317 : memref<1280xf32, #tpu.memory_space<hbm>>) target_semaphore(%run_scoped3A : memref<!tpu.dma_semaphore, #tpu.memory_space<semaphore_mem>>)
      %dma_wait3A = tpu.memref_slice %arg6[%mul3A_313] : memref<81920xf32, #tpu.memory_space<hbm>> -> memref<1280xf32, #tpu.memory_space<hbm>>
      %dma_wait3A_318 = tpu.memref_slice %arg6[%mul3A_313] : memref<81920xf32, #tpu.memory_space<hbm>> -> memref<1280xf32, #tpu.memory_space<hbm>>
      tpu.wait_dma2 semaphore(%run_scoped3A : memref<!tpu.dma_semaphore, #tpu.memory_space<semaphore_mem>>) src(%arg13 : memref<1280xf32, #tpu.memory_space<vmem>>) dst(%dma_wait3A_318 : memref<1280xf32, #tpu.memory_space<hbm>>)
      tpu.yield
    }) : () -> ()
    %eq3A_314 = arith.constant 0 : i32
    %eq3A_315 = arith.cmpi eq, %select_n3A_28, %eq3A_314 : i32
    %convert_element_type3A = arith.extui %eq3A_315 : i1 to i32
    %cond3A = arith.constant 0 : i32
    %cond3A_316 = arith.cmpi ne, %convert_element_type3A, %cond3A : i32
    scf.if %cond3A_316 {
      %mul3A_317 = arith.constant 8 : i32
      %mul3A_318 = arith.muli %add3A_30, %mul3A_317 : i32
      %add3A_319 = arith.constant 4 : i32
      %add3A_320 = arith.addi %mul3A_318, %add3A_319 : i32
      %mul3A_321 = arith.constant 1280 : i32
      %mul3A_322 = arith.muli %add3A_320, %mul3A_321 : i32
      "tpu.region"() ({
        %run_scoped3A = tpu.sem_alloc : memref<!tpu.dma_semaphore, #tpu.memory_space<semaphore_mem>>
        %dma_start3A = tpu.memref_slice %arg6[%mul3A_322] : memref<81920xf32, #tpu.memory_space<hbm>> -> memref<1280xf32, #tpu.memory_space<hbm>>
        %dma_start3A_336 = tpu.memref_slice %arg6[%mul3A_322] : memref<81920xf32, #tpu.memory_space<hbm>> -> memref<1280xf32, #tpu.memory_space<hbm>>
        tpu.enqueue_dma source(%arg12 : memref<1280xf32, #tpu.memory_space<vmem>>) target(%dma_start3A_336 : memref<1280xf32, #tpu.memory_space<hbm>>) target_semaphore(%run_scoped3A : memref<!tpu.dma_semaphore, #tpu.memory_space<semaphore_mem>>)
        %dma_wait3A = tpu.memref_slice %arg6[%mul3A_322] : memref<81920xf32, #tpu.memory_space<hbm>> -> memref<1280xf32, #tpu.memory_space<hbm>>
        %dma_wait3A_337 = tpu.memref_slice %arg6[%mul3A_322] : memref<81920xf32, #tpu.memory_space<hbm>> -> memref<1280xf32, #tpu.memory_space<hbm>>
        tpu.wait_dma2 semaphore(%run_scoped3A : memref<!tpu.dma_semaphore, #tpu.memory_space<semaphore_mem>>) src(%arg12 : memref<1280xf32, #tpu.memory_space<vmem>>) dst(%dma_wait3A_337 : memref<1280xf32, #tpu.memory_space<hbm>>)
        tpu.yield
      }) : () -> ()
      %scan3A_323 = arith.constant 0 : i32
      %scan3A_324 = arith.constant 0 : i32
      %scan3A_325 = arith.constant 80 : i32
      %scan3A_326 = arith.addi %scan3A_324, %scan3A_325 : i32
      %scan3A_327 = arith.constant 1 : i32
      %scan3A_328 = scf.for %scan3A_336 = %scan3A_324 to %scan3A_326 step %scan3A_327 iter_args(%scan3A_337 = %scan3A_323) -> (i32)  : i32 {
        %mul3A_338 = arith.constant 16 : i32
        %mul3A_339 = arith.muli %scan3A_336, %mul3A_338 : i32
        %get3A_340 = arith.index_cast %mul3A_339 : i32 to index
        %get3A_341 = tpu.vector_load %arg10[%get3A_340] {strides = array<i32>} : memref<1280xf32, #tpu.memory_space<vmem>>, vector<16xf32>,
        %eq3A_342 = arith.constant 0.000000e+00 : f32
        %eq3A_343 = vector.broadcast %eq3A_342 : f32 to vector<16xf32>
        %eq3A_344 = arith.cmpf oeq, %get3A_341, %eq3A_343 : vector<16xf32>
        %jit3A_345 = arith.constant 1.000000e+00 : f32
        %jit3A_346 = arith.constant 0.000000e+00 : f32
        %broadcast_in_dim3A_347 = vector.broadcast %jit3A_345 : f32 to vector<16xf32>
        %broadcast_in_dim3A_348 = vector.broadcast %jit3A_346 : f32 to vector<16xf32>
        %select_n3A_349 = arith.select %eq3A_344, %broadcast_in_dim3A_347, %broadcast_in_dim3A_348 : vector<16xi1>, vector<16xf32>
        %swap3A_350 = arith.index_cast %mul3A_339 : i32 to index
        %swap3A_351 = tpu.vector_load %arg14[%swap3A_350] {strides = array<i32>} : memref<1280xf32, #tpu.memory_space<vmem>>, vector<16xf32>,
        tpu.vector_store %arg14[%swap3A_350], %select_n3A_349 {strides = array<i32>} : memref<1280xf32, #tpu.memory_space<vmem>>, vector<16xf32>,
        %scan3A_352 = arith.constant 0 : i32
        scf.yield %scan3A_352 : i32
      }
      %scan3A_329 = arith.constant 80 : i32
      %mul3A_330 = arith.constant 8 : i32
      %mul3A_331 = arith.muli %add3A_30, %mul3A_330 : i32
      %add3A_332 = arith.constant 5 : i32
      %add3A_333 = arith.addi %mul3A_331, %add3A_332 : i32
      %mul3A_334 = arith.constant 1280 : i32
      %mul3A_335 = arith.muli %add3A_333, %mul3A_334 : i32
      "tpu.region"() ({
        %run_scoped3A = tpu.sem_alloc : memref<!tpu.dma_semaphore, #tpu.memory_space<semaphore_mem>>
        %dma_start3A = tpu.memref_slice %arg6[%mul3A_335] : memref<81920xf32, #tpu.memory_space<hbm>> -> memref<1280xf32, #tpu.memory_space<hbm>>
        %dma_start3A_336 = tpu.memref_slice %arg6[%mul3A_335] : memref<81920xf32, #tpu.memory_space<hbm>> -> memref<1280xf32, #tpu.memory_space<hbm>>
        tpu.enqueue_dma source(%arg14 : memref<1280xf32, #tpu.memory_space<vmem>>) target(%dma_start3A_336 : memref<1280xf32, #tpu.memory_space<hbm>>) target_semaphore(%run_scoped3A : memref<!tpu.dma_semaphore, #tpu.memory_space<semaphore_mem>>)
        %dma_wait3A = tpu.memref_slice %arg6[%mul3A_335] : memref<81920xf32, #tpu.memory_space<hbm>> -> memref<1280xf32, #tpu.memory_space<hbm>>
        %dma_wait3A_337 = tpu.memref_slice %arg6[%mul3A_335] : memref<81920xf32, #tpu.memory_space<hbm>> -> memref<1280xf32, #tpu.memory_space<hbm>>
        tpu.wait_dma2 semaphore(%run_scoped3A : memref<!tpu.dma_semaphore, #tpu.memory_space<semaphore_mem>>) src(%arg14 : memref<1280xf32, #tpu.memory_space<vmem>>) dst(%dma_wait3A_337 : memref<1280xf32, #tpu.memory_space<hbm>>)
        tpu.yield
      }) : () -> ()
    } else {
    }
    return
  }
}

</mosaic_0001>

<sc_bundles>
// kernel: kernel.3.cloned.1.call-start
scs
__scs_entry_jumppad:
0x0: {  	(pc) =	sbr.rel $0x88, $3  }
0x1: {  	(tag) =	ssettag $0x0;
	lr =	simm.s32 $0x1  }
0x2: {  	[smem:$0x3F98] =	sst lr;
	_ =	strace $0xD0000000  }
0x3: {  	_ = 	snop  }
0x4: {  	_ = 	snop  }
0x5: {  	_ = 	snop  }
0x6: {  	_ = 	snop  }
0x7: {  	_ = 	snop  }
__scs_overlays_trampoline_lowered:
0x8: {  	[smem:$0x3FA7] =	sst s0  }
0x9: {  	[smem:$0x3FA8] =	sst s1  }
0xa: {  	[smem:$0x3FA9] =	sst s2  }
0xb: {  	[smem:$0x3FAA] =	sst s3  }
0xc: {  	[smem:$0x3FAB] =	sst s4  }
0xd: {  	[smem:$0x3FAC] =	sst s5  }
0xe: {  	[smem:$0x3FAD] =	sst s6  }
0xf: {  	[smem:$0x3FAE] =	sst s7  }
0x10: {  	[smem:$0x3FAF] =	sst s8  }
0x11: {  	[smem:$0x3FB0] =	sst s9;
	s0 =	simm.s32 @!p0 $0x0  }
0x12: {  	s1 =	sld [smem:$0x3F96];
	s0 =	simm.s32 @p0 $0x1  }
0x13: {  	[smem:$0x3FB1] =	sst s0;
	s0 =	simm.s32 @!p1 $0x0  }
0x14: {  	s2 =	sld [smem:$0x3F95];
	s0 =	simm.s32 @p1 $0x1  }
0x15: {  	[smem:$0x3FB2] =	sst s0;
	s0 =	simm.s32 @!p2 $0x0  }
0x16: {  	s3 =	sld [smem:$0x3FDB];
	s0 =	simm.s32 @p2 $0x1  }
0x17: {  	s4 =	simm.s32 $0x1BF5;
	[smem:$0x3FB4] =	sst s0  }
0x18: {  	s0 =	sld [smem:$0x3F97];
	_ =	swait.ge [sflag:s4], $0x0  }
0x19: {  	s7 =	sld [smem:$0x3F98]  }
0x1a: {  	s8 =	sadd.s32 $0xFFFFE003, lr  }
0x1b: {  	s9 =	sadd.s32 $0xFFFFFEF7, lr;
	s5 =	simm.s32 $0xFFFFFFFF;
	p2 =	slt.u32 s8, $0xFFFFF086  }
0x1c: {  	p1 =	slt.u32 s9, $0xF7A;
	s5 =	simm.s32 @!p2 $0x0  }
0x1d: {  	s5 =	simm.s32 @p1 $0x1;
	p0 =	seq.s32 s7, s2  }
0x1e: {  	s7 =	smul.u32 @!p0 $0xF7A, s2;
	p2 =	seq.s32 @!p0 s5, $0x0  }
0x1f: {  	s9 =	smul.u32 $0xF7A, s1;
	s8 =	simm.s32 @!p0 $0x1BF5;
	p2 =	por !p2, p0  }
0x20: {  	[sflag:s8] =	ssyncset.s32 @!p0 $0xFFFFF086;
	s6 =	sadd.s32 @!p0 s3, s7;
	s7 =	simm.s32 @!p0 $0x108  }
0x21: {  	s3 =	sadd.s32 s3, s9;
	s6 =	sadd.s32 @!p0 $0x88, s6;
	s7 =	simm.s32 @p2 $0x1082  }
0x22: {  	[simem:s7], [sflag:s8] =	dma.local @!p0 [hbm:s6], $0xF7A  }
0x23: {  	s9 =	sor.u32 $0xD0000000, s2;
	s6 =	simm.s32 $0x108;
	_ =	swait.ge @!p0 [sflag:s8], $0x0  }
0x24: {  	s3 =	sadd.s32 $0x88, s3;
	s6 =	simm.s32 @!p1 $0x1082;
	[sflag:s4] =	ssyncset.s32 $0xFFFFF086  }
0x25: {  	[simem:s6], [sflag:s4] =	dma.local [hbm:s3], $0xF7A  }
0x26: {  	[smem:$0x3F98] =	sst s1;
	(tag) =	ssettag s2;
	_ =	strace s9  }
0x27: {  	s1 =	sld [smem:$0x3FA8]  }
0x28: {  	s2 =	sld [smem:$0x3FA9]  }
0x29: {  	s4 =	sld [smem:$0x3FAB]  }
0x2a: {  	p0 =	seq.s32 s5, $0x0;
	s5 =	sld [smem:$0x3FAC]  }
0x2b: {  	s6 =	sld [smem:$0x3FAD]  }
0x2c: {  	s7 =	sld [smem:$0x3FAE]  }
0x2d: {  	s3 =	simm.s32 $0x108;
	s8 =	sld [smem:$0x3FAF]  }
0x2e: {  	s3 =	simm.s32 @!p0 $0x1082;
	s9 =	sld [smem:$0x3FB0]  }
0x2f: {  	lr =	sadd.s32 s0, s3;
	s0 =	sld [smem:$0x3FA7]  }
0x30: {  	s3 =	sld [smem:$0x3FAA]  }
0x31: {  	[smem:$0x3FB3] =	sst s10  }
0x32: {  	s10 =	sld [smem:$0x3FB1];
	_ =	sdelay $0x3  }
0x33: {  	p0 =	seq.s32 s10, $0x1;
	s10 =	sld [smem:$0x3FB3];
	_ =	sdelay $0x3  }
0x34: {  	[smem:$0x3FB3] =	sst s10  }
0x35: {  	s10 =	sld [smem:$0x3FB2];
	_ =	sdelay $0x3  }
0x36: {  	p1 =	seq.s32 s10, $0x1;
	s10 =	sld [smem:$0x3FB3];
	_ =	sdelay $0x3  }
0x37: {  	[smem:$0x3FB3] =	sst s10  }
0x38: {  	s10 =	sld [smem:$0x3FB4]  }
0x39: {  	_ = 	snop;
	(pc) =	sbr.ind lr, $3  }
0x3a: {  	_ = 	snop  }
0x3b: {  	_ = 	snop  }
0x3c: {  	p2 =	seq.s32 s10, $0x1;
	s10 =	sld [smem:$0x3FB3]  }
0x3d: {  	_ =	shalt  }
0x3e: {  	_ =	shalt  }
0x3f: {  	_ =	shalt  }
0x40: {  	_ =	shalt  }
0x41: {  	_ =	shalt  }
0x42: {  	_ =	shalt  }
0x43: {  	_ =	shalt  }
0x44: {  	_ =	shalt  }
0x45: {  	_ =	shalt  }
0x46: {  	_ =	shalt  }
0x47: {  	_ =	shalt  }
0x48: {  	_ =	shalt  }
0x49: {  	_ =	shalt  }
0x4a: {  	_ =	shalt  }
0x4b: {  	_ =	shalt  }
0x4c: {  	_ =	shalt  }
0x4d: {  	_ =	shalt  }
0x4e: {  	_ =	shalt  }
0x4f: {  	_ =	shalt  }
0x50: {  	_ =	shalt  }
0x51: {  	_ =	shalt  }
0x52: {  	_ =	shalt  }
0x53: {  	_ =	shalt  }
0x54: {  	_ =	shalt  }
0x55: {  	_ =	shalt  }
0x56: {  	_ =	shalt  }
0x57: {  	_ =	shalt  }
0x58: {  	_ =	shalt  }
0x59: {  	_ =	shalt  }
0x5a: {  	_ =	shalt  }
0x5b: {  	_ =	shalt  }
0x5c: {  	_ =	shalt  }
0x5d: {  	_ =	shalt  }
0x5e: {  	_ =	shalt  }
0x5f: {  	_ =	shalt  }
0x60: {  	_ =	shalt  }
0x61: {  	_ =	shalt  }
0x62: {  	_ =	shalt  }
0x63: {  	_ =	shalt  }
0x64: {  	_ =	shalt  }
0x65: {  	_ =	shalt  }
0x66: {  	_ =	shalt  }
0x67: {  	_ =	shalt  }
0x68: {  	_ =	shalt  }
0x69: {  	_ =	shalt  }
0x6a: {  	_ =	shalt  }
0x6b: {  	_ =	shalt  }
0x6c: {  	_ =	shalt  }
0x6d: {  	_ =	shalt  }
0x6e: {  	_ =	shalt  }
0x6f: {  	_ =	shalt  }
0x70: {  	_ =	shalt  }
0x71: {  	_ =	shalt  }
0x72: {  	_ =	shalt  }
0x73: {  	_ =	shalt  }
0x74: {  	_ =	shalt  }
0x75: {  	_ =	shalt  }
0x76: {  	_ =	shalt  }
0x77: {  	_ =	shalt  }
0x78: {  	_ =	shalt  }
0x79: {  	_ =	shalt  }
0x7a: {  	_ =	shalt  }
0x7b: {  	_ =	shalt  }
0x7c: {  	_ =	shalt  }
0x7d: {  	_ =	shalt  }
0x7e: {  	_ =	shalt  }
0x7f: {  	_ =	shalt  }
0x80: {  	_ =	shalt  }
0x81: {  	_ =	shalt  }
0x82: {  	_ =	shalt  }
0x83: {  	_ =	shalt  }
0x84: {  	_ =	shalt  }
0x85: {  	_ =	shalt  }
0x86: {  	_ =	shalt  }
0x87: {  	_ =	shalt  }
.Lfunc_end0:
.L_simem_size_0:
called_computation_lowered:
.L_overlay_start_0:
0x88: {  	s2 =	sld [smem:$0x3FD9]  }
0x89: {  	s3 =	sld [smem:$0x3FFE];
	_ =	sdelay $0x1  }
0x8a: {  	s1 =	srdreg.scid  }
0x8b: {  	s0 =	sand.u32 $0x1, s1  }
0x8c: {  	s16 =	sshll.u32 s0, $0xA;
	s2 =	sadd.s32 s3, s2  }
0x8d: {  	s2 =	sadd.s32 s2, s16  }
0x8e: {  	[smem:$0x3FBF] =	sst s2  }
0x8f: {  	_ = 	snop  }
0x90: {  	(tm) =	ssettm $0x1  }
0x91: {  	s17 =	sld [smem:$0x3FFB];
	_ =	sdelay $0x3  }
0x92: {  	_ =	strace s17  }
0x93: {  	s2 =	sld [smem:$0x3FFC];
	_ =	sdelay $0x3  }
0x94: {  	_ =	strace s2  }
0x95: {  	s2 =	sld [smem:$0x3FFD];
	_ =	sdelay $0x3  }
0x96: {  	_ =	strace s2  }
0x97: {  	_ =	strace $0x8FFFFFFF  }
0x98: {  	s18 =	sld [smem:$0x3FDB];
	_ =	sdelay $0x1  }
0x99: {  	s19 =	simm.s32 $_scs_section_size  }
0x9a: {  	s4 =	simm.s32 $_size__tile_overlayer_lowered;
	s5 =	simm.s32 $_tile_overlayer_lowered  }
0x9b: {  	s22 =	simm.s32 $0x1BFF;
	s21 =	sshll.u32 s5, $0x1;
	s2 =	sadd.s32 s19, s18  }
0x9c: {  	s6 =	simm.s32 $0x0;
	s20 =	sshll.u32 s4, $0x1;
	s4 =	sadd.s32 s21, s2  }
0x9d: {  	[timem:s6], [sflag:s22] =	dma.local [hbm:s4], s20  }
0x9e: {  	_ =	swait.ge [sflag:s22], s20  }
0x9f: {  	s3 =	ssub.s32 $0x0, s20;
	[sflag:s22] =	ssyncset.done $0x0  }
0xa0: {  	[sflag:s22] =	ssyncadd.s32 s3;
	_ =	sdelay $0x1  }
0xa1: {  	s23 =	simm.s32 $0x1B8B  }
0xa2: {  	_ =	swait.ge [sflag:s23], $0x1  }
0xa3: {  	[sflag:s23] =	ssyncset.done $0x0  }
0xa4: {  	s25 =	simm.s32 $0x1B8E;
	s24 =	sld [smem:$0x3FFE];
	[sflag:s23] =	ssyncadd.s32 $0xFFFFFFFF  }
0xa5: {  	s26 =	simm.s32 $execute0_lowered;
	[smem:$0x3FD2] =	sst s25  }
0xa6: {  	s4 =	sshll.u32 s26, $0x1;
	_ =	strace $0x80000046;
	[dreg:$0x1] =	wrdreg $0xFFFFFFFF  }
0xa7: {  	s28 =	simm.s32 $_size_execute0_lowered;
	s2 =	sadd.s32 s2, s4;
	[dreg:$0x0] =	wrdreg $0x0  }
0xa8: {  	s4 =	sshll.u32 s28, $0x1;
	[dreg:$0x2] =	wrdreg s2  }
0xa9: {  	[dreg:$0x3] =	wrdreg s4  }
0xaa: {  	[dreg:$0x4] =	wrdreg $0xC0  }
0xab: {  	_ =	task [dreg:s6], $0x5FFFF  }
0xac: {  	[dreg:$0x1] =	wrdreg $0xFFFFFFFF  }
0xad: {  	[dreg:$0x0] =	wrdreg $0x60  }
0xae: {  	[dreg:$0x2] =	wrdreg s24  }
0xaf: {  	[dreg:$0x3] =	wrdreg $0xE6000  }
0xb0: {  	[dreg:$0x4] =	wrdreg $0x9  }
0xb1: {  	_ =	task.clear_ibuf [dreg:s6], $0x5FFFF;
	_ =	strace $0x90000046  }
0xb2: {  	s29 =	simm.s32 $0x9;
	_ =	strace $0x80000048  }
0xb3: {  	_ =	swait.ge [sflag:s29], $0x1  }
0xb4: {  	[sflag:s29] =	ssyncadd.s32 $0xFFFFFFFF  }
0xb5: {  	_ =	strace $0x90000048  }
0xb6: {  	_ =	sfence  }
0xb7: {  	s30 =	sld [smem:$0x0];
	_ =	sdelay $0x2  }
0xb8: {  	s31 =	sshll.u32 s1, $0xD;
	s1 =	sshrl.u32 s1, $0x2  }
0xb9: {  	s3 =	sand.u32 $0x4000, s31;
	s1 =	sadd.s32 s1, s30  }
0xba: {  	s0 =	sor.u32 s3, s0;
	s1 =	sshll.u32 s1, $0x11  }
0xbb: {  	s0 =	sor.u32 s1, s0  }
0xbc: {  	s0 =	sadd.s32 $0x8F2B, s0  }
0xbd: {  	[sflag:s0] =	ssyncadd.remote.s32 $0x1  }
0xbe: {  	_ =	sfence.sel $0xFFFF  }
0xbf: {  	[dreg:$0x0] =	wrdreg $0xFFFFFFFF;
	(pc) =	sbr.abs _section_cstart, $3  }
0xc0: {  	[dreg:$0x1] =	wrdreg $0xFFFFFFFF  }
0xc1: {  	_ =	task.clear_ibuf [dreg:s6], $0x2FFFF;
	_ =	strace $0x9FFFFFFF  }
0xc2: {  	(tm) =	ssettm $0x7FFFFFFF  }
0xc3: {  	_ =	shalt  }
tec
execute0_lowered:
.L_overlay_start_1:
0x0: {  	(tag) =	ssettag $0x1  }
0x1: {  	s0 =	srdreg.scid;
	s3 =	rddreg [dreg:$0x0]  }
0x2: {  	s11 =	stileid.u32;
	s4 =	rddreg [dreg:$0x1]  }
0x3: {  	s19 =	simm.s32 $0x0;
	s7 =	sand.u32 $0x3, s11;
	s31 =	smul.u32 $0x2800, s11  }
0x4: {  	s0 =	sand.u32 $0x1, s0;
	s13 =	sand.u32 $0xC, s11;
	s10 =	smul.u32 $0x1388, s7  }
0x5: {  	s1 =	sshrl.u32 s11, $0x2;
	s2 =	sshll.u32 s0, $0x2;
	s14 =	smul.u32 $0x2800, s13  }
0x6: {  	[smem:$0x7FF] =	sst s19;
	s2 =	sor.u32 s1, s2;
	s1 =	smul.u32 $0xA000, s1  }
0x7: {  	s18 =	sor.u32 $0x3, s11;
	_ =	strace $0x80000047;
	s5 =	smul.u32 $0xA00, s2  }
0x8: {  	s0 =	ssub.s32 $0x2, s0;
	p0 =	sne.s32 s7, $0x0;
	s6 =	smul.u32 $0xA0, s2  }
0x9: {  	s30 =	sshrl.u32 s0, $0x1;
	s8 =	sshll.u32 s2, $0x2;
	s9 =	smul.u32 $0x9C40, s2  }
0xa: {  	s0 =	ssub.s32 s0, s30;
	s17 =	sshrl.u32 s14, $0x2;
	s23 =	sshll.u32 s2, $0x3  }
0xb: {  	s2 =	smul.u32 $0x2800, s2;
	s8 =	sor.u32 s7, s8;
	s1 =	sshrl.u32 s1, $0x2  }
0xc: {  	s0 =	smax.u32 s0, $0x1;
	s8 =	smul.u32 $0xA00, s8;
	s5 =	sadd.s32 s5, s3  }
0xd: {  	s6 =	sadd.s32 s6, s3;
	s16 =	sadd.s32 s1, s4;
	[dreg:$0x15] =	wrdreg s0  }
0xe: {  	s9 =	sadd.s32 s10, s9;
	s6 =	sadd.s32 $0xEE00, s6;
	[dreg:$0x9] =	wrdreg s16  }
0xf: {  	s1 =	sadd.s32 s17, s4;
	s5 =	sadd.s32 $0x9E00, s5;
	[dreg:$0x5] =	wrdreg s6  }
0x10: {  	s28 =	sshrl.u32 s2, $0x3;
	s20 =	sadd.s32 $0x500, s16;
	[dreg:$0x7] =	wrdreg s5  }
0x11: {  	s2 =	simm.s32 $0x4600;
	s21 =	sadd.s32 $0xA00, s1;
	[dreg:$0xa] =	wrdreg s20  }
0x12: {  	s9 =	sshrl.u32 s9, $0x3;
	s22 =	sadd.s32 $0xF00, s1;
	[dreg:$0xb] =	wrdreg s21  }
0x13: {  	s24 =	sadd.s32 $0x1400, s1;
	s1 =	sadd.s32 $0x1900, s1;
	[dreg:$0xc] =	wrdreg s22  }
0x14: {  	s8 =	sadd.s32 s8, s3;
	s12 =	sadd.s32 s3, s9;
	[dreg:$0xd] =	wrdreg s24  }
0x15: {  	s3 =	sadd.s32 $0xF400, s3;
	s9 =	sshrl.u32 s31, $0x2;
	[dreg:$0xf] =	wrdreg s1  }
0x16: {  	s5 =	smul.u32 $0x2800, s18;
	[dreg:$0x3] =	wrdreg s12;
	s12 =	sadd.s32 $0x9C4, s12  }
0x17: {  	s6 =	sor.u32 s7, s23;
	s9 =	sadd.s32 s9, s4;
	[dreg:$0x4] =	wrdreg s12  }
0x18: {  	s25 =	smul.u32 $0xA0, s6;
	s29 =	sadd.s32 $0x11C00, s8;
	[dreg:$0x6] =	wrdreg s9  }
0x19: {  	s1 =	sadd.s32 s3, s28;
	s15 =	sadd.s32 $0x500, s9;
	[dreg:$0x11] =	wrdreg s29  }
0x1a: {  	s5 =	sshrl.u32 s5, $0x2;
	s31 =	sadd.s32 $0x280, s1;
	[dreg:$0x8] =	wrdreg s15  }
.Ltmp0:
0x1b: {  	s1 =	sadd.s32 $0x320, s1;
	[dreg:$0x13] =	wrdreg s31;
	(pc) =	sbr.rel .LBB2_1-.Ltmp0, $4  }
0x1c: {  	s0 =	simm.s32 $0x2800;
	s5 =	sadd.s32 s5, s4;
	[dreg:$0x14] =	wrdreg s1  }
0x1d: {  	s20 =	simm.s32 $0x1;
	s30 =	sadd.s32 s3, s25;
	[dreg:$0xe] =	wrdreg s5  }
0x1e: {  	v0 =	vimm.s32 $0x0;
	s23 =	simm.s32 $0x4100;
	s26 =	sadd.s32 $0x500, s5;
	[dreg:$0x12] =	wrdreg s30  }
0x1f: {  	v1 =	vimm.f32 $0.0e+00;
	v2 =	vimm.f32 $1.000000000e+00;
	vm0 =	vmmov $0xff;
	s1 =	simm.s32 $0x2D00;
	s3 =	simm.s32 $0x0;
	[dreg:$0x10] =	wrdreg s26  }
.LBB2_30:
0x20: {  	vm1 =	veq.f32 v3, $0.0e+00  }
0x21: {  	v3 =	vsel vm1, $0x3F800000, v1  }
0x22: {  	s31 =	rddreg [dreg:$0x14];
	[tilespmem:s4+$0x4100] =	vst v3  }
0x23: {  	[hbm4b:s31+s19] =	stream.linear.scatter [tilespmem:s23], [sflag:$0x1], $0x500, $0x38;
	[tilespmem:$0xF000] =	vst v63  }
0x24: {  	_ =	swait.ge [sflag:s20], $0x500  }
0x25: {  	[sflag:s20] =	ssyncset.done $0x0  }
0x26: {  	[sflag:s20] =	ssyncadd.s32 $0xFFFFFB00  }
.LBB2_31:
0x27: {  	s3 =	sadd.s32 $0x1, s3;
	s4 =	rddreg [dreg:$0x15]  }
0x28: {  	p1 =	sne.s32 s3, s4  }
.Ltmp1:
0x29: {  	_ = 	snop;
	(pc) =	sbr.rel @!p1 .LBB2_32-.Ltmp1, $2  }
0x2a: {  	_ =	sdelay $0x2  }
0x2b: {  	s2 =	simm.s32 $0x4600  }
.LBB2_1:
0x2c: {  	[tilespmem:$0x1388] =	vst v0  }
0x2d: {  	[tilespmem:$0x2788] =	vst v0;
	s4 =	rddreg [dreg:$0x3]  }
0x2e: {  	[tilespmem:s19], [sflag:$0x1] =	stream.linear.gather [hbm4b:s4+s19], $0x1388, $0x38;
	[tilespmem:$0xF000] =	vst v63  }
0x2f: {  	_ =	swait.ge [sflag:s20], $0x1388  }
0x30: {  	[sflag:s20] =	ssyncset.done $0x0  }
0x31: {  	s5 =	simm.s32 $0x1400;
	s28 =	rddreg [dreg:$0x4];
	[sflag:s20] =	ssyncadd.s32 $0xFFFFEC78  }
0x32: {  	[tilespmem:s5], [sflag:$0x1] =	stream.linear.gather [hbm4b:s28+s19], $0x1388, $0x38;
	[tilespmem:$0xF000] =	vst v63  }
0x33: {  	_ =	swait.ge [sflag:s20], $0x1388  }
0x34: {  	[sflag:s20] =	ssyncset.done $0x0  }
0x35: {  	s30 =	simm.s32 $0x3200;
	s29 =	rddreg [dreg:$0x5];
	[sflag:s20] =	ssyncadd.s32 $0xFFFFEC78  }
0x36: {  	[tilespmem:s30], [sflag:$0x1] =	stream.linear.gather [hbm4b:s29+s19], $0x500, $0x38;
	[tilespmem:$0xF000] =	vst v63  }
0x37: {  	_ =	swait.ge [sflag:s20], $0x500  }
0x38: {  	[sflag:s20] =	ssyncset.done $0x0  }
0x39: {  	s31 =	rddreg [dreg:$0x7];
	[sflag:s20] =	ssyncadd.s32 $0xFFFFFB00  }
0x3a: {  	[tilespmem:s2], [sflag:$0x1] =	stream.linear.gather [hbm4b:s31+s19], $0x5000, $0x38;
	[tilespmem:$0xF000] =	vst v63  }
0x3b: {  	_ =	swait.ge [sflag:s20], $0x5000  }
0x3c: {  	[sflag:s20] =	ssyncset.done $0x0  }
0x3d: {  	[sflag:s20] =	ssyncadd.s32 $0xFFFFB000  }
0x3e: {  	[tilespmem:$0x2800] =	vst v1  }
0x3f: {  	[tilespmem:$0x2D00] =	vst v1  }
0x40: {  	[tilespmem:$0x3C00] =	vst v1  }
0x41: {  	[tilespmem:$0x2810] =	vst v1  }
0x42: {  	[tilespmem:$0x2D10] =	vst v1  }
0x43: {  	[tilespmem:$0x3C10] =	vst v1  }
0x44: {  	[tilespmem:$0x2820] =	vst v1  }
0x45: {  	[tilespmem:$0x2D20] =	vst v1  }
0x46: {  	[tilespmem:$0x3C20] =	vst v1  }
0x47: {  	[tilespmem:$0x2830] =	vst v1  }
0x48: {  	[tilespmem:$0x2D30] =	vst v1  }
0x49: {  	[tilespmem:$0x3C30] =	vst v1  }
0x4a: {  	[tilespmem:$0x2840] =	vst v1  }
0x4b: {  	[tilespmem:$0x2D40] =	vst v1  }
0x4c: {  	[tilespmem:$0x3C40] =	vst v1  }
0x4d: {  	[tilespmem:$0x2850] =	vst v1  }
0x4e: {  	[tilespmem:$0x2D50] =	vst v1  }
0x4f: {  	[tilespmem:$0x3C50] =	vst v1  }
0x50: {  	[tilespmem:$0x2860] =	vst v1  }
0x51: {  	[tilespmem:$0x2D60] =	vst v1  }
0x52: {  	[tilespmem:$0x3C60] =	vst v1  }
0x53: {  	[tilespmem:$0x2870] =	vst v1  }
0x54: {  	[tilespmem:$0x2D70] =	vst v1  }
0x55: {  	[tilespmem:$0x3C70] =	vst v1  }
0x56: {  	[tilespmem:$0x2880] =	vst v1  }
0x57: {  	[tilespmem:$0x2D80] =	vst v1  }
0x58: {  	[tilespmem:$0x3C80] =	vst v1  }
0x59: {  	[tilespmem:$0x2890] =	vst v1  }
0x5a: {  	[tilespmem:$0x2D90] =	vst v1  }
0x5b: {  	[tilespmem:$0x3C90] =	vst v1  }
0x5c: {  	[tilespmem:$0x28A0] =	vst v1  }
0x5d: {  	[tilespmem:$0x2DA0] =	vst v1  }
0x5e: {  	[tilespmem:$0x3CA0] =	vst v1  }
0x5f: {  	[tilespmem:$0x28B0] =	vst v1  }
0x60: {  	[tilespmem:$0x2DB0] =	vst v1  }
0x61: {  	[tilespmem:$0x3CB0] =	vst v1  }
0x62: {  	[tilespmem:$0x28C0] =	vst v1  }
0x63: {  	[tilespmem:$0x2DC0] =	vst v1  }
0x64: {  	[tilespmem:$0x3CC0] =	vst v1  }
0x65: {  	[tilespmem:$0x28D0] =	vst v1  }
0x66: {  	[tilespmem:$0x2DD0] =	vst v1  }
0x67: {  	[tilespmem:$0x3CD0] =	vst v1  }
0x68: {  	[tilespmem:$0x28E0] =	vst v1  }
0x69: {  	[tilespmem:$0x2DE0] =	vst v1  }
0x6a: {  	[tilespmem:$0x3CE0] =	vst v1  }
0x6b: {  	[tilespmem:$0x28F0] =	vst v1  }
0x6c: {  	[tilespmem:$0x2DF0] =	vst v1  }
0x6d: {  	[tilespmem:$0x3CF0] =	vst v1  }
0x6e: {  	[tilespmem:$0x2900] =	vst v1  }
0x6f: {  	[tilespmem:$0x2E00] =	vst v1  }
0x70: {  	[tilespmem:$0x3D00] =	vst v1  }
0x71: {  	[tilespmem:$0x2910] =	vst v1  }
0x72: {  	[tilespmem:$0x2E10] =	vst v1  }
0x73: {  	[tilespmem:$0x3D10] =	vst v1  }
0x74: {  	[tilespmem:$0x2920] =	vst v1  }
0x75: {  	[tilespmem:$0x2E20] =	vst v1  }
0x76: {  	[tilespmem:$0x3D20] =	vst v1  }
0x77: {  	[tilespmem:$0x2930] =	vst v1  }
0x78: {  	[tilespmem:$0x2E30] =	vst v1  }
0x79: {  	[tilespmem:$0x3D30] =	vst v1  }
0x7a: {  	[tilespmem:$0x2940] =	vst v1  }
0x7b: {  	[tilespmem:$0x2E40] =	vst v1  }
0x7c: {  	[tilespmem:$0x3D40] =	vst v1  }
0x7d: {  	[tilespmem:$0x2950] =	vst v1  }
0x7e: {  	[tilespmem:$0x2E50] =	vst v1  }
0x7f: {  	[tilespmem:$0x3D50] =	vst v1  }
0x80: {  	[tilespmem:$0x2960] =	vst v1  }
0x81: {  	[tilespmem:$0x2E60] =	vst v1  }
0x82: {  	[tilespmem:$0x3D60] =	vst v1  }
0x83: {  	[tilespmem:$0x2970] =	vst v1  }
0x84: {  	[tilespmem:$0x2E70] =	vst v1  }
0x85: {  	[tilespmem:$0x3D70] =	vst v1  }
0x86: {  	[tilespmem:$0x2980] =	vst v1  }
0x87: {  	[tilespmem:$0x2E80] =	vst v1  }
0x88: {  	[tilespmem:$0x3D80] =	vst v1  }
0x89: {  	[tilespmem:$0x2990] =	vst v1  }
0x8a: {  	[tilespmem:$0x2E90] =	vst v1  }
0x8b: {  	[tilespmem:$0x3D90] =	vst v1  }
0x8c: {  	[tilespmem:$0x29A0] =	vst v1  }
0x8d: {  	[tilespmem:$0x2EA0] =	vst v1  }
0x8e: {  	[tilespmem:$0x3DA0] =	vst v1  }
0x8f: {  	[tilespmem:$0x29B0] =	vst v1  }
0x90: {  	[tilespmem:$0x2EB0] =	vst v1  }
0x91: {  	[tilespmem:$0x3DB0] =	vst v1  }
0x92: {  	[tilespmem:$0x29C0] =	vst v1  }
0x93: {  	[tilespmem:$0x2EC0] =	vst v1  }
0x94: {  	[tilespmem:$0x3DC0] =	vst v1  }
0x95: {  	[tilespmem:$0x29D0] =	vst v1  }
0x96: {  	[tilespmem:$0x2ED0] =	vst v1  }
0x97: {  	[tilespmem:$0x3DD0] =	vst v1  }
0x98: {  	[tilespmem:$0x29E0] =	vst v1  }
0x99: {  	[tilespmem:$0x2EE0] =	vst v1  }
0x9a: {  	[tilespmem:$0x3DE0] =	vst v1  }
0x9b: {  	[tilespmem:$0x29F0] =	vst v1  }
0x9c: {  	[tilespmem:$0x2EF0] =	vst v1  }
0x9d: {  	[tilespmem:$0x3DF0] =	vst v1  }
0x9e: {  	[tilespmem:$0x2A00] =	vst v1  }
0x9f: {  	[tilespmem:$0x2F00] =	vst v1  }
0xa0: {  	[tilespmem:$0x3E00] =	vst v1  }
0xa1: {  	[tilespmem:$0x2A10] =	vst v1  }
0xa2: {  	[tilespmem:$0x2F10] =	vst v1  }
0xa3: {  	[tilespmem:$0x3E10] =	vst v1  }
0xa4: {  	[tilespmem:$0x2A20] =	vst v1  }
0xa5: {  	[tilespmem:$0x2F20] =	vst v1  }
0xa6: {  	[tilespmem:$0x3E20] =	vst v1  }
0xa7: {  	[tilespmem:$0x2A30] =	vst v1  }
0xa8: {  	[tilespmem:$0x2F30] =	vst v1  }
0xa9: {  	[tilespmem:$0x3E30] =	vst v1  }
0xaa: {  	[tilespmem:$0x2A40] =	vst v1  }
0xab: {  	[tilespmem:$0x2F40] =	vst v1  }
0xac: {  	[tilespmem:$0x3E40] =	vst v1  }
0xad: {  	[tilespmem:$0x2A50] =	vst v1  }
0xae: {  	[tilespmem:$0x2F50] =	vst v1  }
0xaf: {  	[tilespmem:$0x3E50] =	vst v1  }
0xb0: {  	[tilespmem:$0x2A60] =	vst v1  }
0xb1: {  	[tilespmem:$0x2F60] =	vst v1  }
0xb2: {  	[tilespmem:$0x3E60] =	vst v1  }
0xb3: {  	[tilespmem:$0x2A70] =	vst v1  }
0xb4: {  	[tilespmem:$0x2F70] =	vst v1  }
0xb5: {  	[tilespmem:$0x3E70] =	vst v1  }
0xb6: {  	[tilespmem:$0x2A80] =	vst v1  }
0xb7: {  	[tilespmem:$0x2F80] =	vst v1  }
0xb8: {  	[tilespmem:$0x3E80] =	vst v1  }
0xb9: {  	[tilespmem:$0x2A90] =	vst v1  }
0xba: {  	[tilespmem:$0x2F90] =	vst v1  }
0xbb: {  	[tilespmem:$0x3E90] =	vst v1  }
0xbc: {  	[tilespmem:$0x2AA0] =	vst v1  }
0xbd: {  	[tilespmem:$0x2FA0] =	vst v1  }
0xbe: {  	[tilespmem:$0x3EA0] =	vst v1  }
0xbf: {  	[tilespmem:$0x2AB0] =	vst v1  }
0xc0: {  	[tilespmem:$0x2FB0] =	vst v1  }
0xc1: {  	[tilespmem:$0x3EB0] =	vst v1  }
0xc2: {  	[tilespmem:$0x2AC0] =	vst v1  }
0xc3: {  	[tilespmem:$0x2FC0] =	vst v1  }
0xc4: {  	[tilespmem:$0x3EC0] =	vst v1  }
0xc5: {  	[tilespmem:$0x2AD0] =	vst v1  }
0xc6: {  	[tilespmem:$0x2FD0] =	vst v1  }
0xc7: {  	[tilespmem:$0x3ED0] =	vst v1  }
0xc8: {  	[tilespmem:$0x2AE0] =	vst v1  }
0xc9: {  	[tilespmem:$0x2FE0] =	vst v1  }
0xca: {  	[tilespmem:$0x3EE0] =	vst v1  }
0xcb: {  	[tilespmem:$0x2AF0] =	vst v1  }
0xcc: {  	[tilespmem:$0x2FF0] =	vst v1  }
0xcd: {  	[tilespmem:$0x3EF0] =	vst v1  }
0xce: {  	[tilespmem:$0x2B00] =	vst v1  }
0xcf: {  	[tilespmem:$0x3000] =	vst v1  }
0xd0: {  	[tilespmem:$0x3F00] =	vst v1  }
0xd1: {  	[tilespmem:$0x2B10] =	vst v1  }
0xd2: {  	[tilespmem:$0x3010] =	vst v1  }
0xd3: {  	[tilespmem:$0x3F10] =	vst v1  }
0xd4: {  	[tilespmem:$0x2B20] =	vst v1  }
0xd5: {  	[tilespmem:$0x3020] =	vst v1  }
0xd6: {  	[tilespmem:$0x3F20] =	vst v1  }
0xd7: {  	[tilespmem:$0x2B30] =	vst v1  }
0xd8: {  	[tilespmem:$0x3030] =	vst v1  }
0xd9: {  	[tilespmem:$0x3F30] =	vst v1  }
0xda: {  	[tilespmem:$0x2B40] =	vst v1  }
0xdb: {  	[tilespmem:$0x3040] =	vst v1  }
0xdc: {  	[tilespmem:$0x3F40] =	vst v1  }
0xdd: {  	[tilespmem:$0x2B50] =	vst v1  }
0xde: {  	[tilespmem:$0x3050] =	vst v1  }
0xdf: {  	[tilespmem:$0x3F50] =	vst v1  }
0xe0: {  	[tilespmem:$0x2B60] =	vst v1  }
0xe1: {  	[tilespmem:$0x3060] =	vst v1  }
0xe2: {  	[tilespmem:$0x3F60] =	vst v1  }
0xe3: {  	[tilespmem:$0x2B70] =	vst v1  }
0xe4: {  	[tilespmem:$0x3070] =	vst v1  }
0xe5: {  	[tilespmem:$0x3F70] =	vst v1  }
0xe6: {  	[tilespmem:$0x2B80] =	vst v1  }
0xe7: {  	[tilespmem:$0x3080] =	vst v1  }
0xe8: {  	[tilespmem:$0x3F80] =	vst v1  }
0xe9: {  	[tilespmem:$0x2B90] =	vst v1  }
0xea: {  	[tilespmem:$0x3090] =	vst v1  }
0xeb: {  	[tilespmem:$0x3F90] =	vst v1  }
0xec: {  	[tilespmem:$0x2BA0] =	vst v1  }
0xed: {  	[tilespmem:$0x30A0] =	vst v1  }
0xee: {  	[tilespmem:$0x3FA0] =	vst v1  }
0xef: {  	[tilespmem:$0x2BB0] =	vst v1  }
0xf0: {  	[tilespmem:$0x30B0] =	vst v1  }
0xf1: {  	[tilespmem:$0x3FB0] =	vst v1  }
0xf2: {  	[tilespmem:$0x2BC0] =	vst v1  }
0xf3: {  	[tilespmem:$0x30C0] =	vst v1  }
0xf4: {  	[tilespmem:$0x3FC0] =	vst v1  }
0xf5: {  	[tilespmem:$0x2BD0] =	vst v1  }
0xf6: {  	[tilespmem:$0x30D0] =	vst v1  }
0xf7: {  	[tilespmem:$0x3FD0] =	vst v1  }
0xf8: {  	[tilespmem:$0x2BE0] =	vst v1  }
0xf9: {  	[tilespmem:$0x30E0] =	vst v1  }
0xfa: {  	[tilespmem:$0x3FE0] =	vst v1  }
0xfb: {  	[tilespmem:$0x2BF0] =	vst v1  }
0xfc: {  	[tilespmem:$0x30F0] =	vst v1  }
0xfd: {  	[tilespmem:$0x3FF0] =	vst v1  }
0xfe: {  	[tilespmem:$0x2C00] =	vst v1  }
0xff: {  	[tilespmem:$0x3100] =	vst v1  }
0x100: {  	[tilespmem:$0x4000] =	vst v1  }
0x101: {  	[tilespmem:$0x2C10] =	vst v1  }
0x102: {  	[tilespmem:$0x3110] =	vst v1  }
0x103: {  	[tilespmem:$0x4010] =	vst v1  }
0x104: {  	[tilespmem:$0x2C20] =	vst v1  }
0x105: {  	[tilespmem:$0x3120] =	vst v1  }
0x106: {  	[tilespmem:$0x4020] =	vst v1  }
0x107: {  	[tilespmem:$0x2C30] =	vst v1  }
0x108: {  	[tilespmem:$0x3130] =	vst v1  }
0x109: {  	[tilespmem:$0x4030] =	vst v1  }
0x10a: {  	[tilespmem:$0x2C40] =	vst v1  }
0x10b: {  	[tilespmem:$0x3140] =	vst v1  }
0x10c: {  	[tilespmem:$0x4040] =	vst v1  }
0x10d: {  	[tilespmem:$0x2C50] =	vst v1  }
0x10e: {  	[tilespmem:$0x3150] =	vst v1  }
0x10f: {  	[tilespmem:$0x4050] =	vst v1  }
0x110: {  	[tilespmem:$0x2C60] =	vst v1  }
0x111: {  	[tilespmem:$0x3160] =	vst v1  }
0x112: {  	[tilespmem:$0x4060] =	vst v1  }
0x113: {  	[tilespmem:$0x2C70] =	vst v1  }
0x114: {  	[tilespmem:$0x3170] =	vst v1  }
0x115: {  	[tilespmem:$0x4070] =	vst v1  }
0x116: {  	[tilespmem:$0x2C80] =	vst v1  }
0x117: {  	[tilespmem:$0x3180] =	vst v1  }
0x118: {  	[tilespmem:$0x4080] =	vst v1  }
0x119: {  	[tilespmem:$0x2C90] =	vst v1  }
0x11a: {  	[tilespmem:$0x3190] =	vst v1  }
0x11b: {  	[tilespmem:$0x4090] =	vst v1  }
0x11c: {  	[tilespmem:$0x2CA0] =	vst v1  }
0x11d: {  	[tilespmem:$0x31A0] =	vst v1  }
0x11e: {  	[tilespmem:$0x40A0] =	vst v1  }
0x11f: {  	[tilespmem:$0x2CB0] =	vst v1  }
0x120: {  	[tilespmem:$0x31B0] =	vst v1  }
0x121: {  	[tilespmem:$0x40B0] =	vst v1  }
0x122: {  	[tilespmem:$0x2CC0] =	vst v1  }
0x123: {  	[tilespmem:$0x31C0] =	vst v1  }
0x124: {  	[tilespmem:$0x40C0] =	vst v1  }
0x125: {  	[tilespmem:$0x2CD0] =	vst v1  }
0x126: {  	[tilespmem:$0x31D0] =	vst v1  }
0x127: {  	[tilespmem:$0x40D0] =	vst v1  }
0x128: {  	[tilespmem:$0x2CE0] =	vst v1  }
0x129: {  	[tilespmem:$0x31E0] =	vst v1  }
0x12a: {  	[tilespmem:$0x40E0] =	vst v1  }
0x12b: {  	[tilespmem:$0x2CF0] =	vst v1  }
0x12c: {  	[tilespmem:$0x31F0] =	vst v1  }
0x12d: {  	s4 =	simm.s32 $0x0;
	s5 =	simm.s32 $0x200;
	[tilespmem:$0x40F0] =	vst v1  }
.LBB2_2:
0x12e: {  	p1 =	sne.s32 s5, $0x13E00;
	[tilespmem:s4+$0x9670] =	vst v1  }
0x12f: {  	[tilespmem:s4+$0x9600] =	vst v1  }
0x130: {  	[tilespmem:s4+$0x9610] =	vst v1  }
.Ltmp2:
0x131: {  	[tilespmem:s4+$0x9620] =	vst v1;
	(pc) =	sbr.rel @p1 .LBB2_2-.Ltmp2, $4  }
0x132: {  	[tilespmem:s4+$0x9630] =	vst v1  }
0x133: {  	[tilespmem:s4+$0x9640] =	vst v1  }
0x134: {  	[tilespmem:s4+$0x9650] =	vst v1  }
0x135: {  	[tilespmem:s4+$0x9660] =	vst v1;
	s4 =	sshra.s32 s5, $0x2;
	s5 =	sadd.s32 $0x200, s5  }
0x136: {  	[tilespmem:s4+$0x9670] =	vst v1  }
0x137: {  	[tilespmem:s4+$0x9600] =	vst v1  }
0x138: {  	[tilespmem:s4+$0x9610] =	vst v1  }
0x139: {  	[tilespmem:s4+$0x9620] =	vst v1  }
0x13a: {  	[tilespmem:s4+$0x9630] =	vst v1  }
0x13b: {  	[tilespmem:s4+$0x9640] =	vst v1  }
0x13c: {  	[tilespmem:s4+$0x9650] =	vst v1  }
0x13d: {  	[tilespmem:s4+$0x9660] =	vst v1;
	s5 =	simm.s32 $0x20  }
0x13e: {  	s4 =	simm.s32 $0x1420;
	v5 =	vld [tilespmem:s5+$0x10]  }
0x13f: {  	v6 =	vld [tilespmem:s4+$0x10]  }
0x140: {  	v3 =	vld [tilespmem:s4+$0xFFFFFFE0]  }
0x141: {  	v7 =	vld [tilespmem:s5+$0xFFFFFFF0]  }
0x142: {  	v8 =	vld [tilespmem:s4+$0xFFFFFFF0]  }
0x143: {  	v4 =	vld [tilespmem:s4+$0x0];
	_ =	sdelay $0x2  }
0x144: {  	v9 =	vld [tilespmem:s5+$0xFFFFFFE0];
	vm1 =	veq.s32 v5, v6  }
0x145: {  	v5 =	vld [tilespmem:s5+$0x0];
	vm3 =	veq.s32 v7, v8  }
0x146: {  	[tilespmem:v3+s0+$0x0] =	vst.idx.add.f32.msk $0xffff, v2  }
0x147: {  	[tilespmem:v6+s0+$0x0] =	vst.idx.add.f32.msk $0xffff, v2  }
0x148: {  	[tilespmem:v8+s0+$0x0] =	vst.idx.add.f32.msk $0xffff, v2  }
0x149: {  	[tilespmem:v4+s0+$0x0] =	vst.idx.add.f32.msk $0xffff, v2  }
0x14a: {  	[tilespmem:v6+s1+$0x0] =	vst.idx.add.f32.msk vm1, v2  }
0x14b: {  	s7 =	simm.s32 $0x60;
	s5 =	simm.s32 $0x0;
	vm2 =	veq.s32 v9, v3;
	vm1 =	veq.s32 v5, v4;
	[tilespmem:v8+s1+$0x0] =	vst.idx.add.f32.msk vm3, v2  }
.LBB2_4:
0x14c: {  	v5 =	vld [tilespmem:s7+$0x10];
	s4 =	sadd.s32 $0x40, s4  }
0x14d: {  	s5 =	sadd.s32 $0x4, s5;
	v6 =	vld [tilespmem:s4+$0x10]  }
0x14e: {  	p1 =	slt.u32 s5, $0x134;
	v7 =	vld [tilespmem:s4+$0xFFFFFFE0]  }
0x14f: {  	v8 =	vld [tilespmem:s7+$0xFFFFFFF0]  }
0x150: {  	v9 =	vld [tilespmem:s4+$0xFFFFFFF0]  }
0x151: {  	v10 =	vld [tilespmem:s7+$0x0]  }
0x152: {  	v11 =	vld [tilespmem:s4+$0x0];
	vm3 =	veq.s32 v5, v6  }
0x153: {  	v5 =	vld [tilespmem:s7+$0xFFFFFFE0]  }
0x154: {  	[tilespmem:v3+s1+$0x0] =	vst.idx.add.f32.msk vm2, v2;
	v3 =	vmov v7  }
0x155: {  	vm4 =	veq.s32 v8, v9;
	[tilespmem:v4+s1+$0x0] =	vst.idx.add.f32.msk vm1, v2  }
0x156: {  	[tilespmem:v7+s0+$0x0] =	vst.idx.add.f32.msk $0xffff, v2  }
.Ltmp3:
0x157: {  	vm1 =	veq.s32 v10, v11;
	[tilespmem:v6+s0+$0x0] =	vst.idx.add.f32.msk $0xffff, v2;
	v4 =	vmov v11;
	(pc) =	sbr.rel @p1 .LBB2_4-.Ltmp3, $4  }
0x158: {  	vm2 =	veq.s32 v5, v3;
	[tilespmem:v6+s1+$0x0] =	vst.idx.add.f32.msk vm3, v2  }
0x159: {  	[tilespmem:v9+s0+$0x0] =	vst.idx.add.f32.msk $0xffff, v2  }
0x15a: {  	[tilespmem:v11+s0+$0x0] =	vst.idx.add.f32.msk $0xffff, v2  }
0x15b: {  	s7 =	sadd.s32 $0x40, s7;
	[tilespmem:v9+s1+$0x0] =	vst.idx.add.f32.msk vm4, v2  }
0x15c: {  	_ =	sdelay $0x4  }
0x15d: {  	[tilespmem:v3+s1+$0x0] =	vst.idx.add.f32.msk vm2, v2  }
0x15e: {  	[tilespmem:v4+s1+$0x0] =	vst.idx.add.f32.msk vm1, v2  }
0x15f: {  	v3 =	vld [tilespmem:$0x1380]  }
0x160: {  	v4 =	vld [tilespmem:$0x2780];
	_ =	sdelay $0x4  }
0x161: {  	vm1 =	veq.s32 v3, v4  }
0x162: {  	vm1 =	vmand vm1, vm0;
	_ =	sdelay $0x4  }
0x163: {  	[tilespmem:v4+s0+$0x0] =	vst.idx.add.f32.msk $0xff, v2  }
0x164: {  	s4 =	rddreg [dreg:$0x6];
	[tilespmem:v4+s1+$0x0] =	vst.idx.add.f32.msk vm1, v2  }
0x165: {  	[spmem:s4] =	stream.linear.scatter [tilespmem:s0], [sflag:$0x1], $0x500, $0x38;
	[tilespmem:$0xF000] =	vst v63  }
0x166: {  	_ =	swait.ge [sflag:s20], $0x500  }
0x167: {  	[sflag:s20] =	ssyncset.done $0x0  }
0x168: {  	s30 =	rddreg [dreg:$0x8];
	[sflag:s20] =	ssyncadd.s32 $0xFFFFFB00  }
0x169: {  	[spmem:s30] =	stream.linear.scatter [tilespmem:s1], [sflag:$0x1], $0x500, $0x38;
	[tilespmem:$0xF000] =	vst v63  }
0x16a: {  	_ =	swait.ge [sflag:s20], $0x500  }
0x16b: {  	[sflag:s20] =	ssyncset.done $0x0  }
0x16c: {  	[sflag:s20] =	ssyncadd.s32 $0xFFFFFB00  }
0x16d: {  	[bflag:$0x0] =	sbarrier.arrive $0xFFFF  }
0x16e: {  	[tilespmem:$0x2800] =	vst v1  }
0x16f: {  	[tilespmem:$0x2D00] =	vst v1  }
0x170: {  	[tilespmem:$0x3C00] =	vst v1  }
0x171: {  	[tilespmem:$0x2810] =	vst v1  }
0x172: {  	[tilespmem:$0x2D10] =	vst v1  }
0x173: {  	[tilespmem:$0x3C10] =	vst v1  }
0x174: {  	[tilespmem:$0x2820] =	vst v1  }
0x175: {  	[tilespmem:$0x2D20] =	vst v1  }
0x176: {  	[tilespmem:$0x3C20] =	vst v1  }
0x177: {  	[tilespmem:$0x2830] =	vst v1  }
0x178: {  	[tilespmem:$0x2D30] =	vst v1  }
0x179: {  	[tilespmem:$0x3C30] =	vst v1  }
0x17a: {  	[tilespmem:$0x2840] =	vst v1  }
0x17b: {  	[tilespmem:$0x2D40] =	vst v1  }
0x17c: {  	[tilespmem:$0x3C40] =	vst v1  }
0x17d: {  	[tilespmem:$0x2850] =	vst v1  }
0x17e: {  	[tilespmem:$0x2D50] =	vst v1  }
0x17f: {  	[tilespmem:$0x3C50] =	vst v1  }
0x180: {  	[tilespmem:$0x2860] =	vst v1  }
0x181: {  	[tilespmem:$0x2D60] =	vst v1  }
0x182: {  	[tilespmem:$0x3C60] =	vst v1  }
0x183: {  	[tilespmem:$0x2870] =	vst v1  }
0x184: {  	[tilespmem:$0x2D70] =	vst v1  }
0x185: {  	[tilespmem:$0x3C70] =	vst v1  }
0x186: {  	[tilespmem:$0x2880] =	vst v1  }
0x187: {  	[tilespmem:$0x2D80] =	vst v1  }
0x188: {  	[tilespmem:$0x3C80] =	vst v1  }
0x189: {  	[tilespmem:$0x2890] =	vst v1  }
0x18a: {  	[tilespmem:$0x2D90] =	vst v1  }
0x18b: {  	[tilespmem:$0x3C90] =	vst v1  }
0x18c: {  	[tilespmem:$0x28A0] =	vst v1  }
0x18d: {  	[tilespmem:$0x2DA0] =	vst v1  }
0x18e: {  	[tilespmem:$0x3CA0] =	vst v1  }
0x18f: {  	[tilespmem:$0x28B0] =	vst v1  }
0x190: {  	[tilespmem:$0x2DB0] =	vst v1  }
0x191: {  	[tilespmem:$0x3CB0] =	vst v1  }
0x192: {  	[tilespmem:$0x28C0] =	vst v1  }
0x193: {  	[tilespmem:$0x2DC0] =	vst v1  }
0x194: {  	[tilespmem:$0x3CC0] =	vst v1  }
0x195: {  	[tilespmem:$0x28D0] =	vst v1  }
0x196: {  	[tilespmem:$0x2DD0] =	vst v1  }
0x197: {  	[tilespmem:$0x3CD0] =	vst v1  }
0x198: {  	[tilespmem:$0x28E0] =	vst v1  }
0x199: {  	[tilespmem:$0x2DE0] =	vst v1  }
0x19a: {  	[tilespmem:$0x3CE0] =	vst v1  }
0x19b: {  	[tilespmem:$0x28F0] =	vst v1  }
0x19c: {  	[tilespmem:$0x2DF0] =	vst v1  }
0x19d: {  	[tilespmem:$0x3CF0] =	vst v1  }
0x19e: {  	[tilespmem:$0x2900] =	vst v1  }
0x19f: {  	[tilespmem:$0x2E00] =	vst v1  }
0x1a0: {  	[tilespmem:$0x3D00] =	vst v1  }
0x1a1: {  	[tilespmem:$0x2910] =	vst v1  }
0x1a2: {  	[tilespmem:$0x2E10] =	vst v1  }
0x1a3: {  	[tilespmem:$0x3D10] =	vst v1  }
0x1a4: {  	[tilespmem:$0x2920] =	vst v1  }
0x1a5: {  	[tilespmem:$0x2E20] =	vst v1  }
0x1a6: {  	[tilespmem:$0x3D20] =	vst v1  }
0x1a7: {  	[tilespmem:$0x2930] =	vst v1  }
0x1a8: {  	[tilespmem:$0x2E30] =	vst v1  }
0x1a9: {  	[tilespmem:$0x3D30] =	vst v1  }
0x1aa: {  	[tilespmem:$0x2940] =	vst v1  }
0x1ab: {  	[tilespmem:$0x2E40] =	vst v1  }
0x1ac: {  	[tilespmem:$0x3D40] =	vst v1  }
0x1ad: {  	[tilespmem:$0x2950] =	vst v1  }
0x1ae: {  	[tilespmem:$0x2E50] =	vst v1  }
0x1af: {  	[tilespmem:$0x3D50] =	vst v1  }
0x1b0: {  	[tilespmem:$0x2960] =	vst v1  }
0x1b1: {  	[tilespmem:$0x2E60] =	vst v1  }
0x1b2: {  	[tilespmem:$0x3D60] =	vst v1  }
0x1b3: {  	[tilespmem:$0x2970] =	vst v1  }
0x1b4: {  	[tilespmem:$0x2E70] =	vst v1  }
0x1b5: {  	[tilespmem:$0x3D70] =	vst v1  }
0x1b6: {  	[tilespmem:$0x2980] =	vst v1  }
0x1b7: {  	[tilespmem:$0x2E80] =	vst v1  }
0x1b8: {  	[tilespmem:$0x3D80] =	vst v1  }
0x1b9: {  	[tilespmem:$0x2990] =	vst v1  }
0x1ba: {  	[tilespmem:$0x2E90] =	vst v1  }
0x1bb: {  	[tilespmem:$0x3D90] =	vst v1  }
0x1bc: {  	[tilespmem:$0x29A0] =	vst v1  }
0x1bd: {  	[tilespmem:$0x2EA0] =	vst v1  }
0x1be: {  	[tilespmem:$0x3DA0] =	vst v1  }
0x1bf: {  	[tilespmem:$0x29B0] =	vst v1  }
0x1c0: {  	[tilespmem:$0x2EB0] =	vst v1  }
0x1c1: {  	[tilespmem:$0x3DB0] =	vst v1  }
0x1c2: {  	[tilespmem:$0x29C0] =	vst v1  }
0x1c3: {  	[tilespmem:$0x2EC0] =	vst v1  }
0x1c4: {  	[tilespmem:$0x3DC0] =	vst v1  }
0x1c5: {  	[tilespmem:$0x29D0] =	vst v1  }
0x1c6: {  	[tilespmem:$0x2ED0] =	vst v1  }
0x1c7: {  	[tilespmem:$0x3DD0] =	vst v1  }
0x1c8: {  	[tilespmem:$0x29E0] =	vst v1  }
0x1c9: {  	[tilespmem:$0x2EE0] =	vst v1  }
0x1ca: {  	[tilespmem:$0x3DE0] =	vst v1  }
0x1cb: {  	[tilespmem:$0x29F0] =	vst v1  }
0x1cc: {  	[tilespmem:$0x2EF0] =	vst v1  }
0x1cd: {  	[tilespmem:$0x3DF0] =	vst v1  }
0x1ce: {  	[tilespmem:$0x2A00] =	vst v1  }
0x1cf: {  	[tilespmem:$0x2F00] =	vst v1  }
0x1d0: {  	[tilespmem:$0x3E00] =	vst v1  }
0x1d1: {  	[tilespmem:$0x2A10] =	vst v1  }
0x1d2: {  	[tilespmem:$0x2F10] =	vst v1  }
0x1d3: {  	[tilespmem:$0x3E10] =	vst v1  }
0x1d4: {  	[tilespmem:$0x2A20] =	vst v1  }
0x1d5: {  	[tilespmem:$0x2F20] =	vst v1  }
0x1d6: {  	[tilespmem:$0x3E20] =	vst v1  }
0x1d7: {  	[tilespmem:$0x2A30] =	vst v1  }
0x1d8: {  	[tilespmem:$0x2F30] =	vst v1  }
0x1d9: {  	[tilespmem:$0x3E30] =	vst v1  }
0x1da: {  	[tilespmem:$0x2A40] =	vst v1  }
0x1db: {  	[tilespmem:$0x2F40] =	vst v1  }
0x1dc: {  	[tilespmem:$0x3E40] =	vst v1  }
0x1dd: {  	[tilespmem:$0x2A50] =	vst v1  }
0x1de: {  	[tilespmem:$0x2F50] =	vst v1  }
0x1df: {  	[tilespmem:$0x3E50] =	vst v1  }
0x1e0: {  	[tilespmem:$0x2A60] =	vst v1  }
0x1e1: {  	[tilespmem:$0x2F60] =	vst v1  }
0x1e2: {  	[tilespmem:$0x3E60] =	vst v1  }
0x1e3: {  	[tilespmem:$0x2A70] =	vst v1  }
0x1e4: {  	[tilespmem:$0x2F70] =	vst v1  }
0x1e5: {  	[tilespmem:$0x3E70] =	vst v1  }
0x1e6: {  	[tilespmem:$0x2A80] =	vst v1  }
0x1e7: {  	[tilespmem:$0x2F80] =	vst v1  }
0x1e8: {  	[tilespmem:$0x3E80] =	vst v1  }
0x1e9: {  	[tilespmem:$0x2A90] =	vst v1  }
0x1ea: {  	[tilespmem:$0x2F90] =	vst v1  }
0x1eb: {  	[tilespmem:$0x3E90] =	vst v1  }
0x1ec: {  	[tilespmem:$0x2AA0] =	vst v1  }
0x1ed: {  	[tilespmem:$0x2FA0] =	vst v1  }
0x1ee: {  	[tilespmem:$0x3EA0] =	vst v1  }
0x1ef: {  	[tilespmem:$0x2AB0] =	vst v1  }
0x1f0: {  	[tilespmem:$0x2FB0] =	vst v1  }
0x1f1: {  	[tilespmem:$0x3EB0] =	vst v1  }
0x1f2: {  	[tilespmem:$0x2AC0] =	vst v1  }
0x1f3: {  	[tilespmem:$0x2FC0] =	vst v1  }
0x1f4: {  	[tilespmem:$0x3EC0] =	vst v1  }
0x1f5: {  	[tilespmem:$0x2AD0] =	vst v1  }
0x1f6: {  	[tilespmem:$0x2FD0] =	vst v1  }
0x1f7: {  	[tilespmem:$0x3ED0] =	vst v1  }
0x1f8: {  	[tilespmem:$0x2AE0] =	vst v1  }
0x1f9: {  	[tilespmem:$0x2FE0] =	vst v1  }
0x1fa: {  	[tilespmem:$0x3EE0] =	vst v1  }
0x1fb: {  	[tilespmem:$0x2AF0] =	vst v1  }
0x1fc: {  	[tilespmem:$0x2FF0] =	vst v1  }
0x1fd: {  	[tilespmem:$0x3EF0] =	vst v1  }
0x1fe: {  	[tilespmem:$0x2B00] =	vst v1  }
0x1ff: {  	[tilespmem:$0x3000] =	vst v1  }
0x200: {  	[tilespmem:$0x3F00] =	vst v1  }
0x201: {  	[tilespmem:$0x2B10] =	vst v1  }
0x202: {  	[tilespmem:$0x3010] =	vst v1  }
0x203: {  	[tilespmem:$0x3F10] =	vst v1  }
0x204: {  	[tilespmem:$0x2B20] =	vst v1  }
0x205: {  	[tilespmem:$0x3020] =	vst v1  }
0x206: {  	[tilespmem:$0x3F20] =	vst v1  }
0x207: {  	[tilespmem:$0x2B30] =	vst v1  }
0x208: {  	[tilespmem:$0x3030] =	vst v1  }
0x209: {  	[tilespmem:$0x3F30] =	vst v1  }
0x20a: {  	[tilespmem:$0x2B40] =	vst v1  }
0x20b: {  	[tilespmem:$0x3040] =	vst v1  }
0x20c: {  	[tilespmem:$0x3F40] =	vst v1  }
0x20d: {  	[tilespmem:$0x2B50] =	vst v1  }
0x20e: {  	[tilespmem:$0x3050] =	vst v1  }
0x20f: {  	[tilespmem:$0x3F50] =	vst v1  }
0x210: {  	[tilespmem:$0x2B60] =	vst v1  }
0x211: {  	[tilespmem:$0x3060] =	vst v1  }
0x212: {  	[tilespmem:$0x3F60] =	vst v1  }
0x213: {  	[tilespmem:$0x2B70] =	vst v1  }
0x214: {  	[tilespmem:$0x3070] =	vst v1  }
0x215: {  	[tilespmem:$0x3F70] =	vst v1  }
0x216: {  	[tilespmem:$0x2B80] =	vst v1  }
0x217: {  	[tilespmem:$0x3080] =	vst v1  }
0x218: {  	[tilespmem:$0x3F80] =	vst v1  }
0x219: {  	[tilespmem:$0x2B90] =	vst v1  }
0x21a: {  	[tilespmem:$0x3090] =	vst v1  }
0x21b: {  	[tilespmem:$0x3F90] =	vst v1  }
0x21c: {  	[tilespmem:$0x2BA0] =	vst v1  }
0x21d: {  	[tilespmem:$0x30A0] =	vst v1  }
0x21e: {  	[tilespmem:$0x3FA0] =	vst v1  }
0x21f: {  	[tilespmem:$0x2BB0] =	vst v1  }
0x220: {  	[tilespmem:$0x30B0] =	vst v1  }
0x221: {  	[tilespmem:$0x3FB0] =	vst v1  }
0x222: {  	[tilespmem:$0x2BC0] =	vst v1  }
0x223: {  	[tilespmem:$0x30C0] =	vst v1  }
0x224: {  	[tilespmem:$0x3FC0] =	vst v1  }
0x225: {  	[tilespmem:$0x2BD0] =	vst v1  }
0x226: {  	[tilespmem:$0x30D0] =	vst v1  }
0x227: {  	[tilespmem:$0x3FD0] =	vst v1  }
0x228: {  	[tilespmem:$0x2BE0] =	vst v1  }
0x229: {  	[tilespmem:$0x30E0] =	vst v1  }
0x22a: {  	[tilespmem:$0x3FE0] =	vst v1  }
0x22b: {  	[tilespmem:$0x2BF0] =	vst v1  }
0x22c: {  	[tilespmem:$0x30F0] =	vst v1  }
0x22d: {  	[tilespmem:$0x3FF0] =	vst v1  }
0x22e: {  	[tilespmem:$0x2C00] =	vst v1  }
0x22f: {  	[tilespmem:$0x3100] =	vst v1  }
0x230: {  	[tilespmem:$0x4000] =	vst v1  }
0x231: {  	[tilespmem:$0x2C10] =	vst v1  }
0x232: {  	[tilespmem:$0x3110] =	vst v1  }
0x233: {  	[tilespmem:$0x4010] =	vst v1  }
0x234: {  	[tilespmem:$0x2C20] =	vst v1  }
0x235: {  	[tilespmem:$0x3120] =	vst v1  }
0x236: {  	[tilespmem:$0x4020] =	vst v1  }
0x237: {  	[tilespmem:$0x2C30] =	vst v1  }
0x238: {  	[tilespmem:$0x3130] =	vst v1  }
0x239: {  	[tilespmem:$0x4030] =	vst v1  }
0x23a: {  	[tilespmem:$0x2C40] =	vst v1  }
0x23b: {  	[tilespmem:$0x3140] =	vst v1  }
0x23c: {  	[tilespmem:$0x4040] =	vst v1  }
0x23d: {  	[tilespmem:$0x2C50] =	vst v1  }
0x23e: {  	[tilespmem:$0x3150] =	vst v1  }
0x23f: {  	[tilespmem:$0x4050] =	vst v1  }
0x240: {  	[tilespmem:$0x2C60] =	vst v1  }
0x241: {  	[tilespmem:$0x3160] =	vst v1  }
0x242: {  	[tilespmem:$0x4060] =	vst v1  }
0x243: {  	[tilespmem:$0x2C70] =	vst v1  }
0x244: {  	[tilespmem:$0x3170] =	vst v1  }
0x245: {  	[tilespmem:$0x4070] =	vst v1  }
0x246: {  	[tilespmem:$0x2C80] =	vst v1  }
0x247: {  	[tilespmem:$0x3180] =	vst v1  }
0x248: {  	[tilespmem:$0x4080] =	vst v1  }
0x249: {  	[tilespmem:$0x2C90] =	vst v1  }
0x24a: {  	[tilespmem:$0x3190] =	vst v1  }
0x24b: {  	[tilespmem:$0x4090] =	vst v1  }
0x24c: {  	[tilespmem:$0x2CA0] =	vst v1  }
0x24d: {  	[tilespmem:$0x31A0] =	vst v1  }
0x24e: {  	[tilespmem:$0x40A0] =	vst v1  }
0x24f: {  	[tilespmem:$0x2CB0] =	vst v1  }
0x250: {  	[tilespmem:$0x31B0] =	vst v1  }
0x251: {  	[tilespmem:$0x40B0] =	vst v1  }
0x252: {  	[tilespmem:$0x2CC0] =	vst v1  }
0x253: {  	[tilespmem:$0x31C0] =	vst v1  }
0x254: {  	[tilespmem:$0x40C0] =	vst v1  }
0x255: {  	[tilespmem:$0x2CD0] =	vst v1  }
0x256: {  	[tilespmem:$0x31D0] =	vst v1  }
0x257: {  	[tilespmem:$0x40D0] =	vst v1  }
0x258: {  	[tilespmem:$0x2CE0] =	vst v1  }
0x259: {  	[tilespmem:$0x31E0] =	vst v1  }
0x25a: {  	[tilespmem:$0x40E0] =	vst v1  }
0x25b: {  	[tilespmem:$0x2CF0] =	vst v1  }
0x25c: {  	[tilespmem:$0x31F0] =	vst v1  }
0x25d: {  	[tilespmem:$0x40F0] =	vst v1;
	s31 =	rddreg [dreg:$0x9]  }
0x25e: {  	[tilespmem:s23], [sflag:$0x1] =	stream.linear.gather [spmem:s31], $0x500, $0x38;
	[tilespmem:$0xF000] =	vst v63  }
0x25f: {  	_ =	swait.ge [sflag:s20], $0x500  }
0x260: {  	[sflag:s20] =	ssyncset.done $0x0  }
0x261: {  	s4 =	simm.s32 $0x0;
	[sflag:s20] =	ssyncadd.s32 $0xFFFFFB00  }
0x262: {  	v10 =	vld [tilespmem:s4+$0x4100]  }
0x263: {  	v14 =	vld [tilespmem:s4+$0x4110]  }
0x264: {  	v8 =	vld [tilespmem:s4+$0x4120]  }
0x265: {  	v7 =	vld [tilespmem:s4+$0x4130]  }
0x266: {  	v6 =	vld [tilespmem:s4+$0x4140]  }
0x267: {  	v5 =	vld [tilespmem:s4+$0x4150]  }
0x268: {  	v4 =	vld [tilespmem:s4+$0x4160]  }
0x269: {  	v3 =	vld [tilespmem:s4+$0x4170]  }
0x26a: {  	v15 =	vld [tilespmem:s4+$0x2800]  }
0x26b: {  	v16 =	vld [tilespmem:s4+$0x2810]  }
0x26c: {  	v13 =	vld [tilespmem:s4+$0x2820]  }
0x26d: {  	v12 =	vld [tilespmem:s4+$0x2830]  }
0x26e: {  	v11 =	vld [tilespmem:s4+$0x2840]  }
0x26f: {  	v9 =	vld [tilespmem:s4+$0x2850];
	v15 =	vadd.f32 v10, v15  }
0x270: {  	s5 =	simm.s32 $0x200;
	v14 =	vadd.f32 v14, v16;
	v10 =	vld [tilespmem:s4+$0x2860]  }
.LBB2_6:
0x271: {  	s7 =	sshra.s32 s5, $0x2;
	p1 =	sne.s32 s5, $0x1200;
	[tilespmem:s4+$0x2800] =	vst v15;
	v8 =	vadd.f32 v8, v13;
	v13 =	vld [tilespmem:s4+$0x2870]  }
0x272: {  	v15 =	vld [tilespmem:s7+$0x4100];
	[tilespmem:s4+$0x2810] =	vst v14;
	v7 =	vadd.f32 v7, v12  }
0x273: {  	v14 =	vld [tilespmem:s7+$0x4110];
	[tilespmem:s4+$0x2820] =	vst v8;
	v6 =	vadd.f32 v6, v11  }
0x274: {  	v8 =	vld [tilespmem:s7+$0x4120];
	[tilespmem:s4+$0x2830] =	vst v7;
	v5 =	vadd.f32 v5, v9  }
0x275: {  	v7 =	vld [tilespmem:s7+$0x4130];
	[tilespmem:s4+$0x2840] =	vst v6;
	v4 =	vadd.f32 v4, v10  }
0x276: {  	v6 =	vld [tilespmem:s7+$0x4140];
	[tilespmem:s4+$0x2850] =	vst v5;
	v3 =	vadd.f32 v3, v13  }
0x277: {  	v5 =	vld [tilespmem:s7+$0x4150];
	[tilespmem:s4+$0x2860] =	vst v4  }
0x278: {  	v4 =	vld [tilespmem:s7+$0x4160];
	[tilespmem:s4+$0x2870] =	vst v3;
	s4 =	smov.u32 s7  }
0x279: {  	v3 =	vld [tilespmem:s4+$0x4170]  }
0x27a: {  	v9 =	vld [tilespmem:s4+$0x2800]  }
0x27b: {  	v10 =	vld [tilespmem:s4+$0x2810]  }
.Ltmp4:
0x27c: {  	v13 =	vld [tilespmem:s4+$0x2820];
	(pc) =	sbr.rel @p1 .LBB2_6-.Ltmp4, $4  }
0x27d: {  	v12 =	vld [tilespmem:s4+$0x2830]  }
0x27e: {  	v11 =	vld [tilespmem:s4+$0x2840]  }
0x27f: {  	v15 =	vadd.f32 v15, v9;
	v9 =	vld [tilespmem:s4+$0x2850]  }
0x280: {  	s5 =	sadd.s32 $0x200, s5;
	v14 =	vadd.f32 v14, v10;
	v10 =	vld [tilespmem:s4+$0x2860]  }
0x281: {  	[tilespmem:s4+$0x2800] =	vst v15;
	v8 =	vadd.f32 v8, v13;
	v13 =	vld [tilespmem:s4+$0x2870]  }
0x282: {  	[tilespmem:s4+$0x2810] =	vst v14;
	v7 =	vadd.f32 v7, v12  }
0x283: {  	[tilespmem:s4+$0x2820] =	vst v8;
	v6 =	vadd.f32 v6, v11  }
0x284: {  	[tilespmem:s4+$0x2830] =	vst v7;
	v5 =	vadd.f32 v5, v9  }
0x285: {  	[tilespmem:s4+$0x2840] =	vst v6;
	v4 =	vadd.f32 v4, v10  }
0x286: {  	[tilespmem:s4+$0x2850] =	vst v5;
	v3 =	vadd.f32 v3, v13  }
0x287: {  	[tilespmem:s4+$0x2860] =	vst v4  }
0x288: {  	s31 =	rddreg [dreg:$0xa];
	[tilespmem:s4+$0x2870] =	vst v3  }
0x289: {  	[tilespmem:s23], [sflag:$0x1] =	stream.linear.gather [spmem:s31], $0x500, $0x38;
	[tilespmem:$0xF000] =	vst v63  }
0x28a: {  	_ =	swait.ge [sflag:s20], $0x500  }
0x28b: {  	[sflag:s20] =	ssyncset.done $0x0  }
0x28c: {  	s4 =	simm.s32 $0x0;
	[sflag:s20] =	ssyncadd.s32 $0xFFFFFB00  }
0x28d: {  	v10 =	vld [tilespmem:s4+$0x4100]  }
0x28e: {  	v14 =	vld [tilespmem:s4+$0x4110]  }
0x28f: {  	v8 =	vld [tilespmem:s4+$0x4120]  }
0x290: {  	v7 =	vld [tilespmem:s4+$0x4130]  }
0x291: {  	v6 =	vld [tilespmem:s4+$0x4140]  }
0x292: {  	v5 =	vld [tilespmem:s4+$0x4150]  }
0x293: {  	v4 =	vld [tilespmem:s4+$0x4160]  }
0x294: {  	v3 =	vld [tilespmem:s4+$0x4170]  }
0x295: {  	v15 =	vld [tilespmem:s4+$0x2D00]  }
0x296: {  	v16 =	vld [tilespmem:s4+$0x2D10]  }
0x297: {  	v13 =	vld [tilespmem:s4+$0x2D20]  }
0x298: {  	v12 =	vld [tilespmem:s4+$0x2D30]  }
0x299: {  	v11 =	vld [tilespmem:s4+$0x2D40]  }
0x29a: {  	v9 =	vld [tilespmem:s4+$0x2D50];
	v15 =	vadd.f32 v10, v15  }
0x29b: {  	s5 =	simm.s32 $0x200;
	v14 =	vadd.f32 v14, v16;
	v10 =	vld [tilespmem:s4+$0x2D60]  }
.LBB2_8:
0x29c: {  	s7 =	sshra.s32 s5, $0x2;
	p1 =	sne.s32 s5, $0x1200;
	[tilespmem:s4+$0x2D00] =	vst v15;
	v8 =	vadd.f32 v8, v13;
	v13 =	vld [tilespmem:s4+$0x2D70]  }
0x29d: {  	v15 =	vld [tilespmem:s7+$0x4100];
	[tilespmem:s4+$0x2D10] =	vst v14;
	v7 =	vadd.f32 v7, v12  }
0x29e: {  	v14 =	vld [tilespmem:s7+$0x4110];
	[tilespmem:s4+$0x2D20] =	vst v8;
	v6 =	vadd.f32 v6, v11  }
0x29f: {  	v8 =	vld [tilespmem:s7+$0x4120];
	[tilespmem:s4+$0x2D30] =	vst v7;
	v5 =	vadd.f32 v5, v9  }
0x2a0: {  	v7 =	vld [tilespmem:s7+$0x4130];
	[tilespmem:s4+$0x2D40] =	vst v6;
	v4 =	vadd.f32 v4, v10  }
0x2a1: {  	v6 =	vld [tilespmem:s7+$0x4140];
	[tilespmem:s4+$0x2D50] =	vst v5;
	v3 =	vadd.f32 v3, v13  }
0x2a2: {  	v5 =	vld [tilespmem:s7+$0x4150];
	[tilespmem:s4+$0x2D60] =	vst v4  }
0x2a3: {  	v4 =	vld [tilespmem:s7+$0x4160];
	[tilespmem:s4+$0x2D70] =	vst v3;
	s4 =	smov.u32 s7  }
0x2a4: {  	v3 =	vld [tilespmem:s4+$0x4170]  }
0x2a5: {  	v9 =	vld [tilespmem:s4+$0x2D00]  }
0x2a6: {  	v10 =	vld [tilespmem:s4+$0x2D10]  }
.Ltmp5:
0x2a7: {  	v13 =	vld [tilespmem:s4+$0x2D20];
	(pc) =	sbr.rel @p1 .LBB2_8-.Ltmp5, $4  }
0x2a8: {  	v12 =	vld [tilespmem:s4+$0x2D30]  }
0x2a9: {  	v11 =	vld [tilespmem:s4+$0x2D40]  }
0x2aa: {  	v15 =	vadd.f32 v15, v9;
	v9 =	vld [tilespmem:s4+$0x2D50]  }
0x2ab: {  	s5 =	sadd.s32 $0x200, s5;
	v14 =	vadd.f32 v14, v10;
	v10 =	vld [tilespmem:s4+$0x2D60]  }
0x2ac: {  	[tilespmem:s4+$0x2D00] =	vst v15;
	v8 =	vadd.f32 v8, v13;
	v13 =	vld [tilespmem:s4+$0x2D70]  }
0x2ad: {  	[tilespmem:s4+$0x2D10] =	vst v14;
	v7 =	vadd.f32 v7, v12  }
0x2ae: {  	[tilespmem:s4+$0x2D20] =	vst v8;
	v6 =	vadd.f32 v6, v11  }
0x2af: {  	[tilespmem:s4+$0x2D30] =	vst v7;
	v5 =	vadd.f32 v5, v9  }
0x2b0: {  	[tilespmem:s4+$0x2D40] =	vst v6;
	v4 =	vadd.f32 v4, v10  }
0x2b1: {  	[tilespmem:s4+$0x2D50] =	vst v5;
	v3 =	vadd.f32 v3, v13  }
0x2b2: {  	[tilespmem:s4+$0x2D60] =	vst v4  }
0x2b3: {  	s31 =	rddreg [dreg:$0xb];
	[tilespmem:s4+$0x2D70] =	vst v3  }
0x2b4: {  	[tilespmem:s23], [sflag:$0x1] =	stream.linear.gather [spmem:s31], $0x500, $0x38;
	[tilespmem:$0xF000] =	vst v63  }
0x2b5: {  	_ =	swait.ge [sflag:s20], $0x500  }
0x2b6: {  	[sflag:s20] =	ssyncset.done $0x0  }
0x2b7: {  	s4 =	simm.s32 $0x0;
	[sflag:s20] =	ssyncadd.s32 $0xFFFFFB00  }
0x2b8: {  	v10 =	vld [tilespmem:s4+$0x4100]  }
0x2b9: {  	v14 =	vld [tilespmem:s4+$0x4110]  }
0x2ba: {  	v8 =	vld [tilespmem:s4+$0x4120]  }
0x2bb: {  	v7 =	vld [tilespmem:s4+$0x4130]  }
0x2bc: {  	v6 =	vld [tilespmem:s4+$0x4140]  }
0x2bd: {  	v5 =	vld [tilespmem:s4+$0x4150]  }
0x2be: {  	v4 =	vld [tilespmem:s4+$0x4160]  }
0x2bf: {  	v3 =	vld [tilespmem:s4+$0x4170]  }
0x2c0: {  	v15 =	vld [tilespmem:s4+$0x2800]  }
0x2c1: {  	v16 =	vld [tilespmem:s4+$0x2810]  }
0x2c2: {  	v13 =	vld [tilespmem:s4+$0x2820]  }
0x2c3: {  	v12 =	vld [tilespmem:s4+$0x2830]  }
0x2c4: {  	v11 =	vld [tilespmem:s4+$0x2840]  }
0x2c5: {  	v9 =	vld [tilespmem:s4+$0x2850];
	v15 =	vadd.f32 v10, v15  }
0x2c6: {  	s5 =	simm.s32 $0x200;
	v14 =	vadd.f32 v14, v16;
	v10 =	vld [tilespmem:s4+$0x2860]  }
.LBB2_10:
0x2c7: {  	s7 =	sshra.s32 s5, $0x2;
	p1 =	sne.s32 s5, $0x1200;
	[tilespmem:s4+$0x2800] =	vst v15;
	v8 =	vadd.f32 v8, v13;
	v13 =	vld [tilespmem:s4+$0x2870]  }
0x2c8: {  	v15 =	vld [tilespmem:s7+$0x4100];
	[tilespmem:s4+$0x2810] =	vst v14;
	v7 =	vadd.f32 v7, v12  }
0x2c9: {  	v14 =	vld [tilespmem:s7+$0x4110];
	[tilespmem:s4+$0x2820] =	vst v8;
	v6 =	vadd.f32 v6, v11  }
0x2ca: {  	v8 =	vld [tilespmem:s7+$0x4120];
	[tilespmem:s4+$0x2830] =	vst v7;
	v5 =	vadd.f32 v5, v9  }
0x2cb: {  	v7 =	vld [tilespmem:s7+$0x4130];
	[tilespmem:s4+$0x2840] =	vst v6;
	v4 =	vadd.f32 v4, v10  }
0x2cc: {  	v6 =	vld [tilespmem:s7+$0x4140];
	[tilespmem:s4+$0x2850] =	vst v5;
	v3 =	vadd.f32 v3, v13  }
0x2cd: {  	v5 =	vld [tilespmem:s7+$0x4150];
	[tilespmem:s4+$0x2860] =	vst v4  }
0x2ce: {  	v4 =	vld [tilespmem:s7+$0x4160];
	[tilespmem:s4+$0x2870] =	vst v3;
	s4 =	smov.u32 s7  }
0x2cf: {  	v3 =	vld [tilespmem:s4+$0x4170]  }
0x2d0: {  	v9 =	vld [tilespmem:s4+$0x2800]  }
0x2d1: {  	v10 =	vld [tilespmem:s4+$0x2810]  }
.Ltmp6:
0x2d2: {  	v13 =	vld [tilespmem:s4+$0x2820];
	(pc) =	sbr.rel @p1 .LBB2_10-.Ltmp6, $4  }
0x2d3: {  	v12 =	vld [tilespmem:s4+$0x2830]  }
0x2d4: {  	v11 =	vld [tilespmem:s4+$0x2840]  }
0x2d5: {  	v15 =	vadd.f32 v15, v9;
	v9 =	vld [tilespmem:s4+$0x2850]  }
0x2d6: {  	s5 =	sadd.s32 $0x200, s5;
	v14 =	vadd.f32 v14, v10;
	v10 =	vld [tilespmem:s4+$0x2860]  }
0x2d7: {  	[tilespmem:s4+$0x2800] =	vst v15;
	v8 =	vadd.f32 v8, v13;
	v13 =	vld [tilespmem:s4+$0x2870]  }
0x2d8: {  	[tilespmem:s4+$0x2810] =	vst v14;
	v7 =	vadd.f32 v7, v12  }
0x2d9: {  	[tilespmem:s4+$0x2820] =	vst v8;
	v6 =	vadd.f32 v6, v11  }
0x2da: {  	[tilespmem:s4+$0x2830] =	vst v7;
	v5 =	vadd.f32 v5, v9  }
0x2db: {  	[tilespmem:s4+$0x2840] =	vst v6;
	v4 =	vadd.f32 v4, v10  }
0x2dc: {  	[tilespmem:s4+$0x2850] =	vst v5;
	v3 =	vadd.f32 v3, v13  }
0x2dd: {  	[tilespmem:s4+$0x2860] =	vst v4  }
0x2de: {  	s31 =	rddreg [dreg:$0xc];
	[tilespmem:s4+$0x2870] =	vst v3  }
0x2df: {  	[tilespmem:s23], [sflag:$0x1] =	stream.linear.gather [spmem:s31], $0x500, $0x38;
	[tilespmem:$0xF000] =	vst v63  }
0x2e0: {  	_ =	swait.ge [sflag:s20], $0x500  }
0x2e1: {  	[sflag:s20] =	ssyncset.done $0x0  }
0x2e2: {  	s4 =	simm.s32 $0x0;
	[sflag:s20] =	ssyncadd.s32 $0xFFFFFB00  }
0x2e3: {  	v10 =	vld [tilespmem:s4+$0x4100]  }
0x2e4: {  	v14 =	vld [tilespmem:s4+$0x4110]  }
0x2e5: {  	v8 =	vld [tilespmem:s4+$0x4120]  }
0x2e6: {  	v7 =	vld [tilespmem:s4+$0x4130]  }
0x2e7: {  	v6 =	vld [tilespmem:s4+$0x4140]  }
0x2e8: {  	v5 =	vld [tilespmem:s4+$0x4150]  }
0x2e9: {  	v4 =	vld [tilespmem:s4+$0x4160]  }
0x2ea: {  	v3 =	vld [tilespmem:s4+$0x4170]  }
0x2eb: {  	v15 =	vld [tilespmem:s4+$0x2D00]  }
0x2ec: {  	v16 =	vld [tilespmem:s4+$0x2D10]  }
0x2ed: {  	v13 =	vld [tilespmem:s4+$0x2D20]  }
0x2ee: {  	v12 =	vld [tilespmem:s4+$0x2D30]  }
0x2ef: {  	v11 =	vld [tilespmem:s4+$0x2D40]  }
0x2f0: {  	v9 =	vld [tilespmem:s4+$0x2D50];
	v15 =	vadd.f32 v10, v15  }
0x2f1: {  	s5 =	simm.s32 $0x200;
	v14 =	vadd.f32 v14, v16;
	v10 =	vld [tilespmem:s4+$0x2D60]  }
.LBB2_12:
0x2f2: {  	s7 =	sshra.s32 s5, $0x2;
	p1 =	sne.s32 s5, $0x1200;
	[tilespmem:s4+$0x2D00] =	vst v15;
	v8 =	vadd.f32 v8, v13;
	v13 =	vld [tilespmem:s4+$0x2D70]  }
0x2f3: {  	v15 =	vld [tilespmem:s7+$0x4100];
	[tilespmem:s4+$0x2D10] =	vst v14;
	v7 =	vadd.f32 v7, v12  }
0x2f4: {  	v14 =	vld [tilespmem:s7+$0x4110];
	[tilespmem:s4+$0x2D20] =	vst v8;
	v6 =	vadd.f32 v6, v11  }
0x2f5: {  	v8 =	vld [tilespmem:s7+$0x4120];
	[tilespmem:s4+$0x2D30] =	vst v7;
	v5 =	vadd.f32 v5, v9  }
0x2f6: {  	v7 =	vld [tilespmem:s7+$0x4130];
	[tilespmem:s4+$0x2D40] =	vst v6;
	v4 =	vadd.f32 v4, v10  }
0x2f7: {  	v6 =	vld [tilespmem:s7+$0x4140];
	[tilespmem:s4+$0x2D50] =	vst v5;
	v3 =	vadd.f32 v3, v13  }
0x2f8: {  	v5 =	vld [tilespmem:s7+$0x4150];
	[tilespmem:s4+$0x2D60] =	vst v4  }
0x2f9: {  	v4 =	vld [tilespmem:s7+$0x4160];
	[tilespmem:s4+$0x2D70] =	vst v3;
	s4 =	smov.u32 s7  }
0x2fa: {  	v3 =	vld [tilespmem:s4+$0x4170]  }
0x2fb: {  	v9 =	vld [tilespmem:s4+$0x2D00]  }
0x2fc: {  	v10 =	vld [tilespmem:s4+$0x2D10]  }
.Ltmp7:
0x2fd: {  	v13 =	vld [tilespmem:s4+$0x2D20];
	(pc) =	sbr.rel @p1 .LBB2_12-.Ltmp7, $4  }
0x2fe: {  	v12 =	vld [tilespmem:s4+$0x2D30]  }
0x2ff: {  	v11 =	vld [tilespmem:s4+$0x2D40]  }
0x300: {  	v15 =	vadd.f32 v15, v9;
	v9 =	vld [tilespmem:s4+$0x2D50]  }
0x301: {  	s5 =	sadd.s32 $0x200, s5;
	v14 =	vadd.f32 v14, v10;
	v10 =	vld [tilespmem:s4+$0x2D60]  }
0x302: {  	[tilespmem:s4+$0x2D00] =	vst v15;
	v8 =	vadd.f32 v8, v13;
	v13 =	vld [tilespmem:s4+$0x2D70]  }
0x303: {  	[tilespmem:s4+$0x2D10] =	vst v14;
	v7 =	vadd.f32 v7, v12  }
0x304: {  	[tilespmem:s4+$0x2D20] =	vst v8;
	v6 =	vadd.f32 v6, v11  }
0x305: {  	[tilespmem:s4+$0x2D30] =	vst v7;
	v5 =	vadd.f32 v5, v9  }
0x306: {  	[tilespmem:s4+$0x2D40] =	vst v6;
	v4 =	vadd.f32 v4, v10  }
0x307: {  	[tilespmem:s4+$0x2D50] =	vst v5;
	v3 =	vadd.f32 v3, v13  }
0x308: {  	[tilespmem:s4+$0x2D60] =	vst v4  }
0x309: {  	s31 =	rddreg [dreg:$0xd];
	[tilespmem:s4+$0x2D70] =	vst v3  }
0x30a: {  	[tilespmem:s23], [sflag:$0x1] =	stream.linear.gather [spmem:s31], $0x500, $0x38;
	[tilespmem:$0xF000] =	vst v63  }
0x30b: {  	_ =	swait.ge [sflag:s20], $0x500  }
0x30c: {  	[sflag:s20] =	ssyncset.done $0x0  }
0x30d: {  	s4 =	simm.s32 $0x0;
	[sflag:s20] =	ssyncadd.s32 $0xFFFFFB00  }
0x30e: {  	v10 =	vld [tilespmem:s4+$0x4100]  }
0x30f: {  	v14 =	vld [tilespmem:s4+$0x4110]  }
0x310: {  	v8 =	vld [tilespmem:s4+$0x4120]  }
0x311: {  	v7 =	vld [tilespmem:s4+$0x4130]  }
0x312: {  	v6 =	vld [tilespmem:s4+$0x4140]  }
0x313: {  	v5 =	vld [tilespmem:s4+$0x4150]  }
0x314: {  	v4 =	vld [tilespmem:s4+$0x4160]  }
0x315: {  	v3 =	vld [tilespmem:s4+$0x4170]  }
0x316: {  	v15 =	vld [tilespmem:s4+$0x2800]  }
0x317: {  	v16 =	vld [tilespmem:s4+$0x2810]  }
0x318: {  	v13 =	vld [tilespmem:s4+$0x2820]  }
0x319: {  	v12 =	vld [tilespmem:s4+$0x2830]  }
0x31a: {  	v11 =	vld [tilespmem:s4+$0x2840]  }
0x31b: {  	v9 =	vld [tilespmem:s4+$0x2850];
	v15 =	vadd.f32 v10, v15  }
0x31c: {  	s5 =	simm.s32 $0x200;
	v14 =	vadd.f32 v14, v16;
	v10 =	vld [tilespmem:s4+$0x2860]  }
.LBB2_14:
0x31d: {  	s7 =	sshra.s32 s5, $0x2;
	p1 =	sne.s32 s5, $0x1200;
	[tilespmem:s4+$0x2800] =	vst v15;
	v8 =	vadd.f32 v8, v13;
	v13 =	vld [tilespmem:s4+$0x2870]  }
0x31e: {  	v15 =	vld [tilespmem:s7+$0x4100];
	[tilespmem:s4+$0x2810] =	vst v14;
	v7 =	vadd.f32 v7, v12  }
0x31f: {  	v14 =	vld [tilespmem:s7+$0x4110];
	[tilespmem:s4+$0x2820] =	vst v8;
	v6 =	vadd.f32 v6, v11  }
0x320: {  	v8 =	vld [tilespmem:s7+$0x4120];
	[tilespmem:s4+$0x2830] =	vst v7;
	v5 =	vadd.f32 v5, v9  }
0x321: {  	v7 =	vld [tilespmem:s7+$0x4130];
	[tilespmem:s4+$0x2840] =	vst v6;
	v4 =	vadd.f32 v4, v10  }
0x322: {  	v6 =	vld [tilespmem:s7+$0x4140];
	[tilespmem:s4+$0x2850] =	vst v5;
	v3 =	vadd.f32 v3, v13  }
0x323: {  	v5 =	vld [tilespmem:s7+$0x4150];
	[tilespmem:s4+$0x2860] =	vst v4  }
0x324: {  	v4 =	vld [tilespmem:s7+$0x4160];
	[tilespmem:s4+$0x2870] =	vst v3;
	s4 =	smov.u32 s7  }
0x325: {  	v3 =	vld [tilespmem:s4+$0x4170]  }
0x326: {  	v9 =	vld [tilespmem:s4+$0x2800]  }
0x327: {  	v10 =	vld [tilespmem:s4+$0x2810]  }
.Ltmp8:
0x328: {  	v13 =	vld [tilespmem:s4+$0x2820];
	(pc) =	sbr.rel @p1 .LBB2_14-.Ltmp8, $4  }
0x329: {  	v12 =	vld [tilespmem:s4+$0x2830]  }
0x32a: {  	v11 =	vld [tilespmem:s4+$0x2840]  }
0x32b: {  	v15 =	vadd.f32 v15, v9;
	v9 =	vld [tilespmem:s4+$0x2850]  }
0x32c: {  	s5 =	sadd.s32 $0x200, s5;
	v14 =	vadd.f32 v14, v10;
	v10 =	vld [tilespmem:s4+$0x2860]  }
0x32d: {  	[tilespmem:s4+$0x2800] =	vst v15;
	v8 =	vadd.f32 v8, v13;
	v13 =	vld [tilespmem:s4+$0x2870]  }
0x32e: {  	[tilespmem:s4+$0x2810] =	vst v14;
	v7 =	vadd.f32 v7, v12  }
0x32f: {  	[tilespmem:s4+$0x2820] =	vst v8;
	v6 =	vadd.f32 v6, v11  }
0x330: {  	[tilespmem:s4+$0x2830] =	vst v7;
	v5 =	vadd.f32 v5, v9  }
0x331: {  	[tilespmem:s4+$0x2840] =	vst v6;
	v4 =	vadd.f32 v4, v10  }
0x332: {  	[tilespmem:s4+$0x2850] =	vst v5;
	v3 =	vadd.f32 v3, v13  }
0x333: {  	[tilespmem:s4+$0x2860] =	vst v4  }
0x334: {  	s31 =	rddreg [dreg:$0xf];
	[tilespmem:s4+$0x2870] =	vst v3  }
0x335: {  	[tilespmem:s23], [sflag:$0x1] =	stream.linear.gather [spmem:s31], $0x500, $0x38;
	[tilespmem:$0xF000] =	vst v63  }
0x336: {  	_ =	swait.ge [sflag:s20], $0x500  }
0x337: {  	[sflag:s20] =	ssyncset.done $0x0  }
0x338: {  	s4 =	simm.s32 $0x0;
	[sflag:s20] =	ssyncadd.s32 $0xFFFFFB00  }
0x339: {  	v10 =	vld [tilespmem:s4+$0x4100]  }
0x33a: {  	v14 =	vld [tilespmem:s4+$0x4110]  }
0x33b: {  	v8 =	vld [tilespmem:s4+$0x4120]  }
0x33c: {  	v7 =	vld [tilespmem:s4+$0x4130]  }
0x33d: {  	v6 =	vld [tilespmem:s4+$0x4140]  }
0x33e: {  	v5 =	vld [tilespmem:s4+$0x4150]  }
0x33f: {  	v4 =	vld [tilespmem:s4+$0x4160]  }
0x340: {  	v3 =	vld [tilespmem:s4+$0x4170]  }
0x341: {  	v15 =	vld [tilespmem:s4+$0x2D00]  }
0x342: {  	v16 =	vld [tilespmem:s4+$0x2D10]  }
0x343: {  	v13 =	vld [tilespmem:s4+$0x2D20]  }
0x344: {  	v12 =	vld [tilespmem:s4+$0x2D30]  }
0x345: {  	v11 =	vld [tilespmem:s4+$0x2D40]  }
0x346: {  	v9 =	vld [tilespmem:s4+$0x2D50];
	v15 =	vadd.f32 v10, v15  }
0x347: {  	s5 =	simm.s32 $0x200;
	v14 =	vadd.f32 v14, v16;
	v10 =	vld [tilespmem:s4+$0x2D60]  }
.LBB2_16:
0x348: {  	s7 =	sshra.s32 s5, $0x2;
	p1 =	sne.s32 s5, $0x1200;
	[tilespmem:s4+$0x2D00] =	vst v15;
	v8 =	vadd.f32 v8, v13;
	v13 =	vld [tilespmem:s4+$0x2D70]  }
0x349: {  	v15 =	vld [tilespmem:s7+$0x4100];
	[tilespmem:s4+$0x2D10] =	vst v14;
	v7 =	vadd.f32 v7, v12  }
0x34a: {  	v14 =	vld [tilespmem:s7+$0x4110];
	[tilespmem:s4+$0x2D20] =	vst v8;
	v6 =	vadd.f32 v6, v11  }
0x34b: {  	v8 =	vld [tilespmem:s7+$0x4120];
	[tilespmem:s4+$0x2D30] =	vst v7;
	v5 =	vadd.f32 v5, v9  }
0x34c: {  	v7 =	vld [tilespmem:s7+$0x4130];
	[tilespmem:s4+$0x2D40] =	vst v6;
	v4 =	vadd.f32 v4, v10  }
0x34d: {  	v6 =	vld [tilespmem:s7+$0x4140];
	[tilespmem:s4+$0x2D50] =	vst v5;
	v3 =	vadd.f32 v3, v13  }
0x34e: {  	v5 =	vld [tilespmem:s7+$0x4150];
	[tilespmem:s4+$0x2D60] =	vst v4  }
0x34f: {  	v4 =	vld [tilespmem:s7+$0x4160];
	[tilespmem:s4+$0x2D70] =	vst v3;
	s4 =	smov.u32 s7  }
0x350: {  	v3 =	vld [tilespmem:s4+$0x4170]  }
0x351: {  	v9 =	vld [tilespmem:s4+$0x2D00]  }
0x352: {  	v10 =	vld [tilespmem:s4+$0x2D10]  }
.Ltmp9:
0x353: {  	v13 =	vld [tilespmem:s4+$0x2D20];
	(pc) =	sbr.rel @p1 .LBB2_16-.Ltmp9, $4  }
0x354: {  	v12 =	vld [tilespmem:s4+$0x2D30]  }
0x355: {  	v11 =	vld [tilespmem:s4+$0x2D40]  }
0x356: {  	v15 =	vadd.f32 v15, v9;
	v9 =	vld [tilespmem:s4+$0x2D50]  }
0x357: {  	s5 =	sadd.s32 $0x200, s5;
	v14 =	vadd.f32 v14, v10;
	v10 =	vld [tilespmem:s4+$0x2D60]  }
0x358: {  	[tilespmem:s4+$0x2D00] =	vst v15;
	v8 =	vadd.f32 v8, v13;
	v13 =	vld [tilespmem:s4+$0x2D70]  }
0x359: {  	[tilespmem:s4+$0x2D10] =	vst v14;
	v7 =	vadd.f32 v7, v12  }
0x35a: {  	[tilespmem:s4+$0x2D20] =	vst v8;
	v6 =	vadd.f32 v6, v11  }
0x35b: {  	[tilespmem:s4+$0x2D30] =	vst v7;
	v5 =	vadd.f32 v5, v9  }
0x35c: {  	[tilespmem:s4+$0x2D40] =	vst v6;
	v4 =	vadd.f32 v4, v10  }
0x35d: {  	[tilespmem:s4+$0x2D50] =	vst v5;
	v3 =	vadd.f32 v3, v13  }
0x35e: {  	[tilespmem:s4+$0x2D60] =	vst v4  }
0x35f: {  	s31 =	rddreg [dreg:$0xe];
	[tilespmem:s4+$0x2D70] =	vst v3  }
0x360: {  	[tilespmem:s23], [sflag:$0x1] =	stream.linear.gather [spmem:s31], $0x500, $0x38;
	[tilespmem:$0xF000] =	vst v63  }
0x361: {  	_ =	swait.ge [sflag:s20], $0x500  }
0x362: {  	[sflag:s20] =	ssyncset.done $0x0  }
0x363: {  	s4 =	simm.s32 $0x0;
	[sflag:s20] =	ssyncadd.s32 $0xFFFFFB00  }
0x364: {  	v10 =	vld [tilespmem:s4+$0x4100]  }
0x365: {  	v14 =	vld [tilespmem:s4+$0x4110]  }
0x366: {  	v8 =	vld [tilespmem:s4+$0x4120]  }
0x367: {  	v7 =	vld [tilespmem:s4+$0x4130]  }
0x368: {  	v6 =	vld [tilespmem:s4+$0x4140]  }
0x369: {  	v5 =	vld [tilespmem:s4+$0x4150]  }
0x36a: {  	v4 =	vld [tilespmem:s4+$0x4160]  }
0x36b: {  	v3 =	vld [tilespmem:s4+$0x4170]  }
0x36c: {  	v15 =	vld [tilespmem:s4+$0x2800]  }
0x36d: {  	v16 =	vld [tilespmem:s4+$0x2810]  }
0x36e: {  	v13 =	vld [tilespmem:s4+$0x2820]  }
0x36f: {  	v12 =	vld [tilespmem:s4+$0x2830]  }
0x370: {  	v11 =	vld [tilespmem:s4+$0x2840]  }
0x371: {  	v9 =	vld [tilespmem:s4+$0x2850];
	v15 =	vadd.f32 v10, v15  }
0x372: {  	s5 =	simm.s32 $0x200;
	v14 =	vadd.f32 v14, v16;
	v10 =	vld [tilespmem:s4+$0x2860]  }
.LBB2_18:
0x373: {  	s7 =	sshra.s32 s5, $0x2;
	p1 =	sne.s32 s5, $0x1200;
	[tilespmem:s4+$0x2800] =	vst v15;
	v8 =	vadd.f32 v8, v13;
	v13 =	vld [tilespmem:s4+$0x2870]  }
0x374: {  	v15 =	vld [tilespmem:s7+$0x4100];
	[tilespmem:s4+$0x2810] =	vst v14;
	v7 =	vadd.f32 v7, v12  }
0x375: {  	v14 =	vld [tilespmem:s7+$0x4110];
	[tilespmem:s4+$0x2820] =	vst v8;
	v6 =	vadd.f32 v6, v11  }
0x376: {  	v8 =	vld [tilespmem:s7+$0x4120];
	[tilespmem:s4+$0x2830] =	vst v7;
	v5 =	vadd.f32 v5, v9  }
0x377: {  	v7 =	vld [tilespmem:s7+$0x4130];
	[tilespmem:s4+$0x2840] =	vst v6;
	v4 =	vadd.f32 v4, v10  }
0x378: {  	v6 =	vld [tilespmem:s7+$0x4140];
	[tilespmem:s4+$0x2850] =	vst v5;
	v3 =	vadd.f32 v3, v13  }
0x379: {  	v5 =	vld [tilespmem:s7+$0x4150];
	[tilespmem:s4+$0x2860] =	vst v4  }
0x37a: {  	v4 =	vld [tilespmem:s7+$0x4160];
	[tilespmem:s4+$0x2870] =	vst v3;
	s4 =	smov.u32 s7  }
0x37b: {  	v3 =	vld [tilespmem:s4+$0x4170]  }
0x37c: {  	v9 =	vld [tilespmem:s4+$0x2800]  }
0x37d: {  	v10 =	vld [tilespmem:s4+$0x2810]  }
.Ltmp10:
0x37e: {  	v13 =	vld [tilespmem:s4+$0x2820];
	(pc) =	sbr.rel @p1 .LBB2_18-.Ltmp10, $4  }
0x37f: {  	v12 =	vld [tilespmem:s4+$0x2830]  }
0x380: {  	v11 =	vld [tilespmem:s4+$0x2840]  }
0x381: {  	v15 =	vadd.f32 v15, v9;
	v9 =	vld [tilespmem:s4+$0x2850]  }
0x382: {  	s5 =	sadd.s32 $0x200, s5;
	v14 =	vadd.f32 v14, v10;
	v10 =	vld [tilespmem:s4+$0x2860]  }
0x383: {  	[tilespmem:s4+$0x2800] =	vst v15;
	v8 =	vadd.f32 v8, v13;
	v13 =	vld [tilespmem:s4+$0x2870]  }
0x384: {  	[tilespmem:s4+$0x2810] =	vst v14;
	v7 =	vadd.f32 v7, v12  }
0x385: {  	[tilespmem:s4+$0x2820] =	vst v8;
	v6 =	vadd.f32 v6, v11  }
0x386: {  	[tilespmem:s4+$0x2830] =	vst v7;
	v5 =	vadd.f32 v5, v9  }
0x387: {  	[tilespmem:s4+$0x2840] =	vst v6;
	v4 =	vadd.f32 v4, v10  }
0x388: {  	[tilespmem:s4+$0x2850] =	vst v5;
	v3 =	vadd.f32 v3, v13  }
0x389: {  	[tilespmem:s4+$0x2860] =	vst v4  }
0x38a: {  	s31 =	rddreg [dreg:$0x10];
	[tilespmem:s4+$0x2870] =	vst v3  }
0x38b: {  	[tilespmem:s23], [sflag:$0x1] =	stream.linear.gather [spmem:s31], $0x500, $0x38;
	[tilespmem:$0xF000] =	vst v63  }
0x38c: {  	_ =	swait.ge [sflag:s20], $0x500  }
0x38d: {  	[sflag:s20] =	ssyncset.done $0x0  }
0x38e: {  	s19 =	simm.s32 $0x0;
	[sflag:s20] =	ssyncadd.s32 $0xFFFFFB00  }
0x38f: {  	v10 =	vld [tilespmem:s19+$0x4100]  }
0x390: {  	v14 =	vld [tilespmem:s19+$0x4110]  }
0x391: {  	v8 =	vld [tilespmem:s19+$0x4120]  }
0x392: {  	v7 =	vld [tilespmem:s19+$0x4130]  }
0x393: {  	v6 =	vld [tilespmem:s19+$0x4140]  }
0x394: {  	v5 =	vld [tilespmem:s19+$0x4150]  }
0x395: {  	v4 =	vld [tilespmem:s19+$0x4160]  }
0x396: {  	v3 =	vld [tilespmem:s19+$0x4170]  }
0x397: {  	v15 =	vld [tilespmem:s19+$0x2D00]  }
0x398: {  	v16 =	vld [tilespmem:s19+$0x2D10]  }
0x399: {  	v13 =	vld [tilespmem:s19+$0x2D20]  }
0x39a: {  	v12 =	vld [tilespmem:s19+$0x2D30]  }
0x39b: {  	v11 =	vld [tilespmem:s19+$0x2D40]  }
0x39c: {  	v9 =	vld [tilespmem:s19+$0x2D50];
	v15 =	vadd.f32 v10, v15  }
0x39d: {  	s5 =	simm.s32 $0x200;
	s4 =	simm.s32 $0x0;
	v14 =	vadd.f32 v14, v16;
	v10 =	vld [tilespmem:s19+$0x2D60]  }
.LBB2_20:
0x39e: {  	s7 =	sshra.s32 s5, $0x2;
	p1 =	sne.s32 s5, $0x1200;
	[tilespmem:s4+$0x2D00] =	vst v15;
	v8 =	vadd.f32 v8, v13;
	v13 =	vld [tilespmem:s4+$0x2D70]  }
0x39f: {  	v15 =	vld [tilespmem:s7+$0x4100];
	[tilespmem:s4+$0x2D10] =	vst v14;
	v7 =	vadd.f32 v7, v12  }
0x3a0: {  	v14 =	vld [tilespmem:s7+$0x4110];
	[tilespmem:s4+$0x2D20] =	vst v8;
	v6 =	vadd.f32 v6, v11  }
0x3a1: {  	v8 =	vld [tilespmem:s7+$0x4120];
	[tilespmem:s4+$0x2D30] =	vst v7;
	v5 =	vadd.f32 v5, v9  }
0x3a2: {  	v7 =	vld [tilespmem:s7+$0x4130];
	[tilespmem:s4+$0x2D40] =	vst v6;
	v4 =	vadd.f32 v4, v10  }
0x3a3: {  	v6 =	vld [tilespmem:s7+$0x4140];
	[tilespmem:s4+$0x2D50] =	vst v5;
	v3 =	vadd.f32 v3, v13  }
0x3a4: {  	v5 =	vld [tilespmem:s7+$0x4150];
	[tilespmem:s4+$0x2D60] =	vst v4  }
0x3a5: {  	v4 =	vld [tilespmem:s7+$0x4160];
	[tilespmem:s4+$0x2D70] =	vst v3;
	s4 =	smov.u32 s7  }
0x3a6: {  	v3 =	vld [tilespmem:s4+$0x4170]  }
0x3a7: {  	v9 =	vld [tilespmem:s4+$0x2D00]  }
0x3a8: {  	v10 =	vld [tilespmem:s4+$0x2D10]  }
.Ltmp11:
0x3a9: {  	v13 =	vld [tilespmem:s4+$0x2D20];
	(pc) =	sbr.rel @p1 .LBB2_20-.Ltmp11, $4  }
0x3aa: {  	v12 =	vld [tilespmem:s4+$0x2D30]  }
0x3ab: {  	v11 =	vld [tilespmem:s4+$0x2D40]  }
0x3ac: {  	v15 =	vadd.f32 v15, v9;
	v9 =	vld [tilespmem:s4+$0x2D50]  }
0x3ad: {  	s5 =	sadd.s32 $0x200, s5;
	v14 =	vadd.f32 v14, v10;
	v10 =	vld [tilespmem:s4+$0x2D60]  }
0x3ae: {  	[tilespmem:s4+$0x2D00] =	vst v15;
	v8 =	vadd.f32 v8, v13;
	v13 =	vld [tilespmem:s4+$0x2D70]  }
0x3af: {  	[tilespmem:s4+$0x2D10] =	vst v14;
	v7 =	vadd.f32 v7, v12  }
0x3b0: {  	[tilespmem:s4+$0x2D20] =	vst v8;
	v6 =	vadd.f32 v6, v11  }
0x3b1: {  	[tilespmem:s4+$0x2D30] =	vst v7;
	v5 =	vadd.f32 v5, v9  }
0x3b2: {  	[tilespmem:s4+$0x2D40] =	vst v6;
	v4 =	vadd.f32 v4, v10  }
0x3b3: {  	[tilespmem:s4+$0x2D50] =	vst v5;
	v3 =	vadd.f32 v3, v13  }
0x3b4: {  	[tilespmem:s4+$0x2D60] =	vst v4  }
0x3b5: {  	[tilespmem:s4+$0x2D70] =	vst v3  }
0x3b6: {  	v3 =	vld [tilespmem:s19+$0x3200]  }
0x3b7: {  	v4 =	vld [tilespmem:s19+$0x2800]  }
0x3b8: {  	v5 =	vld [tilespmem:s19+$0x2D00];
	_ =	sdelay $0x3  }
0x3b9: {  	s20 =	simm.s32 $0x10  }
0x3ba: {  	v7 =	vld [tilespmem:s20+$0x2D00];
	v3 =	vadd.f32 v4, v3;
	vm1 =	veq.f32 v5, $0.0e+00  }
0x3bb: {  	v4 =	vld [tilespmem:s20+$0x3200];
	v6 =	vsel vm1, $0x3F800000, v1  }
0x3bc: {  	v5 =	vld [tilespmem:s20+$0x2800];
	v3 =	vadd.f32 v6, v3;
	_ =	sdelay $0x1  }
0x3bd: {  	v6 =	vshra.s32 v3, $0x1;
	v8 =	vmul.f32 $5.000000000e-01, v3  }
0x3be: {  	v3 =	vsub.s32 $0x5F3759DF, v6  }
0x3bf: {  	s23 =	simm.s32 $0x20;
	v6 =	vmul.f32 v3, v8  }
0x3c0: {  	v10 =	vld [tilespmem:s23+$0x2D00];
	vm1 =	veq.f32 v7, $0.0e+00;
	v4 =	vadd.f32 v5, v4  }
0x3c1: {  	v7 =	vld [tilespmem:s23+$0x2800];
	v9 =	vsel vm1, $0x3F800000, v1;
	v6 =	vmul.f32 v3, v6  }
0x3c2: {  	v5 =	vld [tilespmem:s23+$0x3200];
	v4 =	vadd.f32 v9, v4  }
0x3c3: {  	v6 =	vsub.f32 $1.500000000e+00, v6  }
0x3c4: {  	v9 =	vshra.s32 v4, $0x1;
	v16 =	vmul.f32 $5.000000000e-01, v4  }
0x3c5: {  	v4 =	vsub.s32 $0x5F3759DF, v9;
	v6 =	vmul.f32 v3, v6  }
0x3c6: {  	s24 =	simm.s32 $0x30;
	v3 =	vmul.f32 v4, v16  }
0x3c7: {  	v12 =	vld [tilespmem:s24+$0x2D00];
	vm1 =	veq.f32 v10, $0.0e+00;
	v5 =	vadd.f32 v7, v5;
	v9 =	vmul.f32 v6, v8  }
0x3c8: {  	v10 =	vld [tilespmem:s24+$0x2800];
	v11 =	vsel vm1, $0x3F800000, v1;
	v3 =	vmul.f32 v4, v3  }
0x3c9: {  	v7 =	vld [tilespmem:s24+$0x3200];
	v5 =	vadd.f32 v11, v5;
	v9 =	vmul.f32 v9, v6  }
0x3ca: {  	v11 =	vsub.f32 $1.500000000e+00, v3  }
0x3cb: {  	v13 =	vshra.s32 v5, $0x1;
	v3 =	vmul.f32 $5.000000000e-01, v5;
	v5 =	vsub.f32 $1.500000000e+00, v9  }
0x3cc: {  	v9 =	vsub.s32 $0x5F3759DF, v13;
	v11 =	vmul.f32 v4, v11  }
0x3cd: {  	s4 =	simm.s32 $0x40;
	v4 =	vmul.f32 v9, v3;
	v14 =	vmul.f32 v5, v6  }
0x3ce: {  	vm1 =	veq.f32 v12, $0.0e+00;
	v5 =	vadd.f32 v10, v7;
	v6 =	vld [tilespmem:s4+$0x3200];
	v7 =	vmul.f32 v11, v16  }
0x3cf: {  	v12 =	vsel vm1, $0x3F800000, v1;
	v10 =	vld [tilespmem:s4+$0x2800];
	v4 =	vmul.f32 v9, v4;
	v8 =	vmul.f32 v14, v8  }
0x3d0: {  	v15 =	vld [tilespmem:s4+$0x2D00];
	v5 =	vadd.f32 v12, v5;
	v7 =	vmul.f32 v7, v11  }
0x3d1: {  	v12 =	vsub.f32 $1.500000000e+00, v4;
	v8 =	vmul.f32 v8, v14  }
0x3d2: {  	v13 =	vshra.s32 v5, $0x1;
	v4 =	vmul.f32 $5.000000000e-01, v5;
	v17 =	vsub.f32 $1.500000000e+00, v7  }
0x3d3: {  	v7 =	vsub.s32 $0x5F3759DF, v13;
	v5 =	vmul.f32 v9, v12;
	v8 =	vsub.f32 $1.500000000e+00, v8  }
0x3d4: {  	s5 =	simm.s32 $0x50;
	v13 =	vadd.f32 v10, v6;
	v9 =	vmul.f32 v7, v4;
	v6 =	vmul.f32 v17, v11  }
0x3d5: {  	vm1 =	veq.f32 v15, $0.0e+00;
	v10 =	vld [tilespmem:s5+$0x3200];
	v11 =	vmul.f32 v5, v3;
	v8 =	vmul.f32 v8, v14  }
0x3d6: {  	s7 =	simm.s32 $0x180;
	v15 =	vsel vm1, $0x3F800000, v1;
	v12 =	vld [tilespmem:s5+$0x2800];
	v14 =	vmul.f32 v7, v9;
	v9 =	vmul.f32 v6, v16  }
.LBB2_22:
0x3d7: {  	p1 =	sne.s32 s7, $0x13C0;
	v16 =	vld [tilespmem:s5+$0x2D00];
	v13 =	vadd.f32 v15, v13;
	v11 =	vmul.f32 v11, v5;
	[tilespmem:s19+$0x3700] =	vst v8;
	v8 =	vmov v6;
	s19 =	smov.u32 s20;
	s20 =	smov.u32 s23  }
0x3d8: {  	s23 =	smov.u32 s24;
	s24 =	smov.u32 s4;
	s4 =	smov.u32 s5;
	v6 =	vsub.f32 $1.500000000e+00, v14;
	v9 =	vmul.f32 v9, v8  }
.Ltmp12:
0x3d9: {  	v14 =	vshra.s32 v13, $0x1;
	v17 =	vmul.f32 $5.000000000e-01, v13;
	v11 =	vsub.f32 $1.500000000e+00, v11;
	(pc) =	sbr.rel @p1 .LBB2_22-.Ltmp12, $4  }
0x3da: {  	v15 =	vmul.f32 v7, v6;
	v7 =	vsub.s32 $0x5F3759DF, v14;
	v9 =	vsub.f32 $1.500000000e+00, v9  }
0x3db: {  	s5 =	sshra.s32 s7, $0x2;
	v13 =	vadd.f32 v12, v10;
	v14 =	vmul.f32 v7, v17;
	v6 =	vmul.f32 v11, v5  }
0x3dc: {  	v10 =	vld [tilespmem:s5+$0x3200];
	vm1 =	veq.f32 v16, $0.0e+00;
	v11 =	vmul.f32 v15, v4;
	v8 =	vmul.f32 v9, v8;
	v5 =	vmovc v15  }
0x3dd: {  	s7 =	sadd.s32 $0x40, s7;
	v12 =	vld [tilespmem:s5+$0x2800];
	v15 =	vsel vm1, $0x3F800000, v1;
	v14 =	vmul.f32 v7, v14;
	v9 =	vmul.f32 v6, v3;
	v3 =	vmovc v4;
	v4 =	vmovc v17  }
0x3de: {  	v16 =	vld [tilespmem:s5+$0x2D00];
	_ =	sdelay $0x4  }
0x3df: {  	v10 =	vadd.f32 v12, v10;
	vm1 =	veq.f32 v16, $0.0e+00  }
0x3e0: {  	v44 =	vadd.f32 v15, v13;
	v45 =	vsel vm1, $0x3F800000, v1  }
0x3e1: {  	v10 =	vadd.f32 v45, v10  }
0x3e2: {  	v46 =	vshra.s32 v44, $0x1;
	v12 =	vmul.f32 $5.000000000e-01, v44  }
0x3e3: {  	v13 =	vsub.s32 $0x5F3759DF, v46;
	v47 =	vshra.s32 v10, $0x1;
	v10 =	vmul.f32 $5.000000000e-01, v10  }
0x3e4: {  	v48 =	vmul.f32 v13, v12;
	v15 =	vsub.s32 $0x5F3759DF, v47  }
0x3e5: {  	v17 =	vmul.f32 v15, v10  }
0x3e6: {  	v16 =	vmul.f32 v13, v48  }
0x3e7: {  	v14 =	vsub.f32 $1.500000000e+00, v14;
	v17 =	vmul.f32 v15, v17  }
0x3e8: {  	v16 =	vsub.f32 $1.500000000e+00, v16  }
0x3e9: {  	v7 =	vmul.f32 v7, v14;
	v49 =	vsub.f32 $1.500000000e+00, v17  }
0x3ea: {  	v13 =	vmul.f32 v13, v16  }
0x3eb: {  	v50 =	vmul.f32 v7, v4;
	v14 =	vmul.f32 v15, v49  }
0x3ec: {  	v11 =	vmul.f32 v11, v5;
	v51 =	vmul.f32 v13, v12  }
0x3ed: {  	v16 =	vmul.f32 v50, v7;
	v52 =	vmul.f32 v14, v10  }
0x3ee: {  	v11 =	vsub.f32 $1.500000000e+00, v11;
	v15 =	vmul.f32 v51, v13  }
0x3ef: {  	v16 =	vsub.f32 $1.500000000e+00, v16;
	v17 =	vmul.f32 v52, v14  }
0x3f0: {  	v5 =	vmul.f32 v11, v5;
	v11 =	vsub.f32 $1.500000000e+00, v15  }
0x3f1: {  	v9 =	vmul.f32 v9, v6;
	v7 =	vmul.f32 v16, v7;
	v53 =	vsub.f32 $1.500000000e+00, v17  }
0x3f2: {  	v3 =	vmul.f32 v5, v3;
	v11 =	vmul.f32 v11, v13  }
0x3f3: {  	v4 =	vmul.f32 v7, v4;
	v54 =	vmul.f32 v53, v14  }
0x3f4: {  	v3 =	vmul.f32 v3, v5;
	v12 =	vmul.f32 v11, v12  }
0x3f5: {  	v9 =	vsub.f32 $1.500000000e+00, v9;
	v4 =	vmul.f32 v4, v7;
	v10 =	vmul.f32 v54, v10  }
0x3f6: {  	v3 =	vsub.f32 $1.500000000e+00, v3;
	v12 =	vmul.f32 v12, v11  }
0x3f7: {  	v6 =	vmul.f32 v9, v6;
	v4 =	vsub.f32 $1.500000000e+00, v4;
	v9 =	vmul.f32 v10, v54  }
0x3f8: {  	[tilespmem:s19+$0x3700] =	vst v8;
	v3 =	vmul.f32 v3, v5;
	v5 =	vsub.f32 $1.500000000e+00, v12  }
0x3f9: {  	[tilespmem:s20+$0x3700] =	vst v6;
	v4 =	vmul.f32 v4, v7;
	v6 =	vsub.f32 $1.500000000e+00, v9  }
0x3fa: {  	[tilespmem:s23+$0x3700] =	vst v3;
	v3 =	vmul.f32 v5, v11  }
0x3fb: {  	[tilespmem:s24+$0x3700] =	vst v4;
	v4 =	vmul.f32 v6, v54  }
0x3fc: {  	[tilespmem:s4+$0x3700] =	vst v3  }
0x3fd: {  	[dreg:$0x16] =	wrdreg s3;
	s30 =	simm.s32 $0x3710;
	[tilespmem:s5+$0x3700] =	vst v4  }
0x3fe: {  	s20 =	simm.s32 $0x4600;
	v7 =	vld [tilespmem:s30+$0xFFFFFFF0]  }
0x3ff: {  	v4 =	vld [tilespmem:s20+$0x0]  }
0x400: {  	v3 =	vld [tilespmem:s30+$0x0]  }
0x401: {  	v5 =	vld [tilespmem:s20+$0x10]  }
0x402: {  	v6 =	vld [tilespmem:s20+$0x510]  }
0x403: {  	v8 =	vld [tilespmem:s20+$0xA10]  }
0x404: {  	v9 =	vld [tilespmem:s20+$0xF10];
	v4 =	vmul.f32 v4, v7  }
0x405: {  	s23 =	simm.s32 $0x0;
	v10 =	vld [tilespmem:s20+$0x1410]  }
0x406: {  	s31 =	sand.u32 $0x7E0, s23;
	v5 =	vmul.f32 v5, v3;
	[tilespmem:s20+$0x0] =	vst v4;
	v4 =	vld [tilespmem:s20+$0x1910]  }
0x407: {  	v6 =	vmul.f32 v6, v3;
	v11 =	vld [tilespmem:s31+$0x9100]  }
0x408: {  	[tilespmem:s20+$0x10] =	vst v5;
	v5 =	vmul.f32 v8, v3;
	v55 =	vld [tilespmem:s31+$0x4B00]  }
0x409: {  	[tilespmem:s20+$0x510] =	vst v6;
	v6 =	vmul.f32 v9, v3;
	v56 =	vld [tilespmem:s31+$0x5000]  }
0x40a: {  	v57 =	vld [tilespmem:s31+$0x5500];
	[tilespmem:s20+$0xA10] =	vst v5;
	v5 =	vmul.f32 v10, v3  }
0x40b: {  	v8 =	vld [tilespmem:s31+$0x5A00];
	[tilespmem:s20+$0xF10] =	vst v6;
	v4 =	vmul.f32 v4, v3  }
0x40c: {  	v9 =	vld [tilespmem:s31+$0x5F00];
	[tilespmem:s20+$0x1410] =	vst v5;
	v11 =	vmul.f32 v11, v7  }
0x40d: {  	v6 =	vld [tilespmem:s31+$0x6900];
	v12 =	vmul.f32 v55, v7;
	[tilespmem:s20+$0x1910] =	vst v4  }
0x40e: {  	v10 =	vld [tilespmem:s31+$0x6400];
	v13 =	vmul.f32 v56, v7;
	[tilespmem:s31+$0x9100] =	vst v11  }
0x40f: {  	v61 =	vld [tilespmem:s31+$0x8700];
	v58 =	vmul.f32 v57, v7;
	[tilespmem:s31+$0x4B00] =	vst v12  }
0x410: {  	v5 =	vld [tilespmem:s31+$0x6E00];
	v8 =	vmul.f32 v8, v7;
	[tilespmem:s31+$0x5000] =	vst v13  }
0x411: {  	v9 =	vmul.f32 v9, v7;
	v4 =	vld [tilespmem:s31+$0x7300];
	[tilespmem:s31+$0x5500] =	vst v58  }
0x412: {  	v6 =	vmul.f32 v6, v7;
	v11 =	vld [tilespmem:s31+$0x7800];
	[tilespmem:s31+$0x5A00] =	vst v8  }
0x413: {  	v8 =	vmul.f32 v10, v7;
	[tilespmem:s31+$0x5F00] =	vst v9;
	v9 =	vld [tilespmem:s20+$0x1E10]  }
0x414: {  	v60 =	vld [tilespmem:s31+$0x8200];
	v12 =	vmul.f32 v61, v7;
	[tilespmem:s31+$0x6900] =	vst v6  }
0x415: {  	v59 =	vld [tilespmem:s31+$0x7D00];
	v5 =	vmul.f32 v5, v7;
	[tilespmem:s31+$0x6400] =	vst v8  }
0x416: {  	v8 =	vld [tilespmem:s20+$0x2310];
	[tilespmem:s31+$0x8700] =	vst v12;
	v4 =	vmul.f32 v4, v7  }
0x417: {  	v62 =	vld [tilespmem:s20+$0x2810];
	[tilespmem:s31+$0x6E00] =	vst v5;
	v5 =	vmul.f32 v11, v7  }
0x418: {  	v10 =	vld [tilespmem:s31+$0x8C00];
	v6 =	vmul.f32 v9, v3;
	[tilespmem:s31+$0x7300] =	vst v4  }
0x419: {  	v11 =	vld [tilespmem:s20+$0x2D10];
	v9 =	vmul.f32 v60, v7;
	[tilespmem:s31+$0x7800] =	vst v5  }
0x41a: {  	v63 =	vld [tilespmem:s20+$0x3210];
	v4 =	vmul.f32 v59, v7;
	[tilespmem:s20+$0x1E10] =	vst v6  }
0x41b: {  	v5 =	vld [tilespmem:s20+$0x3710];
	v8 =	vmul.f32 v8, v3;
	[tilespmem:s31+$0x8200] =	vst v9  }
0x41c: {  	v9 =	vmul.f32 v62, v3;
	[tilespmem:s31+$0x7D00] =	vst v4;
	v4 =	vld [tilespmem:s20+$0x3C10]  }
0x41d: {  	v6 =	vld [tilespmem:s20+$0x4110];
	[tilespmem:s20+$0x2310] =	vst v8;
	v8 =	vmul.f32 v10, v7  }
0x41e: {  	s0 =	simm.s32 $0x1410;
	s19 =	simm.s32 $0x10;
	v7 =	vld [tilespmem:s20+$0x4610];
	[tilespmem:s20+$0x2810] =	vst v9;
	v10 =	vmul.f32 v11, v3  }
0x41f: {  	s24 =	simm.s32 $0x0;
	s4 =	simm.s32 $0x3730;
	s5 =	simm.s32 $0x4600;
	v9 =	vmul.f32 v63, v3;
	[tilespmem:s31+$0x8C00] =	vst v8;
	v8 =	vld [tilespmem:s20+$0x4B10]  }
.LBB2_24:
0x420: {  	v11 =	vld [tilespmem:s4+$0xFFFFFFF0];
	[tilespmem:s20+$0x2D10] =	vst v10;
	v5 =	vmul.f32 v5, v3;
	s5 =	sadd.s32 $0x20, s5  }
0x421: {  	s24 =	sadd.s32 $0x2, s24;
	v10 =	vld [tilespmem:s5+$0x0];
	[tilespmem:s20+$0x3210] =	vst v9;
	v4 =	vmul.f32 v4, v3  }
0x422: {  	p1 =	slt.u32 s24, $0x4E;
	v9 =	vld [tilespmem:s4+$0x0];
	[tilespmem:s20+$0x3710] =	vst v5;
	v5 =	vmul.f32 v6, v3  }
0x423: {  	v6 =	vld [tilespmem:s5+$0x10];
	[tilespmem:s20+$0x3C10] =	vst v4;
	v4 =	vmul.f32 v7, v3  }
0x424: {  	v7 =	vld [tilespmem:s5+$0x510];
	[tilespmem:s20+$0x4110] =	vst v5;
	v12 =	vmul.f32 v8, v3  }
0x425: {  	v5 =	vld [tilespmem:s5+$0xA10];
	[tilespmem:s20+$0x4610] =	vst v4  }
0x426: {  	v4 =	vmul.f32 v10, v11;
	v8 =	vld [tilespmem:s5+$0xF10];
	[tilespmem:s20+$0x4B10] =	vst v12;
	s20 =	smov.u32 s5  }
0x427: {  	s23 =	sadd.s32 $0x20, s23;
	v10 =	vld [tilespmem:s5+$0x1410];
	v3 =	vmov v9  }
0x428: {  	s7 =	sand.u32 $0x7E0, s23;
	[tilespmem:s5+$0x0] =	vst v4;
	v4 =	vmul.f32 v6, v3;
	v6 =	vld [tilespmem:s5+$0x1910]  }
0x429: {  	v9 =	vld [tilespmem:s7+$0x9100];
	v7 =	vmul.f32 v7, v3  }
0x42a: {  	v12 =	vld [tilespmem:s7+$0x4B00];
	[tilespmem:s5+$0x10] =	vst v4;
	v4 =	vmul.f32 v5, v3  }
0x42b: {  	v5 =	vld [tilespmem:s7+$0x5000];
	[tilespmem:s5+$0x510] =	vst v7;
	v7 =	vmul.f32 v8, v3  }
0x42c: {  	v8 =	vld [tilespmem:s7+$0x5500];
	[tilespmem:s5+$0xA10] =	vst v4;
	v4 =	vmul.f32 v10, v3  }
0x42d: {  	v10 =	vld [tilespmem:s7+$0x5A00];
	[tilespmem:s5+$0xF10] =	vst v7;
	v6 =	vmul.f32 v6, v3  }
0x42e: {  	v7 =	vld [tilespmem:s7+$0x5F00];
	v9 =	vmul.f32 v9, v11;
	[tilespmem:s5+$0x1410] =	vst v4  }
0x42f: {  	v4 =	vmul.f32 v12, v11;
	v12 =	vld [tilespmem:s7+$0x6400];
	[tilespmem:s5+$0x1910] =	vst v6  }
0x430: {  	v5 =	vmul.f32 v5, v11;
	v6 =	vld [tilespmem:s7+$0x6900];
	[tilespmem:s7+$0x9100] =	vst v9  }
0x431: {  	[tilespmem:s7+$0x4B00] =	vst v4;
	v4 =	vmul.f32 v8, v11;
	v8 =	vld [tilespmem:s7+$0x6E00]  }
0x432: {  	[tilespmem:s7+$0x5000] =	vst v5;
	v5 =	vmul.f32 v10, v11;
	v9 =	vld [tilespmem:s7+$0x7300]  }
0x433: {  	[tilespmem:s7+$0x5500] =	vst v4;
	v4 =	vmul.f32 v7, v11;
	v7 =	vld [tilespmem:s7+$0x7800]  }
0x434: {  	[tilespmem:s7+$0x5A00] =	vst v5;
	v5 =	vmul.f32 v12, v11;
	v10 =	vld [tilespmem:s7+$0x7D00]  }
0x435: {  	[tilespmem:s7+$0x5F00] =	vst v4;
	v4 =	vmul.f32 v6, v11;
	v6 =	vld [tilespmem:s7+$0x8200]  }
0x436: {  	[tilespmem:s7+$0x6400] =	vst v5;
	v5 =	vmul.f32 v8, v11;
	v8 =	vld [tilespmem:s7+$0x8700]  }
0x437: {  	[tilespmem:s7+$0x6900] =	vst v4;
	v4 =	vmul.f32 v9, v11;
	v9 =	vld [tilespmem:s7+$0x8C00]  }
0x438: {  	[tilespmem:s7+$0x6E00] =	vst v5;
	v5 =	vmul.f32 v7, v11;
	v7 =	vld [tilespmem:s5+$0x1E10]  }
0x439: {  	[tilespmem:s7+$0x7300] =	vst v4;
	v4 =	vmul.f32 v10, v11;
	v10 =	vld [tilespmem:s5+$0x2310]  }
0x43a: {  	[tilespmem:s7+$0x7800] =	vst v5;
	v5 =	vmul.f32 v6, v11;
	v6 =	vld [tilespmem:s5+$0x2810]  }
0x43b: {  	[tilespmem:s7+$0x7D00] =	vst v4;
	v4 =	vmul.f32 v8, v11;
	v8 =	vld [tilespmem:s5+$0x2D10]  }
0x43c: {  	[tilespmem:s7+$0x8200] =	vst v5;
	v9 =	vmul.f32 v9, v11;
	v11 =	vld [tilespmem:s5+$0x3210]  }
.Ltmp13:
0x43d: {  	[tilespmem:s7+$0x8700] =	vst v4;
	v7 =	vmul.f32 v7, v3;
	v5 =	vld [tilespmem:s5+$0x3710];
	(pc) =	sbr.rel @p1 .LBB2_24-.Ltmp13, $4  }
0x43e: {  	[tilespmem:s7+$0x8C00] =	vst v9;
	v9 =	vmul.f32 v10, v3;
	v4 =	vld [tilespmem:s5+$0x3C10]  }
0x43f: {  	[tilespmem:s5+$0x1E10] =	vst v7;
	v12 =	vmul.f32 v6, v3;
	v6 =	vld [tilespmem:s5+$0x4110]  }
0x440: {  	[tilespmem:s5+$0x2310] =	vst v9;
	v10 =	vmul.f32 v8, v3;
	v7 =	vld [tilespmem:s5+$0x4610]  }
0x441: {  	s4 =	sadd.s32 $0x20, s4;
	[tilespmem:s5+$0x2810] =	vst v12;
	v9 =	vmul.f32 v11, v3;
	v8 =	vld [tilespmem:s5+$0x4B10]  }
0x442: {  	[tilespmem:s20+$0x2D10] =	vst v10;
	v5 =	vmul.f32 v5, v3  }
0x443: {  	[tilespmem:s20+$0x3210] =	vst v9;
	v4 =	vmul.f32 v4, v3  }
0x444: {  	[tilespmem:s20+$0x3710] =	vst v5;
	v5 =	vmul.f32 v6, v3  }
0x445: {  	[tilespmem:s20+$0x3C10] =	vst v4;
	v4 =	vmul.f32 v7, v3  }
0x446: {  	[tilespmem:s20+$0x4110] =	vst v5;
	v3 =	vmul.f32 v8, v3  }
0x447: {  	[tilespmem:s20+$0x4610] =	vst v4  }
0x448: {  	[tilespmem:s20+$0x4B10] =	vst v3  }
0x449: {  	v4 =	vld [tilespmem:s0+$0x0]  }
0x44a: {  	v5 =	vld [tilespmem:s19+$0x0];
	_ =	sdelay $0x4  }
0x44b: {  	v3 =	vld [tilespmem:s0+$0xFFFFFFF0]  }
0x44c: {  	v8 =	vld [tilespmem:s19+$0xFFFFFFF0];
	s0 =	simm.s32 $0x3700  }
0x44d: {  	s30 =	simm.s32 $0x4600;
	v6 =	vld.idx.msk [tilespmem:v4+s0+$0x0], $0xffff  }
0x44e: {  	s4 =	simm.s32 $0x4B00;
	v7 =	vld.idx.msk [tilespmem:v5+s30+$0x0], $0xffff  }
0x44f: {  	s5 =	simm.s32 $0x5000;
	v9 =	vld.idx.msk [tilespmem:v5+s4+$0x0], $0xffff  }
0x450: {  	s7 =	simm.s32 $0x5500;
	v10 =	vld.idx.msk [tilespmem:v5+s5+$0x0], $0xffff  }
0x451: {  	s9 =	simm.s32 $0x5A00;
	v11 =	vld.idx.msk [tilespmem:v5+s7+$0x0], $0xffff  }
0x452: {  	s10 =	simm.s32 $0x5F00;
	v12 =	vld.idx.msk [tilespmem:v5+s9+$0x0], $0xffff  }
0x453: {  	s11 =	simm.s32 $0x6400;
	v13 =	vld.idx.msk [tilespmem:v5+s10+$0x0], $0xffff  }
0x454: {  	s12 =	simm.s32 $0x6900;
	v14 =	vld.idx.msk [tilespmem:v5+s11+$0x0], $0xffff  }
0x455: {  	s14 =	simm.s32 $0x6E00;
	v15 =	vld.idx.msk [tilespmem:v5+s12+$0x0], $0xffff  }
0x456: {  	s16 =	simm.s32 $0x7300;
	v16 =	vld.idx.msk [tilespmem:v5+s14+$0x0], $0xffff  }
0x457: {  	s15 =	simm.s32 $0x7800;
	v17 =	vld.idx.msk [tilespmem:v5+s16+$0x0], $0xffff  }
0x458: {  	s17 =	simm.s32 $0x7D00;
	v18 =	vld.idx.msk [tilespmem:v5+s15+$0x0], $0xffff  }
0x459: {  	s18 =	simm.s32 $0x8200;
	v19 =	vld.idx.msk [tilespmem:v5+s17+$0x0], $0xffff  }
0x45a: {  	s3 =	simm.s32 $0x8700;
	v20 =	vld.idx.msk [tilespmem:v5+s18+$0x0], $0xffff  }
0x45b: {  	s6 =	simm.s32 $0x8C00;
	v21 =	vld.idx.msk [tilespmem:v5+s3+$0x0], $0xffff  }
0x45c: {  	s8 =	simm.s32 $0x9100;
	v22 =	vld.idx.msk [tilespmem:v5+s6+$0x0], $0xffff  }
0x45d: {  	v23 =	vld.idx.msk [tilespmem:v5+s8+$0x0], $0xffff  }
0x45e: {  	v51 =	vld.idx.msk [tilespmem:v3+s0+$0x0], $0xffff  }
0x45f: {  	v52 =	vld.idx.msk [tilespmem:v8+s30+$0x0], $0xffff  }
0x460: {  	v53 =	vld.idx.msk [tilespmem:v8+s4+$0x0], $0xffff  }
0x461: {  	v54 =	vld.idx.msk [tilespmem:v8+s5+$0x0], $0xffff  }
0x462: {  	v55 =	vld.idx.msk [tilespmem:v8+s7+$0x0], $0xffff  }
0x463: {  	v56 =	vld.idx.msk [tilespmem:v8+s9+$0x0], $0xffff  }
0x464: {  	v57 =	vld.idx.msk [tilespmem:v8+s10+$0x0], $0xffff  }
0x465: {  	v58 =	vld.idx.msk [tilespmem:v8+s11+$0x0], $0xffff  }
0x466: {  	v59 =	vld.idx.msk [tilespmem:v8+s12+$0x0], $0xffff  }
0x467: {  	v60 =	vld.idx.msk [tilespmem:v8+s14+$0x0], $0xffff  }
0x468: {  	v61 =	vld.idx.msk [tilespmem:v8+s16+$0x0], $0xffff  }
0x469: {  	v62 =	vld.idx.msk [tilespmem:v8+s15+$0x0], $0xffff  }
0x46a: {  	s1 =	simm.s32 $0x3C00;
	v63 =	vld.idx.msk [tilespmem:v8+s17+$0x0], $0xffff  }
0x46b: {  	[tilespmem:v5+s1+$0x0] =	vst.idx.add.f32.msk $0xffff, v6  }
0x46c: {  	v5 =	vld.idx.msk [tilespmem:v8+s3+$0x0], $0xffff  }
0x46d: {  	s2 =	simm.s32 $0x9600;
	v6 =	vld.idx.msk [tilespmem:v8+s6+$0x0], $0xffff  }
0x46e: {  	[tilespmem:v4+s2+$0x0] =	vst.idx.add.f32.msk $0xffff, v7  }
0x46f: {  	s23 =	simm.s32 $0x9B00;
	v7 =	vld.idx.msk [tilespmem:v8+s8+$0x0], $0xffff  }
0x470: {  	s20 =	simm.s32 $0xA000;
	[tilespmem:v4+s23+$0x0] =	vst.idx.add.f32.msk $0xffff, v9  }
0x471: {  	s21 =	simm.s32 $0xA500;
	[tilespmem:v4+s20+$0x0] =	vst.idx.add.f32.msk $0xffff, v10  }
0x472: {  	s25 =	simm.s32 $0xAA00;
	[tilespmem:v4+s21+$0x0] =	vst.idx.add.f32.msk $0xffff, v11  }
0x473: {  	s24 =	simm.s32 $0xAF00;
	[tilespmem:v4+s25+$0x0] =	vst.idx.add.f32.msk $0xffff, v12  }
0x474: {  	s13 =	simm.s32 $0xB400;
	[tilespmem:v4+s24+$0x0] =	vst.idx.add.f32.msk $0xffff, v13  }
0x475: {  	s22 =	simm.s32 $0xB900;
	[tilespmem:v4+s13+$0x0] =	vst.idx.add.f32.msk $0xffff, v14  }
0x476: {  	s26 =	simm.s32 $0xBE00;
	[tilespmem:v4+s22+$0x0] =	vst.idx.add.f32.msk $0xffff, v15  }
0x477: {  	s28 =	simm.s32 $0xC300;
	[tilespmem:v4+s26+$0x0] =	vst.idx.add.f32.msk $0xffff, v16  }
0x478: {  	s29 =	simm.s32 $0xC800;
	[tilespmem:v4+s28+$0x0] =	vst.idx.add.f32.msk $0xffff, v17  }
0x479: {  	s31 =	simm.s32 $0xCD00;
	[tilespmem:v4+s29+$0x0] =	vst.idx.add.f32.msk $0xffff, v18  }
0x47a: {  	[tilespmem:v4+s31+$0x0] =	vst.idx.add.f32.msk $0xffff, v19;
	s31 =	simm.s32 $0xD200  }
0x47b: {  	[tilespmem:v4+s31+$0x0] =	vst.idx.add.f32.msk $0xffff, v20;
	s31 =	simm.s32 $0xD700  }
0x47c: {  	[tilespmem:v4+s31+$0x0] =	vst.idx.add.f32.msk $0xffff, v21;
	s31 =	simm.s32 $0xDC00  }
0x47d: {  	[tilespmem:v4+s31+$0x0] =	vst.idx.add.f32.msk $0xffff, v22;
	s31 =	simm.s32 $0xE100  }
0x47e: {  	[tilespmem:v4+s31+$0x0] =	vst.idx.add.f32.msk $0xffff, v23  }
0x47f: {  	v4 =	vld.idx.msk [tilespmem:v8+s18+$0x0], $0xffff  }
0x480: {  	[tilespmem:v8+s1+$0x0] =	vst.idx.add.f32.msk $0xffff, v51  }
0x481: {  	[tilespmem:v3+s2+$0x0] =	vst.idx.add.f32.msk $0xffff, v52  }
0x482: {  	[tilespmem:v3+s23+$0x0] =	vst.idx.add.f32.msk $0xffff, v53  }
0x483: {  	[tilespmem:v3+s20+$0x0] =	vst.idx.add.f32.msk $0xffff, v54  }
0x484: {  	[tilespmem:v3+s21+$0x0] =	vst.idx.add.f32.msk $0xffff, v55  }
0x485: {  	[tilespmem:v3+s25+$0x0] =	vst.idx.add.f32.msk $0xffff, v56  }
0x486: {  	[tilespmem:v3+s24+$0x0] =	vst.idx.add.f32.msk $0xffff, v57  }
0x487: {  	[tilespmem:v3+s13+$0x0] =	vst.idx.add.f32.msk $0xffff, v58  }
0x488: {  	[tilespmem:v3+s22+$0x0] =	vst.idx.add.f32.msk $0xffff, v59  }
0x489: {  	[tilespmem:v3+s26+$0x0] =	vst.idx.add.f32.msk $0xffff, v60  }
0x48a: {  	[tilespmem:v3+s28+$0x0] =	vst.idx.add.f32.msk $0xffff, v61  }
0x48b: {  	s31 =	simm.s32 $0xCD00;
	[tilespmem:v3+s29+$0x0] =	vst.idx.add.f32.msk $0xffff, v62  }
0x48c: {  	s23 =	simm.s32 $0x1430;
	s20 =	simm.s32 $0x0;
	[tilespmem:v3+s31+$0x0] =	vst.idx.add.f32.msk $0xffff, v63  }
.LBB2_26:
0x48d: {  	v8 =	vld [tilespmem:s23+$0x0];
	s19 =	sadd.s32 $0x20, s19  }
0x48e: {  	v9 =	vld [tilespmem:s19+$0x0]  }
0x48f: {  	v10 =	vld [tilespmem:s23+$0xFFFFFFF0]  }
0x490: {  	s31 =	simm.s32 $0xD200;
	v11 =	vld [tilespmem:s19+$0xFFFFFFF0]  }
0x491: {  	s0 =	simm.s32 $0xD700;
	[tilespmem:v3+s31+$0x0] =	vst.idx.add.f32.msk $0xffff, v4  }
0x492: {  	[tilespmem:v3+s0+$0x0] =	vst.idx.add.f32.msk $0xffff, v5;
	s0 =	simm.s32 $0xDC00  }
0x493: {  	[tilespmem:v3+s0+$0x0] =	vst.idx.add.f32.msk $0xffff, v6;
	s0 =	simm.s32 $0xE100  }
0x494: {  	[tilespmem:v3+s0+$0x0] =	vst.idx.add.f32.msk $0xffff, v7;
	v3 =	vmov v10;
	s0 =	simm.s32 $0x3700  }
0x495: {  	s6 =	simm.s32 $0x4600;
	v4 =	vld.idx.msk [tilespmem:v8+s0+$0x0], $0xffff  }
0x496: {  	s5 =	simm.s32 $0x4B00;
	v5 =	vld.idx.msk [tilespmem:v9+s6+$0x0], $0xffff  }
0x497: {  	s7 =	simm.s32 $0x5000;
	v6 =	vld.idx.msk [tilespmem:v9+s5+$0x0], $0xffff  }
0x498: {  	s9 =	simm.s32 $0x5500;
	v7 =	vld.idx.msk [tilespmem:v9+s7+$0x0], $0xffff  }
0x499: {  	s11 =	simm.s32 $0x5A00;
	v10 =	vld.idx.msk [tilespmem:v9+s9+$0x0], $0xffff  }
0x49a: {  	s12 =	simm.s32 $0x5F00;
	v12 =	vld.idx.msk [tilespmem:v9+s11+$0x0], $0xffff  }
0x49b: {  	s13 =	simm.s32 $0x6400;
	v13 =	vld.idx.msk [tilespmem:v9+s12+$0x0], $0xffff  }
0x49c: {  	s14 =	simm.s32 $0x6900;
	v14 =	vld.idx.msk [tilespmem:v9+s13+$0x0], $0xffff  }
0x49d: {  	s16 =	simm.s32 $0x6E00;
	v15 =	vld.idx.msk [tilespmem:v9+s14+$0x0], $0xffff  }
0x49e: {  	s18 =	simm.s32 $0x7300;
	v16 =	vld.idx.msk [tilespmem:v9+s16+$0x0], $0xffff  }
0x49f: {  	s17 =	simm.s32 $0x7800;
	v17 =	vld.idx.msk [tilespmem:v9+s18+$0x0], $0xffff  }
0x4a0: {  	s22 =	simm.s32 $0x7D00;
	v18 =	vld.idx.msk [tilespmem:v9+s17+$0x0], $0xffff  }
0x4a1: {  	s25 =	simm.s32 $0x8200;
	v19 =	vld.idx.msk [tilespmem:v9+s22+$0x0], $0xffff  }
0x4a2: {  	s4 =	simm.s32 $0x8700;
	v20 =	vld.idx.msk [tilespmem:v9+s25+$0x0], $0xffff  }
0x4a3: {  	s8 =	simm.s32 $0x8C00;
	v21 =	vld.idx.msk [tilespmem:v9+s4+$0x0], $0xffff  }
0x4a4: {  	s10 =	simm.s32 $0x9100;
	v22 =	vld.idx.msk [tilespmem:v9+s8+$0x0], $0xffff  }
0x4a5: {  	s1 =	simm.s32 $0x3C00;
	v23 =	vld.idx.msk [tilespmem:v9+s10+$0x0], $0xffff  }
0x4a6: {  	[tilespmem:v9+s1+$0x0] =	vst.idx.add.f32.msk $0xffff, v4;
	s1 =	simm.s32 $0x9600  }
0x4a7: {  	[tilespmem:v8+s1+$0x0] =	vst.idx.add.f32.msk $0xffff, v5;
	s1 =	simm.s32 $0x9B00  }
0x4a8: {  	s20 =	sadd.s32 $0x2, s20;
	s26 =	simm.s32 $0xA000;
	[tilespmem:v8+s1+$0x0] =	vst.idx.add.f32.msk $0xffff, v6  }
0x4a9: {  	s28 =	simm.s32 $0xA500;
	p1 =	slt.u32 s20, $0x136;
	[tilespmem:v8+s26+$0x0] =	vst.idx.add.f32.msk $0xffff, v7  }
0x4aa: {  	s3 =	simm.s32 $0xAA00;
	[tilespmem:v8+s28+$0x0] =	vst.idx.add.f32.msk $0xffff, v10  }
0x4ab: {  	s24 =	simm.s32 $0xAF00;
	[tilespmem:v8+s3+$0x0] =	vst.idx.add.f32.msk $0xffff, v12  }
0x4ac: {  	s15 =	simm.s32 $0xB400;
	[tilespmem:v8+s24+$0x0] =	vst.idx.add.f32.msk $0xffff, v13  }
0x4ad: {  	s29 =	simm.s32 $0xB900;
	[tilespmem:v8+s15+$0x0] =	vst.idx.add.f32.msk $0xffff, v14  }
0x4ae: {  	s2 =	simm.s32 $0xBE00;
	[tilespmem:v8+s29+$0x0] =	vst.idx.add.f32.msk $0xffff, v15  }
0x4af: {  	s1 =	simm.s32 $0xC300;
	[tilespmem:v8+s2+$0x0] =	vst.idx.add.f32.msk $0xffff, v16  }
0x4b0: {  	s30 =	simm.s32 $0xC800;
	[tilespmem:v8+s1+$0x0] =	vst.idx.add.f32.msk $0xffff, v17  }
0x4b1: {  	s21 =	simm.s32 $0xCD00;
	[tilespmem:v8+s30+$0x0] =	vst.idx.add.f32.msk $0xffff, v18  }
0x4b2: {  	[tilespmem:v8+s21+$0x0] =	vst.idx.add.f32.msk $0xffff, v19  }
0x4b3: {  	s21 =	simm.s32 $0xD700;
	[tilespmem:v8+s31+$0x0] =	vst.idx.add.f32.msk $0xffff, v20  }
0x4b4: {  	[tilespmem:v8+s21+$0x0] =	vst.idx.add.f32.msk $0xffff, v21;
	s21 =	simm.s32 $0xDC00  }
0x4b5: {  	[tilespmem:v8+s21+$0x0] =	vst.idx.add.f32.msk $0xffff, v22;
	s21 =	simm.s32 $0xE100  }
0x4b6: {  	[tilespmem:v8+s21+$0x0] =	vst.idx.add.f32.msk $0xffff, v23  }
0x4b7: {  	v8 =	vld.idx.msk [tilespmem:v3+s0+$0x0], $0xffff  }
0x4b8: {  	s31 =	simm.s32 $0x4600;
	v9 =	vld.idx.msk [tilespmem:v11+s6+$0x0], $0xffff  }
0x4b9: {  	s6 =	simm.s32 $0x4B00;
	v10 =	vld.idx.msk [tilespmem:v11+s5+$0x0], $0xffff  }
0x4ba: {  	s5 =	simm.s32 $0x5000;
	v12 =	vld.idx.msk [tilespmem:v11+s7+$0x0], $0xffff  }
0x4bb: {  	s7 =	simm.s32 $0x5500;
	v13 =	vld.idx.msk [tilespmem:v11+s9+$0x0], $0xffff  }
0x4bc: {  	s9 =	simm.s32 $0x5A00;
	v14 =	vld.idx.msk [tilespmem:v11+s11+$0x0], $0xffff  }
0x4bd: {  	s11 =	simm.s32 $0x5F00;
	v15 =	vld.idx.msk [tilespmem:v11+s12+$0x0], $0xffff  }
0x4be: {  	s12 =	simm.s32 $0x6400;
	v16 =	vld.idx.msk [tilespmem:v11+s13+$0x0], $0xffff  }
0x4bf: {  	s13 =	simm.s32 $0x6900;
	v17 =	vld.idx.msk [tilespmem:v11+s14+$0x0], $0xffff  }
0x4c0: {  	s14 =	simm.s32 $0x6E00;
	v18 =	vld.idx.msk [tilespmem:v11+s16+$0x0], $0xffff  }
0x4c1: {  	s21 =	simm.s32 $0x7300;
	v19 =	vld.idx.msk [tilespmem:v11+s18+$0x0], $0xffff  }
0x4c2: {  	s16 =	simm.s32 $0x7800;
	v20 =	vld.idx.msk [tilespmem:v11+s17+$0x0], $0xffff  }
0x4c3: {  	s17 =	simm.s32 $0x7D00;
	v21 =	vld.idx.msk [tilespmem:v11+s22+$0x0], $0xffff  }
0x4c4: {  	s18 =	simm.s32 $0x8200;
	v4 =	vld.idx.msk [tilespmem:v11+s25+$0x0], $0xffff  }
0x4c5: {  	s0 =	simm.s32 $0x8700;
	v5 =	vld.idx.msk [tilespmem:v11+s4+$0x0], $0xffff  }
0x4c6: {  	s4 =	simm.s32 $0x8C00;
	v6 =	vld.idx.msk [tilespmem:v11+s8+$0x0], $0xffff  }
0x4c7: {  	s8 =	simm.s32 $0x9100;
	v7 =	vld.idx.msk [tilespmem:v11+s10+$0x0], $0xffff;
	s10 =	simm.s32 $0x3C00  }
0x4c8: {  	[tilespmem:v11+s10+$0x0] =	vst.idx.add.f32.msk $0xffff, v8;
	s10 =	simm.s32 $0x9600  }
0x4c9: {  	[tilespmem:v3+s10+$0x0] =	vst.idx.add.f32.msk $0xffff, v9;
	s10 =	simm.s32 $0x9B00  }
0x4ca: {  	s25 =	simm.s32 $0x9B00;
	[tilespmem:v3+s10+$0x0] =	vst.idx.add.f32.msk $0xffff, v10  }
0x4cb: {  	s10 =	simm.s32 $0xA000;
	[tilespmem:v3+s26+$0x0] =	vst.idx.add.f32.msk $0xffff, v12  }
0x4cc: {  	s22 =	simm.s32 $0xA500;
	[tilespmem:v3+s28+$0x0] =	vst.idx.add.f32.msk $0xffff, v13  }
0x4cd: {  	s26 =	simm.s32 $0xAA00;
	[tilespmem:v3+s3+$0x0] =	vst.idx.add.f32.msk $0xffff, v14  }
0x4ce: {  	s28 =	simm.s32 $0xAF00;
	[tilespmem:v3+s24+$0x0] =	vst.idx.add.f32.msk $0xffff, v15  }
0x4cf: {  	s3 =	simm.s32 $0xB400;
	[tilespmem:v3+s15+$0x0] =	vst.idx.add.f32.msk $0xffff, v16  }
.Ltmp14:
0x4d0: {  	s15 =	simm.s32 $0xB900;
	[tilespmem:v3+s29+$0x0] =	vst.idx.add.f32.msk $0xffff, v17;
	(pc) =	sbr.rel @p1 .LBB2_26-.Ltmp14, $4  }
0x4d1: {  	s24 =	simm.s32 $0xBE00;
	[tilespmem:v3+s2+$0x0] =	vst.idx.add.f32.msk $0xffff, v18  }
0x4d2: {  	s2 =	simm.s32 $0xC300;
	[tilespmem:v3+s1+$0x0] =	vst.idx.add.f32.msk $0xffff, v19  }
0x4d3: {  	s29 =	simm.s32 $0xC800;
	s1 =	simm.s32 $0xCD00;
	[tilespmem:v3+s30+$0x0] =	vst.idx.add.f32.msk $0xffff, v20  }
0x4d4: {  	s23 =	sadd.s32 $0x20, s23;
	s30 =	simm.s32 $0xCD00;
	[tilespmem:v3+s1+$0x0] =	vst.idx.add.f32.msk $0xffff, v21  }
0x4d5: {  	_ =	sdelay $0x2  }
0x4d6: {  	s19 =	simm.s32 $0xD200  }
0x4d7: {  	s20 =	simm.s32 $0xD700;
	[tilespmem:v3+s19+$0x0] =	vst.idx.add.f32.msk $0xffff, v4  }
0x4d8: {  	s23 =	simm.s32 $0xDC00;
	[tilespmem:v3+s20+$0x0] =	vst.idx.add.f32.msk $0xffff, v5  }
0x4d9: {  	s1 =	simm.s32 $0xE100;
	[tilespmem:v3+s23+$0x0] =	vst.idx.add.f32.msk $0xffff, v6  }
0x4da: {  	[tilespmem:v3+s1+$0x0] =	vst.idx.add.f32.msk $0xffff, v7  }
0x4db: {  	v3 =	vld [tilespmem:$0x2780]  }
0x4dc: {  	v4 =	vld [tilespmem:$0x1380];
	_ =	sdelay $0x5  }
0x4dd: {  	s1 =	simm.s32 $0x3700  }
0x4de: {  	v5 =	vld.idx.msk [tilespmem:v3+s1+$0x0], $0xffff  }
0x4df: {  	v6 =	vld.idx.msk [tilespmem:v4+s31+$0x0], $0xffff  }
0x4e0: {  	v7 =	vld.idx.msk [tilespmem:v4+s6+$0x0], $0xffff  }
0x4e1: {  	v8 =	vld.idx.msk [tilespmem:v4+s5+$0x0], $0xffff  }
0x4e2: {  	v9 =	vld.idx.msk [tilespmem:v4+s7+$0x0], $0xffff  }
0x4e3: {  	v10 =	vld.idx.msk [tilespmem:v4+s9+$0x0], $0xffff  }
0x4e4: {  	v11 =	vld.idx.msk [tilespmem:v4+s11+$0x0], $0xffff  }
0x4e5: {  	v12 =	vld.idx.msk [tilespmem:v4+s12+$0x0], $0xffff  }
0x4e6: {  	v13 =	vld.idx.msk [tilespmem:v4+s13+$0x0], $0xffff  }
0x4e7: {  	v14 =	vld.idx.msk [tilespmem:v4+s14+$0x0], $0xffff  }
0x4e8: {  	v15 =	vld.idx.msk [tilespmem:v4+s21+$0x0], $0xffff  }
0x4e9: {  	v16 =	vld.idx.msk [tilespmem:v4+s16+$0x0], $0xffff  }
0x4ea: {  	v17 =	vld.idx.msk [tilespmem:v4+s17+$0x0], $0xffff  }
0x4eb: {  	v18 =	vld.idx.msk [tilespmem:v4+s18+$0x0], $0xffff  }
0x4ec: {  	v19 =	vld.idx.msk [tilespmem:v4+s0+$0x0], $0xffff  }
0x4ed: {  	v20 =	vld.idx.msk [tilespmem:v4+s4+$0x0], $0xffff  }
0x4ee: {  	v21 =	vld.idx.msk [tilespmem:v4+s8+$0x0], $0xffff;
	s18 =	simm.s32 $0x3C00  }
0x4ef: {  	s21 =	simm.s32 $0x9600;
	[tilespmem:v4+s18+$0x0] =	vst.idx.add.f32.msk $0xff, v5  }
0x4f0: {  	[tilespmem:v3+s21+$0x0] =	vst.idx.add.f32.msk $0xff, v6  }
0x4f1: {  	[tilespmem:v3+s25+$0x0] =	vst.idx.add.f32.msk $0xff, v7  }
0x4f2: {  	[tilespmem:v3+s10+$0x0] =	vst.idx.add.f32.msk $0xff, v8  }
0x4f3: {  	[tilespmem:v3+s22+$0x0] =	vst.idx.add.f32.msk $0xff, v9  }
0x4f4: {  	[tilespmem:v3+s26+$0x0] =	vst.idx.add.f32.msk $0xff, v10  }
0x4f5: {  	[tilespmem:v3+s28+$0x0] =	vst.idx.add.f32.msk $0xff, v11  }
0x4f6: {  	[tilespmem:v3+s3+$0x0] =	vst.idx.add.f32.msk $0xff, v12  }
0x4f7: {  	[tilespmem:v3+s15+$0x0] =	vst.idx.add.f32.msk $0xff, v13  }
0x4f8: {  	[tilespmem:v3+s24+$0x0] =	vst.idx.add.f32.msk $0xff, v14  }
0x4f9: {  	[tilespmem:v3+s2+$0x0] =	vst.idx.add.f32.msk $0xff, v15  }
0x4fa: {  	[tilespmem:v3+s29+$0x0] =	vst.idx.add.f32.msk $0xff, v16  }
0x4fb: {  	[tilespmem:v3+s30+$0x0] =	vst.idx.add.f32.msk $0xff, v17  }
0x4fc: {  	[tilespmem:v3+s19+$0x0] =	vst.idx.add.f32.msk $0xff, v18  }
0x4fd: {  	[tilespmem:v3+s20+$0x0] =	vst.idx.add.f32.msk $0xff, v19  }
0x4fe: {  	s29 =	simm.s32 $0xE100;
	[tilespmem:v3+s23+$0x0] =	vst.idx.add.f32.msk $0xff, v20  }
0x4ff: {  	s30 =	rddreg [dreg:$0x11];
	s19 =	simm.s32 $0x0;
	s20 =	simm.s32 $0x1;
	[tilespmem:v3+s29+$0x0] =	vst.idx.add.f32.msk $0xff, v21  }
0x500: {  	[hbm4b:s30+s19] =	stream.linear.scatter [tilespmem:s21], [sflag:$0x1], $0x5000, $0x38;
	[tilespmem:$0xF000] =	vst v63  }
0x501: {  	_ =	swait.ge [sflag:s20], $0x5000  }
0x502: {  	[sflag:s20] =	ssyncset.done $0x0  }
.Ltmp15:
0x503: {  	s31 =	rddreg [dreg:$0x12];
	[sflag:s20] =	ssyncadd.s32 $0xFFFFB000;
	(pc) =	sbr.rel @p0 .LBB2_31-.Ltmp15, $4  }
0x504: {  	[hbm4b:s31+s19] =	stream.linear.scatter [tilespmem:s18], [sflag:$0x1], $0x500, $0x38;
	[tilespmem:$0xF000] =	vst v63  }
0x505: {  	_ =	swait.ge [sflag:s20], $0x500  }
0x506: {  	s0 =	simm.s32 $0x2800;
	s1 =	simm.s32 $0x2D00;
	[sflag:s20] =	ssyncset.done $0x0  }
0x507: {  	s23 =	simm.s32 $0x4100;
	s3 =	rddreg [dreg:$0x16];
	[sflag:s20] =	ssyncadd.s32 $0xFFFFFB00  }
0x508: {  	s4 =	simm.s32 $0x0;
	s5 =	rddreg [dreg:$0x13];
	s2 =	simm.s32 $0x3700  }
0x509: {  	[hbm4b:s5+s4] =	stream.linear.scatter [tilespmem:s2], [sflag:$0x1], $0x500, $0x38;
	[tilespmem:$0xF000] =	vst v63  }
0x50a: {  	_ =	swait.ge [sflag:s20], $0x500  }
0x50b: {  	[sflag:s20] =	ssyncset.done $0x0  }
0x50c: {  	s4 =	simm.s32 $0x0;
	[sflag:s20] =	ssyncadd.s32 $0xFFFFFB00  }
0x50d: {  	v3 =	vld [tilespmem:s4+$0x2D00]  }
0x50e: {  	s5 =	simm.s32 $0x40  }
.LBB2_29:
0x50f: {  	p1 =	sne.s32 s5, $0x13C0  }
.Ltmp16:
0x510: {  	_ = 	snop;
	(pc) =	sbr.rel @p1 .LBB2_29-.Ltmp16, $4  }
0x511: {  	_ = 	snop  }
0x512: {  	s7 =	sshra.s32 s5, $0x2;
	s5 =	sadd.s32 $0x40, s5;
	vm1 =	veq.f32 v3, $0.0e+00  }
0x513: {  	v3 =	vld [tilespmem:s7+$0x2D00];
	v4 =	vsel vm1, $0x3F800000, v1  }
0x514: {  	[tilespmem:s4+$0x4100] =	vst v4;
	s4 =	smov.u32 s7  }
.Ltmp17:
0x515: {  	_ = 	snop;
	(pc) =	sbr.rel .LBB2_30-.Ltmp17, $1  }
0x516: {  	_ =	sdelay $0x3  }
.LBB2_32:
0x517: {  	_ =	sfence.sel $0x180000  }
0x518: {  	[bflag:$0x0] =	sbarrier.arrive $0xFFFF  }
0x519: {  	_ =	strace $0x90000047  }
0x51a: {  	s0 =	stileid.u32;
	[bflag:$0x2] =	sbarrier.arrive $0xFFFF  }
0x51b: {  	p0 =	sne.s32 s0, $0x0;
	s0 =	rddreg [dreg:$0x2]  }
0x51c: {  	s0 =	sadd.s32 @!p0 $0x100000, s0  }
0x51d: {  	[sflag:s0] =	ssyncadd.tile.s32 @!p0 $0x1;
	_ =	shalt  }
.Lfunc_end2:
_tile_overlayer_lowered:
.L_overlay_start_2:
0x51e: {  	(tag) =	ssettag $0x2  }
0x51f: {  	s0 =	rddreg [dreg:$0x0];
	s2 =	stileid.u32  }
0x520: {  	s1 =	rddreg [dreg:$0x1];
	p0 =	sne.s32 s2, $0x0  }
0x521: {  	s3 =	rddreg [dreg:$0x2];
	[bflag:$0x3] =	sbarrier.arrive $0xFFFF;
	s2 =	simm.s32 @!p0 $0x1C01  }
0x522: {  	[timem:s3], [sflag:s2] =	dma.local @!p0 [hbm:s0], s1  }
0x523: {  	s0 =	simm.s32 @!p0 $0x1  }
0x524: {  	_ =	swait.ge @!p0 [sflag:s0], s1  }
0x525: {  	s1 =	ssub.s32 @!p0 $0x0, s1;
	[sflag:s0] =	ssyncset.done @!p0 $0x0  }
0x526: {  	[sflag:s0] =	ssyncadd.s32 @!p0 s1  }
0x527: {  	[bflag:$0x3] =	sbarrier.arrive $0xFFFF  }
0x528: {  	_ =	shalt  }

</sc_bundles>
